<compile_context>
chip_gen: v7x
topology: tpu7x:2x2x1
jax: 0.10.2.dev20260603
libtpu: 0.0.44.dev20260713+nightly
codegen_flags: <defaults>
</compile_context>

<pallas_src>
import dataclasses
import functools

import jax
import jax.numpy as jnp
from jax import lax
from jax.experimental import pallas as pl
from jax.experimental.pallas import tpu as pltpu
from jax.experimental.pallas import tpu_sc as plsc

_N = 100000
_D = 128
_DEG = 16
_NB = 4096
_BS = 32

_W = 32
_ABLK = 20480
_NPAD = 5 * _ABLK
_NPW = _NPAD // _W
_CHB = 640
_BPW = _NB // _W
_L = 16
_TSTART = (_N // 128) * 128
_TW = 128


def _compiler_params():
    cp = pltpu.CompilerParams()
    if "needs_layout_passes" in pltpu.CompilerParams.__dataclass_fields__:
        cp = dataclasses.replace(cp, needs_layout_passes=False)
    return cp



def _proj_body(x_ref, t_ref, h_ref):
    h = lax.dot_general(
        t_ref[...], x_ref[...], (((0,), (1,)), ((), ())),
        preferred_element_type=jnp.float32)
    h_ref[...] = h[0, :]


_proj = pl.pallas_call(
    _proj_body,
    grid=(_NPAD // _ABLK,),
    in_specs=[
        pl.BlockSpec((_ABLK, _D), lambda i: (i, 0)),
        pl.BlockSpec((_D, 1), lambda i: (0, 0)),
    ],
    out_specs=pl.BlockSpec((_ABLK,), lambda i: (i,)),
    out_shape=jax.ShapeDtypeStruct((_NPAD,), jnp.float32),
    compiler_params=pltpu.CompilerParams(
        dimension_semantics=("parallel",)),
)



def _make_ns_kernel():
    mesh = plsc.VectorSubcoreMesh(core_axis_name="c", subcore_axis_name="s")

    @functools.partial(
        pl.kernel,
        out_type=jax.ShapeDtypeStruct((_NPAD,), jnp.float32),
        mesh=mesh,
        compiler_params=_compiler_params(),
        scratch_types=[
            pltpu.VMEM((_N,), jnp.float32),
            pltpu.VMEM((_DEG, _CHB), jnp.int32),
            pltpu.VMEM((_DEG, _CHB), jnp.int32),
            pltpu.VMEM((_CHB,), jnp.float32),
            pltpu.VMEM((_DEG, _TW), jnp.int32),
            pltpu.VMEM((_TW,), jnp.float32),
            pltpu.SemaphoreType.DMA,
            pltpu.SemaphoreType.DMA,
            pltpu.SemaphoreType.DMA,
        ],
    )
    def ns_kernel(nbrT_hbm, tail_hbm, nw_hbm, out_hbm, nw_v, nbr0_v, nbr1_v,
                  o_v, t_v, to_v, sem_nw, sem0, sem1):
        wid = lax.axis_index("s") * 2 + lax.axis_index("c")
        nw_cps = []
        for st, ln in ((0, 25088), (25088, 25088), (50176, 25088),
                       (75264, _N - 75264)):
            nw_cps.append(pltpu.async_copy(
                nw_hbm.at[pl.ds(st, ln)], nw_v.at[pl.ds(st, ln)], sem_nw))
        base0 = wid * _NPW
        nchunks = _NPW // _CHB
        bufs = (nbr0_v, nbr1_v)
        sems = (sem0, sem1)

        def chunk_base(c):
            return jnp.minimum(base0 + c * _CHB, _TSTART - _CHB)

        cps = [None, None]
        cps[0] = pltpu.async_copy(
            nbrT_hbm.at[:, pl.ds(chunk_base(0), _CHB)], bufs[0], sems[0])
        for cp in nw_cps:
            cp.wait()
        for c in range(nchunks):
            if c + 1 < nchunks:
                nxt = (c + 1) % 2
                cps[nxt] = pltpu.async_copy(
                    nbrT_hbm.at[:, pl.ds(chunk_base(c + 1), _CHB)],
                    bufs[nxt], sems[nxt])
            cps[c % 2].wait()
            nbr_v = bufs[c % 2]

            @pl.loop(0, _CHB // _L)
            def _(i):
                o = i * _L
                accs = [plsc.load_gather(nw_v, [nbr_v[d, pl.ds(o, _L)]])
                        for d in range(4)]
                for d in range(4, _DEG):
                    accs[d % 4] = accs[d % 4] + plsc.load_gather(
                        nw_v, [nbr_v[d, pl.ds(o, _L)]])
                o_v[pl.ds(o, _L)] = ((accs[0] + accs[1])
                                     + (accs[2] + accs[3]))

            pltpu.sync_copy(o_v, out_hbm.at[pl.ds(chunk_base(c), _CHB)])

        @pl.when(wid == _W - 1)
        def _():
            pltpu.sync_copy(tail_hbm, t_v)

            @pl.loop(0, _TW // _L)
            def _(i):
                o = i * _L
                acc = plsc.load_gather(nw_v, [t_v[0, pl.ds(o, _L)]])
                for d in range(1, _DEG):
                    acc = acc + plsc.load_gather(nw_v,
                                                 [t_v[d, pl.ds(o, _L)]])
                to_v[pl.ds(o, _L)] = acc

            pltpu.sync_copy(to_v, out_hbm.at[pl.ds(_TSTART, _TW)])

    return ns_kernel


_ns_cache = functools.cache(_make_ns_kernel)



def _mul_body(h_ref, ns_ref, out_ref):
    out_ref[...] = h_ref[...] * ns_ref[...]


_mul = pl.pallas_call(
    _mul_body,
    out_shape=jax.ShapeDtypeStruct((_NPAD,), jnp.float32),
)



def _make_score_kernel():
    mesh = plsc.VectorSubcoreMesh(core_axis_name="c", subcore_axis_name="s")

    @functools.partial(
        pl.kernel,
        out_type=jax.ShapeDtypeStruct((_NB,), jnp.float32),
        mesh=mesh,
        compiler_params=_compiler_params(),
        scratch_types=[
            pltpu.VMEM((_NPAD,), jnp.float32),
            pltpu.VMEM((_BS, _BPW), jnp.int32),
            pltpu.VMEM((_BS, _BPW), jnp.float32),
            pltpu.VMEM((_BPW,), jnp.float32),
            pltpu.SemaphoreType.DMA,
        ],
    )
    def score_kernel(comb_hbm, bagsT_hbm, alphaT_hbm, out_hbm, tab_v, idx_v,
                     a_v, o_v, sem):
        wid = lax.axis_index("s") * 2 + lax.axis_index("c")
        base = wid * _BPW
        tab_cps = [
            pltpu.async_copy(comb_hbm.at[pl.ds(k * (_NPAD // 4), _NPAD // 4)],
                             tab_v.at[pl.ds(k * (_NPAD // 4), _NPAD // 4)],
                             sem)
            for k in range(4)]
        pltpu.sync_copy(bagsT_hbm.at[:, pl.ds(base, _BPW)], idx_v)
        pltpu.sync_copy(alphaT_hbm.at[:, pl.ds(base, _BPW)], a_v)
        for cp in tab_cps:
            cp.wait()

        @pl.loop(0, _BPW // _L)
        def _(i):
            o = i * _L
            acc = (plsc.load_gather(tab_v, [idx_v[0, pl.ds(o, _L)]])
                   * a_v[0, pl.ds(o, _L)])
            for j in range(1, _BS):
                acc = acc + (plsc.load_gather(tab_v, [idx_v[j, pl.ds(o, _L)]])
                             * a_v[j, pl.ds(o, _L)])
            o_v[pl.ds(o, _L)] = acc

        pltpu.sync_copy(o_v, out_hbm.at[pl.ds(base, _BPW)])

    return score_kernel


_score_cache = functools.cache(_make_score_kernel)



def kernel(x, sampled_bags, alpha_values, theta_w, node_weights, neighbors):
    h = _proj(x, theta_w)
    nbrT = neighbors.T
    tail = jnp.pad(neighbors[_TSTART:].T,
                   ((0, 0), (0, _TW - (_N - _TSTART))))
    ns = _ns_cache()(nbrT, tail, node_weights)
    comb = _mul(h, ns)
    bagsT = sampled_bags.T
    alphaT = alpha_values[:, :, 0].T
    return _score_cache()(comb, bagsT, alphaT)

# --- scband reference (transcript-rebuilt; emitter-appended) ---
"""Pipeline reference for scband-scoring-function-1675037245543 (READ-ONLY COPY).

The authoritative reference and input builder live on the scoring server;
editing this copy changes nothing except your own understanding.
"""

import jax, jax.numpy as jnp
import numpy as np

N_NODES = 100000
D_FEAT = 128
DEG = 16
N_BAGS = 4096
BAG_SIZE = 32


def setup_inputs(seed: int = 0) -> dict:
    key = jax.random.key(seed)
    ks = jax.random.split(key, 6)
    x = jax.random.normal(ks[0], (N_NODES, D_FEAT), dtype=jnp.float32)
    sampled_bags = jax.random.randint(ks[1], (N_BAGS, BAG_SIZE), 0, N_NODES, dtype=jnp.int32)
    alpha_values = jax.random.uniform(ks[2], (N_BAGS, BAG_SIZE, 1), dtype=jnp.float32)
    # Learned parameters: theta (Linear(in=D_FEAT, out=1, bias=False)) and node_weights (num_nodes,)
    theta_w = jax.random.normal(ks[3], (D_FEAT, 1), dtype=jnp.float32) * (1.0 / np.sqrt(D_FEAT))
    node_weights = jax.random.uniform(ks[4], (N_NODES,), dtype=jnp.float32)
    # edge_dict regularized to a fixed-degree neighbor table: node -> DEG neighbor ids
    neighbors = jax.random.randint(ks[5], (N_NODES, DEG), 0, N_NODES, dtype=jnp.int32)
    return {
        "x": x,
        "sampled_bags": sampled_bags,
        "alpha_values": alpha_values,
        "theta_w": theta_w,
        "node_weights": node_weights,
        "neighbors": neighbors,
    }


def reference(x, sampled_bags, alpha_values, theta_w, node_weights, neighbors):
    # h_values = theta(x[bag])  -> gather bag node features, project to scalar
    bag_feats = jnp.take(x, sampled_bags, axis=0)              # [B, BAG, D]
    h_values = bag_feats @ theta_w                              # [B, BAG, 1]
    # feat_values = h_values * alpha_values[j]
    feat_values = h_values * alpha_values                       # [B, BAG, 1]
    # neighbor_sums: sum of node_weights over each source node's neighbor list
    neigh_idx = jnp.take(neighbors, sampled_bags, axis=0)       # [B, BAG, DEG]
    neigh_w = jnp.take(node_weights, neigh_idx, axis=0)         # [B, BAG, DEG]
    neighbor_sum = jnp.sum(neigh_w, axis=-1)                    # [B, BAG]
    # predictions[j] = sum(neighbor_sum * feat_values)
    predictions = jnp.sum(neighbor_sum * feat_values[..., 0], axis=-1)  # [B]
    return predictions

if __name__ == "__main__":
    import jax
    _d = setup_inputs()
    print(jax.jit(kernel)(*tuple(_d.values())))

</pallas_src>

<mosaic_0001>
#map = affine_map<(d0, d1) -> (0)>
#map1 = affine_map<(d0, d1) -> (0, 0)>
module attributes {stable_mosaic.version = 14 : i64} {
  func.func @score_kernel(%arg0: i32, %arg1: i32, %arg2: memref<102400xf32, #tpu.memory_space<hbm>>, %arg3: memref<32x4096xi32, #tpu.memory_space<hbm>>, %arg4: memref<32x4096xf32, #tpu.memory_space<hbm>>, %arg5: memref<4096xf32, #tpu.memory_space<hbm>>, %arg6: memref<102400xf32, #tpu.memory_space<vmem>>, %arg7: memref<32x128xi32, #tpu.memory_space<vmem>>, %arg8: memref<32x128xf32, #tpu.memory_space<vmem>>, %arg9: memref<128xf32, #tpu.memory_space<vmem>>, %arg10: memref<!tpu.dma_semaphore, #tpu.memory_space<semaphore_mem>>) attributes {dimension_semantics = [#tpu.dimension_semantics<core_parallel>, #tpu.dimension_semantics<subcore_parallel>], iteration_bounds = array<i64: 2, 16>, scalar_prefetch = 0 : i64, scratch_operands = 5 : i64, tpu.core_type = #tpu.core_type<sc_vector_subcore>, window_params = [{transform_indices = #map}, {transform_indices = #map1}, {transform_indices = #map1}, {transform_indices = #map}]} {
    %mul3A = arith.constant 2 : i32
    %mul3A_0 = arith.muli %arg1, %mul3A : i32
    %add3A = arith.addi %mul3A_0, %arg0 : i32
    %mul3A_1 = arith.constant 128 : i32
    %mul3A_2 = arith.muli %add3A, %mul3A_1 : i32
    %dma_start3A = arith.constant 0 : i32
    %dma_start3A_3 = tpu.memref_slice %arg6[%dma_start3A] : memref<102400xf32, #tpu.memory_space<vmem>> -> memref<25600xf32, #tpu.memory_space<vmem>>
    %dma_start3A_4 = arith.constant 0 : i32
    %dma_start3A_5 = tpu.memref_slice %arg2[%dma_start3A_4] : memref<102400xf32, #tpu.memory_space<hbm>> -> memref<25600xf32, #tpu.memory_space<hbm>>
    %dma_start3A_6 = arith.constant 0 : i32
    %dma_start3A_7 = tpu.memref_slice %arg6[%dma_start3A_6] : memref<102400xf32, #tpu.memory_space<vmem>> -> memref<25600xf32, #tpu.memory_space<vmem>>
    %dma_start3A_8 = arith.constant 0 : i32
    %dma_start3A_9 = tpu.memref_slice %arg2[%dma_start3A_8] : memref<102400xf32, #tpu.memory_space<hbm>> -> memref<25600xf32, #tpu.memory_space<hbm>>
    tpu.enqueue_dma source(%dma_start3A_9 : memref<25600xf32, #tpu.memory_space<hbm>>) target(%dma_start3A_7 : memref<25600xf32, #tpu.memory_space<vmem>>) target_semaphore(%arg10 : memref<!tpu.dma_semaphore, #tpu.memory_space<semaphore_mem>>)
    %dma_start3A_10 = arith.constant 25600 : i32
    %dma_start3A_11 = tpu.memref_slice %arg6[%dma_start3A_10] : memref<102400xf32, #tpu.memory_space<vmem>> -> memref<25600xf32, #tpu.memory_space<vmem>>
    %dma_start3A_12 = arith.constant 25600 : i32
    %dma_start3A_13 = tpu.memref_slice %arg2[%dma_start3A_12] : memref<102400xf32, #tpu.memory_space<hbm>> -> memref<25600xf32, #tpu.memory_space<hbm>>
    %dma_start3A_14 = arith.constant 25600 : i32
    %dma_start3A_15 = tpu.memref_slice %arg6[%dma_start3A_14] : memref<102400xf32, #tpu.memory_space<vmem>> -> memref<25600xf32, #tpu.memory_space<vmem>>
    %dma_start3A_16 = arith.constant 25600 : i32
    %dma_start3A_17 = tpu.memref_slice %arg2[%dma_start3A_16] : memref<102400xf32, #tpu.memory_space<hbm>> -> memref<25600xf32, #tpu.memory_space<hbm>>
    tpu.enqueue_dma source(%dma_start3A_17 : memref<25600xf32, #tpu.memory_space<hbm>>) target(%dma_start3A_15 : memref<25600xf32, #tpu.memory_space<vmem>>) target_semaphore(%arg10 : memref<!tpu.dma_semaphore, #tpu.memory_space<semaphore_mem>>)
    %dma_start3A_18 = arith.constant 51200 : i32
    %dma_start3A_19 = tpu.memref_slice %arg6[%dma_start3A_18] : memref<102400xf32, #tpu.memory_space<vmem>> -> memref<25600xf32, #tpu.memory_space<vmem>>
    %dma_start3A_20 = arith.constant 51200 : i32
    %dma_start3A_21 = tpu.memref_slice %arg2[%dma_start3A_20] : memref<102400xf32, #tpu.memory_space<hbm>> -> memref<25600xf32, #tpu.memory_space<hbm>>
    %dma_start3A_22 = arith.constant 51200 : i32
    %dma_start3A_23 = tpu.memref_slice %arg6[%dma_start3A_22] : memref<102400xf32, #tpu.memory_space<vmem>> -> memref<25600xf32, #tpu.memory_space<vmem>>
    %dma_start3A_24 = arith.constant 51200 : i32
    %dma_start3A_25 = tpu.memref_slice %arg2[%dma_start3A_24] : memref<102400xf32, #tpu.memory_space<hbm>> -> memref<25600xf32, #tpu.memory_space<hbm>>
    tpu.enqueue_dma source(%dma_start3A_25 : memref<25600xf32, #tpu.memory_space<hbm>>) target(%dma_start3A_23 : memref<25600xf32, #tpu.memory_space<vmem>>) target_semaphore(%arg10 : memref<!tpu.dma_semaphore, #tpu.memory_space<semaphore_mem>>)
    %dma_start3A_26 = arith.constant 76800 : i32
    %dma_start3A_27 = tpu.memref_slice %arg6[%dma_start3A_26] : memref<102400xf32, #tpu.memory_space<vmem>> -> memref<25600xf32, #tpu.memory_space<vmem>>
    %dma_start3A_28 = arith.constant 76800 : i32
    %dma_start3A_29 = tpu.memref_slice %arg2[%dma_start3A_28] : memref<102400xf32, #tpu.memory_space<hbm>> -> memref<25600xf32, #tpu.memory_space<hbm>>
    %dma_start3A_30 = arith.constant 76800 : i32
    %dma_start3A_31 = tpu.memref_slice %arg6[%dma_start3A_30] : memref<102400xf32, #tpu.memory_space<vmem>> -> memref<25600xf32, #tpu.memory_space<vmem>>
    %dma_start3A_32 = arith.constant 76800 : i32
    %dma_start3A_33 = tpu.memref_slice %arg2[%dma_start3A_32] : memref<102400xf32, #tpu.memory_space<hbm>> -> memref<25600xf32, #tpu.memory_space<hbm>>
    tpu.enqueue_dma source(%dma_start3A_33 : memref<25600xf32, #tpu.memory_space<hbm>>) target(%dma_start3A_31 : memref<25600xf32, #tpu.memory_space<vmem>>) target_semaphore(%arg10 : memref<!tpu.dma_semaphore, #tpu.memory_space<semaphore_mem>>)
    "tpu.region"() ({
      %run_scoped3A = tpu.sem_alloc : memref<!tpu.dma_semaphore, #tpu.memory_space<semaphore_mem>>
      %dma_start3A_69 = arith.constant 0 : i32
      %dma_start3A_70 = tpu.memref_slice %arg3[%dma_start3A_69, %mul3A_2] : memref<32x4096xi32, #tpu.memory_space<hbm>> -> memref<32x128xi32, #tpu.memory_space<hbm>>
      %dma_start3A_71 = arith.constant 0 : i32
      %dma_start3A_72 = tpu.memref_slice %arg3[%dma_start3A_71, %mul3A_2] : memref<32x4096xi32, #tpu.memory_space<hbm>> -> memref<32x128xi32, #tpu.memory_space<hbm>>
      tpu.enqueue_dma source(%dma_start3A_72 : memref<32x128xi32, #tpu.memory_space<hbm>>) target(%arg7 : memref<32x128xi32, #tpu.memory_space<vmem>>) target_semaphore(%run_scoped3A : memref<!tpu.dma_semaphore, #tpu.memory_space<semaphore_mem>>)
      %dma_wait3A_73 = arith.constant 0 : i32
      %dma_wait3A_74 = tpu.memref_slice %arg3[%dma_wait3A_73, %mul3A_2] : memref<32x4096xi32, #tpu.memory_space<hbm>> -> memref<32x128xi32, #tpu.memory_space<hbm>>
      %dma_wait3A_75 = arith.constant 0 : i32
      %dma_wait3A_76 = tpu.memref_slice %arg3[%dma_wait3A_75, %mul3A_2] : memref<32x4096xi32, #tpu.memory_space<hbm>> -> memref<32x128xi32, #tpu.memory_space<hbm>>
      tpu.wait_dma2 semaphore(%run_scoped3A : memref<!tpu.dma_semaphore, #tpu.memory_space<semaphore_mem>>) src(%dma_wait3A_76 : memref<32x128xi32, #tpu.memory_space<hbm>>) dst(%arg7 : memref<32x128xi32, #tpu.memory_space<vmem>>)
      tpu.yield
    }) : () -> ()
    "tpu.region"() ({
      %run_scoped3A = tpu.sem_alloc : memref<!tpu.dma_semaphore, #tpu.memory_space<semaphore_mem>>
      %dma_start3A_69 = arith.constant 0 : i32
      %dma_start3A_70 = tpu.memref_slice %arg4[%dma_start3A_69, %mul3A_2] : memref<32x4096xf32, #tpu.memory_space<hbm>> -> memref<32x128xf32, #tpu.memory_space<hbm>>
      %dma_start3A_71 = arith.constant 0 : i32
      %dma_start3A_72 = tpu.memref_slice %arg4[%dma_start3A_71, %mul3A_2] : memref<32x4096xf32, #tpu.memory_space<hbm>> -> memref<32x128xf32, #tpu.memory_space<hbm>>
      tpu.enqueue_dma source(%dma_start3A_72 : memref<32x128xf32, #tpu.memory_space<hbm>>) target(%arg8 : memref<32x128xf32, #tpu.memory_space<vmem>>) target_semaphore(%run_scoped3A : memref<!tpu.dma_semaphore, #tpu.memory_space<semaphore_mem>>)
      %dma_wait3A_73 = arith.constant 0 : i32
      %dma_wait3A_74 = tpu.memref_slice %arg4[%dma_wait3A_73, %mul3A_2] : memref<32x4096xf32, #tpu.memory_space<hbm>> -> memref<32x128xf32, #tpu.memory_space<hbm>>
      %dma_wait3A_75 = arith.constant 0 : i32
      %dma_wait3A_76 = tpu.memref_slice %arg4[%dma_wait3A_75, %mul3A_2] : memref<32x4096xf32, #tpu.memory_space<hbm>> -> memref<32x128xf32, #tpu.memory_space<hbm>>
      tpu.wait_dma2 semaphore(%run_scoped3A : memref<!tpu.dma_semaphore, #tpu.memory_space<semaphore_mem>>) src(%dma_wait3A_76 : memref<32x128xf32, #tpu.memory_space<hbm>>) dst(%arg8 : memref<32x128xf32, #tpu.memory_space<vmem>>)
      tpu.yield
    }) : () -> ()
    %dma_wait3A = arith.constant 0 : i32
    %dma_wait3A_34 = tpu.memref_slice %arg6[%dma_wait3A] : memref<102400xf32, #tpu.memory_space<vmem>> -> memref<25600xf32, #tpu.memory_space<vmem>>
    %dma_wait3A_35 = arith.constant 0 : i32
    %dma_wait3A_36 = tpu.memref_slice %arg2[%dma_wait3A_35] : memref<102400xf32, #tpu.memory_space<hbm>> -> memref<25600xf32, #tpu.memory_space<hbm>>
    %dma_wait3A_37 = arith.constant 0 : i32
    %dma_wait3A_38 = tpu.memref_slice %arg6[%dma_wait3A_37] : memref<102400xf32, #tpu.memory_space<vmem>> -> memref<25600xf32, #tpu.memory_space<vmem>>
    %dma_wait3A_39 = arith.constant 0 : i32
    %dma_wait3A_40 = tpu.memref_slice %arg2[%dma_wait3A_39] : memref<102400xf32, #tpu.memory_space<hbm>> -> memref<25600xf32, #tpu.memory_space<hbm>>
    tpu.wait_dma2 semaphore(%arg10 : memref<!tpu.dma_semaphore, #tpu.memory_space<semaphore_mem>>) src(%dma_wait3A_40 : memref<25600xf32, #tpu.memory_space<hbm>>) dst(%dma_wait3A_38 : memref<25600xf32, #tpu.memory_space<vmem>>)
    %dma_wait3A_41 = arith.constant 25600 : i32
    %dma_wait3A_42 = tpu.memref_slice %arg6[%dma_wait3A_41] : memref<102400xf32, #tpu.memory_space<vmem>> -> memref<25600xf32, #tpu.memory_space<vmem>>
    %dma_wait3A_43 = arith.constant 25600 : i32
    %dma_wait3A_44 = tpu.memref_slice %arg2[%dma_wait3A_43] : memref<102400xf32, #tpu.memory_space<hbm>> -> memref<25600xf32, #tpu.memory_space<hbm>>
    %dma_wait3A_45 = arith.constant 25600 : i32
    %dma_wait3A_46 = tpu.memref_slice %arg6[%dma_wait3A_45] : memref<102400xf32, #tpu.memory_space<vmem>> -> memref<25600xf32, #tpu.memory_space<vmem>>
    %dma_wait3A_47 = arith.constant 25600 : i32
    %dma_wait3A_48 = tpu.memref_slice %arg2[%dma_wait3A_47] : memref<102400xf32, #tpu.memory_space<hbm>> -> memref<25600xf32, #tpu.memory_space<hbm>>
    tpu.wait_dma2 semaphore(%arg10 : memref<!tpu.dma_semaphore, #tpu.memory_space<semaphore_mem>>) src(%dma_wait3A_48 : memref<25600xf32, #tpu.memory_space<hbm>>) dst(%dma_wait3A_46 : memref<25600xf32, #tpu.memory_space<vmem>>)
    %dma_wait3A_49 = arith.constant 51200 : i32
    %dma_wait3A_50 = tpu.memref_slice %arg6[%dma_wait3A_49] : memref<102400xf32, #tpu.memory_space<vmem>> -> memref<25600xf32, #tpu.memory_space<vmem>>
    %dma_wait3A_51 = arith.constant 51200 : i32
    %dma_wait3A_52 = tpu.memref_slice %arg2[%dma_wait3A_51] : memref<102400xf32, #tpu.memory_space<hbm>> -> memref<25600xf32, #tpu.memory_space<hbm>>
    %dma_wait3A_53 = arith.constant 51200 : i32
    %dma_wait3A_54 = tpu.memref_slice %arg6[%dma_wait3A_53] : memref<102400xf32, #tpu.memory_space<vmem>> -> memref<25600xf32, #tpu.memory_space<vmem>>
    %dma_wait3A_55 = arith.constant 51200 : i32
    %dma_wait3A_56 = tpu.memref_slice %arg2[%dma_wait3A_55] : memref<102400xf32, #tpu.memory_space<hbm>> -> memref<25600xf32, #tpu.memory_space<hbm>>
    tpu.wait_dma2 semaphore(%arg10 : memref<!tpu.dma_semaphore, #tpu.memory_space<semaphore_mem>>) src(%dma_wait3A_56 : memref<25600xf32, #tpu.memory_space<hbm>>) dst(%dma_wait3A_54 : memref<25600xf32, #tpu.memory_space<vmem>>)
    %dma_wait3A_57 = arith.constant 76800 : i32
    %dma_wait3A_58 = tpu.memref_slice %arg6[%dma_wait3A_57] : memref<102400xf32, #tpu.memory_space<vmem>> -> memref<25600xf32, #tpu.memory_space<vmem>>
    %dma_wait3A_59 = arith.constant 76800 : i32
    %dma_wait3A_60 = tpu.memref_slice %arg2[%dma_wait3A_59] : memref<102400xf32, #tpu.memory_space<hbm>> -> memref<25600xf32, #tpu.memory_space<hbm>>
    %dma_wait3A_61 = arith.constant 76800 : i32
    %dma_wait3A_62 = tpu.memref_slice %arg6[%dma_wait3A_61] : memref<102400xf32, #tpu.memory_space<vmem>> -> memref<25600xf32, #tpu.memory_space<vmem>>
    %dma_wait3A_63 = arith.constant 76800 : i32
    %dma_wait3A_64 = tpu.memref_slice %arg2[%dma_wait3A_63] : memref<102400xf32, #tpu.memory_space<hbm>> -> memref<25600xf32, #tpu.memory_space<hbm>>
    tpu.wait_dma2 semaphore(%arg10 : memref<!tpu.dma_semaphore, #tpu.memory_space<semaphore_mem>>) src(%dma_wait3A_64 : memref<25600xf32, #tpu.memory_space<hbm>>) dst(%dma_wait3A_62 : memref<25600xf32, #tpu.memory_space<vmem>>)
    %scan3A = arith.constant 0 : i32
    %scan3A_65 = arith.constant 8 : i32
    %scan3A_66 = arith.addi %scan3A, %scan3A_65 : i32
    %scan3A_67 = arith.constant 1 : i32
    scf.for %scan3A_69 = %scan3A to %scan3A_66 step %scan3A_67  : i32 {
      %mul3A_70 = arith.constant 1 : i32
      %mul3A_71 = arith.muli %scan3A_69, %mul3A_70 : i32
      %add3A_72 = arith.constant 0 : i32
      %add3A_73 = arith.addi %add3A_72, %mul3A_71 : i32
      %mul3A_74 = arith.constant 16 : i32
      %mul3A_75 = arith.muli %add3A_73, %mul3A_74 : i32
      %get3A = arith.constant 0 : i32
      %get3A_76 = arith.index_cast %get3A : i32 to index
      %get3A_77 = arith.index_cast %mul3A_75 : i32 to index
      %get3A_78 = tpu.vector_load %arg7[%get3A_76, %get3A_77] {strides = array<i32>} : memref<32x128xi32, #tpu.memory_space<vmem>>, vector<16xi32>,
      %gather3A = tpu.vector_load_idx %arg6[%get3A_78] : memref<102400xf32, #tpu.memory_space<vmem>>[vector<16xi32>], vector<16xf32>,
      %get3A_79 = arith.constant 0 : i32
      %get3A_80 = arith.index_cast %get3A_79 : i32 to index
      %get3A_81 = arith.index_cast %mul3A_75 : i32 to index
      %get3A_82 = tpu.vector_load %arg8[%get3A_80, %get3A_81] {strides = array<i32>} : memref<32x128xf32, #tpu.memory_space<vmem>>, vector<16xf32>,
      %mul3A_83 = arith.mulf %gather3A, %get3A_82 : vector<16xf32>
      %get3A_84 = arith.constant 1 : i32
      %get3A_85 = arith.index_cast %get3A_84 : i32 to index
      %get3A_86 = arith.index_cast %mul3A_75 : i32 to index
      %get3A_87 = tpu.vector_load %arg7[%get3A_85, %get3A_86] {strides = array<i32>} : memref<32x128xi32, #tpu.memory_space<vmem>>, vector<16xi32>,
      %gather3A_88 = tpu.vector_load_idx %arg6[%get3A_87] : memref<102400xf32, #tpu.memory_space<vmem>>[vector<16xi32>], vector<16xf32>,
      %get3A_89 = arith.constant 1 : i32
      %get3A_90 = arith.index_cast %get3A_89 : i32 to index
      %get3A_91 = arith.index_cast %mul3A_75 : i32 to index
      %get3A_92 = tpu.vector_load %arg8[%get3A_90, %get3A_91] {strides = array<i32>} : memref<32x128xf32, #tpu.memory_space<vmem>>, vector<16xf32>,
      %mul3A_93 = arith.mulf %gather3A_88, %get3A_92 : vector<16xf32>
      %add3A_94 = arith.addf %mul3A_83, %mul3A_93 : vector<16xf32>
      %get3A_95 = arith.constant 2 : i32
      %get3A_96 = arith.index_cast %get3A_95 : i32 to index
      %get3A_97 = arith.index_cast %mul3A_75 : i32 to index
      %get3A_98 = tpu.vector_load %arg7[%get3A_96, %get3A_97] {strides = array<i32>} : memref<32x128xi32, #tpu.memory_space<vmem>>, vector<16xi32>,
      %gather3A_99 = tpu.vector_load_idx %arg6[%get3A_98] : memref<102400xf32, #tpu.memory_space<vmem>>[vector<16xi32>], vector<16xf32>,
      %get3A_100 = arith.constant 2 : i32
      %get3A_101 = arith.index_cast %get3A_100 : i32 to index
      %get3A_102 = arith.index_cast %mul3A_75 : i32 to index
      %get3A_103 = tpu.vector_load %arg8[%get3A_101, %get3A_102] {strides = array<i32>} : memref<32x128xf32, #tpu.memory_space<vmem>>, vector<16xf32>,
      %mul3A_104 = arith.mulf %gather3A_99, %get3A_103 : vector<16xf32>
      %add3A_105 = arith.addf %add3A_94, %mul3A_104 : vector<16xf32>
      %get3A_106 = arith.constant 3 : i32
      %get3A_107 = arith.index_cast %get3A_106 : i32 to index
      %get3A_108 = arith.index_cast %mul3A_75 : i32 to index
      %get3A_109 = tpu.vector_load %arg7[%get3A_107, %get3A_108] {strides = array<i32>} : memref<32x128xi32, #tpu.memory_space<vmem>>, vector<16xi32>,
      %gather3A_110 = tpu.vector_load_idx %arg6[%get3A_109] : memref<102400xf32, #tpu.memory_space<vmem>>[vector<16xi32>], vector<16xf32>,
      %get3A_111 = arith.constant 3 : i32
      %get3A_112 = arith.index_cast %get3A_111 : i32 to index
      %get3A_113 = arith.index_cast %mul3A_75 : i32 to index
      %get3A_114 = tpu.vector_load %arg8[%get3A_112, %get3A_113] {strides = array<i32>} : memref<32x128xf32, #tpu.memory_space<vmem>>, vector<16xf32>,
      %mul3A_115 = arith.mulf %gather3A_110, %get3A_114 : vector<16xf32>
      %add3A_116 = arith.addf %add3A_105, %mul3A_115 : vector<16xf32>
      %get3A_117 = arith.constant 4 : i32
      %get3A_118 = arith.index_cast %get3A_117 : i32 to index
      %get3A_119 = arith.index_cast %mul3A_75 : i32 to index
      %get3A_120 = tpu.vector_load %arg7[%get3A_118, %get3A_119] {strides = array<i32>} : memref<32x128xi32, #tpu.memory_space<vmem>>, vector<16xi32>,
      %gather3A_121 = tpu.vector_load_idx %arg6[%get3A_120] : memref<102400xf32, #tpu.memory_space<vmem>>[vector<16xi32>], vector<16xf32>,
      %get3A_122 = arith.constant 4 : i32
      %get3A_123 = arith.index_cast %get3A_122 : i32 to index
      %get3A_124 = arith.index_cast %mul3A_75 : i32 to index
      %get3A_125 = tpu.vector_load %arg8[%get3A_123, %get3A_124] {strides = array<i32>} : memref<32x128xf32, #tpu.memory_space<vmem>>, vector<16xf32>,
      %mul3A_126 = arith.mulf %gather3A_121, %get3A_125 : vector<16xf32>
      %add3A_127 = arith.addf %add3A_116, %mul3A_126 : vector<16xf32>
      %get3A_128 = arith.constant 5 : i32
      %get3A_129 = arith.index_cast %get3A_128 : i32 to index
      %get3A_130 = arith.index_cast %mul3A_75 : i32 to index
      %get3A_131 = tpu.vector_load %arg7[%get3A_129, %get3A_130] {strides = array<i32>} : memref<32x128xi32, #tpu.memory_space<vmem>>, vector<16xi32>,
      %gather3A_132 = tpu.vector_load_idx %arg6[%get3A_131] : memref<102400xf32, #tpu.memory_space<vmem>>[vector<16xi32>], vector<16xf32>,
      %get3A_133 = arith.constant 5 : i32
      %get3A_134 = arith.index_cast %get3A_133 : i32 to index
      %get3A_135 = arith.index_cast %mul3A_75 : i32 to index
      %get3A_136 = tpu.vector_load %arg8[%get3A_134, %get3A_135] {strides = array<i32>} : memref<32x128xf32, #tpu.memory_space<vmem>>, vector<16xf32>,
      %mul3A_137 = arith.mulf %gather3A_132, %get3A_136 : vector<16xf32>
      %add3A_138 = arith.addf %add3A_127, %mul3A_137 : vector<16xf32>
      %get3A_139 = arith.constant 6 : i32
      %get3A_140 = arith.index_cast %get3A_139 : i32 to index
      %get3A_141 = arith.index_cast %mul3A_75 : i32 to index
      %get3A_142 = tpu.vector_load %arg7[%get3A_140, %get3A_141] {strides = array<i32>} : memref<32x128xi32, #tpu.memory_space<vmem>>, vector<16xi32>,
      %gather3A_143 = tpu.vector_load_idx %arg6[%get3A_142] : memref<102400xf32, #tpu.memory_space<vmem>>[vector<16xi32>], vector<16xf32>,
      %get3A_144 = arith.constant 6 : i32
      %get3A_145 = arith.index_cast %get3A_144 : i32 to index
      %get3A_146 = arith.index_cast %mul3A_75 : i32 to index
      %get3A_147 = tpu.vector_load %arg8[%get3A_145, %get3A_146] {strides = array<i32>} : memref<32x128xf32, #tpu.memory_space<vmem>>, vector<16xf32>,
      %mul3A_148 = arith.mulf %gather3A_143, %get3A_147 : vector<16xf32>
      %add3A_149 = arith.addf %add3A_138, %mul3A_148 : vector<16xf32>
      %get3A_150 = arith.constant 7 : i32
      %get3A_151 = arith.index_cast %get3A_150 : i32 to index
      %get3A_152 = arith.index_cast %mul3A_75 : i32 to index
      %get3A_153 = tpu.vector_load %arg7[%get3A_151, %get3A_152] {strides = array<i32>} : memref<32x128xi32, #tpu.memory_space<vmem>>, vector<16xi32>,
      %gather3A_154 = tpu.vector_load_idx %arg6[%get3A_153] : memref<102400xf32, #tpu.memory_space<vmem>>[vector<16xi32>], vector<16xf32>,
      %get3A_155 = arith.constant 7 : i32
      %get3A_156 = arith.index_cast %get3A_155 : i32 to index
      %get3A_157 = arith.index_cast %mul3A_75 : i32 to index
      %get3A_158 = tpu.vector_load %arg8[%get3A_156, %get3A_157] {strides = array<i32>} : memref<32x128xf32, #tpu.memory_space<vmem>>, vector<16xf32>,
      %mul3A_159 = arith.mulf %gather3A_154, %get3A_158 : vector<16xf32>
      %add3A_160 = arith.addf %add3A_149, %mul3A_159 : vector<16xf32>
      %get3A_161 = arith.constant 8 : i32
      %get3A_162 = arith.index_cast %get3A_161 : i32 to index
      %get3A_163 = arith.index_cast %mul3A_75 : i32 to index
      %get3A_164 = tpu.vector_load %arg7[%get3A_162, %get3A_163] {strides = array<i32>} : memref<32x128xi32, #tpu.memory_space<vmem>>, vector<16xi32>,
      %gather3A_165 = tpu.vector_load_idx %arg6[%get3A_164] : memref<102400xf32, #tpu.memory_space<vmem>>[vector<16xi32>], vector<16xf32>,
      %get3A_166 = arith.constant 8 : i32
      %get3A_167 = arith.index_cast %get3A_166 : i32 to index
      %get3A_168 = arith.index_cast %mul3A_75 : i32 to index
      %get3A_169 = tpu.vector_load %arg8[%get3A_167, %get3A_168] {strides = array<i32>} : memref<32x128xf32, #tpu.memory_space<vmem>>, vector<16xf32>,
      %mul3A_170 = arith.mulf %gather3A_165, %get3A_169 : vector<16xf32>
      %add3A_171 = arith.addf %add3A_160, %mul3A_170 : vector<16xf32>
      %get3A_172 = arith.constant 9 : i32
      %get3A_173 = arith.index_cast %get3A_172 : i32 to index
      %get3A_174 = arith.index_cast %mul3A_75 : i32 to index
      %get3A_175 = tpu.vector_load %arg7[%get3A_173, %get3A_174] {strides = array<i32>} : memref<32x128xi32, #tpu.memory_space<vmem>>, vector<16xi32>,
      %gather3A_176 = tpu.vector_load_idx %arg6[%get3A_175] : memref<102400xf32, #tpu.memory_space<vmem>>[vector<16xi32>], vector<16xf32>,
      %get3A_177 = arith.constant 9 : i32
      %get3A_178 = arith.index_cast %get3A_177 : i32 to index
      %get3A_179 = arith.index_cast %mul3A_75 : i32 to index
      %get3A_180 = tpu.vector_load %arg8[%get3A_178, %get3A_179] {strides = array<i32>} : memref<32x128xf32, #tpu.memory_space<vmem>>, vector<16xf32>,
      %mul3A_181 = arith.mulf %gather3A_176, %get3A_180 : vector<16xf32>
      %add3A_182 = arith.addf %add3A_171, %mul3A_181 : vector<16xf32>
      %get3A_183 = arith.constant 10 : i32
      %get3A_184 = arith.index_cast %get3A_183 : i32 to index
      %get3A_185 = arith.index_cast %mul3A_75 : i32 to index
      %get3A_186 = tpu.vector_load %arg7[%get3A_184, %get3A_185] {strides = array<i32>} : memref<32x128xi32, #tpu.memory_space<vmem>>, vector<16xi32>,
      %gather3A_187 = tpu.vector_load_idx %arg6[%get3A_186] : memref<102400xf32, #tpu.memory_space<vmem>>[vector<16xi32>], vector<16xf32>,
      %get3A_188 = arith.constant 10 : i32
      %get3A_189 = arith.index_cast %get3A_188 : i32 to index
      %get3A_190 = arith.index_cast %mul3A_75 : i32 to index
      %get3A_191 = tpu.vector_load %arg8[%get3A_189, %get3A_190] {strides = array<i32>} : memref<32x128xf32, #tpu.memory_space<vmem>>, vector<16xf32>,
      %mul3A_192 = arith.mulf %gather3A_187, %get3A_191 : vector<16xf32>
      %add3A_193 = arith.addf %add3A_182, %mul3A_192 : vector<16xf32>
      %get3A_194 = arith.constant 11 : i32
      %get3A_195 = arith.index_cast %get3A_194 : i32 to index
      %get3A_196 = arith.index_cast %mul3A_75 : i32 to index
      %get3A_197 = tpu.vector_load %arg7[%get3A_195, %get3A_196] {strides = array<i32>} : memref<32x128xi32, #tpu.memory_space<vmem>>, vector<16xi32>,
      %gather3A_198 = tpu.vector_load_idx %arg6[%get3A_197] : memref<102400xf32, #tpu.memory_space<vmem>>[vector<16xi32>], vector<16xf32>,
      %get3A_199 = arith.constant 11 : i32
      %get3A_200 = arith.index_cast %get3A_199 : i32 to index
      %get3A_201 = arith.index_cast %mul3A_75 : i32 to index
      %get3A_202 = tpu.vector_load %arg8[%get3A_200, %get3A_201] {strides = array<i32>} : memref<32x128xf32, #tpu.memory_space<vmem>>, vector<16xf32>,
      %mul3A_203 = arith.mulf %gather3A_198, %get3A_202 : vector<16xf32>
      %add3A_204 = arith.addf %add3A_193, %mul3A_203 : vector<16xf32>
      %get3A_205 = arith.constant 12 : i32
      %get3A_206 = arith.index_cast %get3A_205 : i32 to index
      %get3A_207 = arith.index_cast %mul3A_75 : i32 to index
      %get3A_208 = tpu.vector_load %arg7[%get3A_206, %get3A_207] {strides = array<i32>} : memref<32x128xi32, #tpu.memory_space<vmem>>, vector<16xi32>,
      %gather3A_209 = tpu.vector_load_idx %arg6[%get3A_208] : memref<102400xf32, #tpu.memory_space<vmem>>[vector<16xi32>], vector<16xf32>,
      %get3A_210 = arith.constant 12 : i32
      %get3A_211 = arith.index_cast %get3A_210 : i32 to index
      %get3A_212 = arith.index_cast %mul3A_75 : i32 to index
      %get3A_213 = tpu.vector_load %arg8[%get3A_211, %get3A_212] {strides = array<i32>} : memref<32x128xf32, #tpu.memory_space<vmem>>, vector<16xf32>,
      %mul3A_214 = arith.mulf %gather3A_209, %get3A_213 : vector<16xf32>
      %add3A_215 = arith.addf %add3A_204, %mul3A_214 : vector<16xf32>
      %get3A_216 = arith.constant 13 : i32
      %get3A_217 = arith.index_cast %get3A_216 : i32 to index
      %get3A_218 = arith.index_cast %mul3A_75 : i32 to index
      %get3A_219 = tpu.vector_load %arg7[%get3A_217, %get3A_218] {strides = array<i32>} : memref<32x128xi32, #tpu.memory_space<vmem>>, vector<16xi32>,
      %gather3A_220 = tpu.vector_load_idx %arg6[%get3A_219] : memref<102400xf32, #tpu.memory_space<vmem>>[vector<16xi32>], vector<16xf32>,
      %get3A_221 = arith.constant 13 : i32
      %get3A_222 = arith.index_cast %get3A_221 : i32 to index
      %get3A_223 = arith.index_cast %mul3A_75 : i32 to index
      %get3A_224 = tpu.vector_load %arg8[%get3A_222, %get3A_223] {strides = array<i32>} : memref<32x128xf32, #tpu.memory_space<vmem>>, vector<16xf32>,
      %mul3A_225 = arith.mulf %gather3A_220, %get3A_224 : vector<16xf32>
      %add3A_226 = arith.addf %add3A_215, %mul3A_225 : vector<16xf32>
      %get3A_227 = arith.constant 14 : i32
      %get3A_228 = arith.index_cast %get3A_227 : i32 to index
      %get3A_229 = arith.index_cast %mul3A_75 : i32 to index
      %get3A_230 = tpu.vector_load %arg7[%get3A_228, %get3A_229] {strides = array<i32>} : memref<32x128xi32, #tpu.memory_space<vmem>>, vector<16xi32>,
      %gather3A_231 = tpu.vector_load_idx %arg6[%get3A_230] : memref<102400xf32, #tpu.memory_space<vmem>>[vector<16xi32>], vector<16xf32>,
      %get3A_232 = arith.constant 14 : i32
      %get3A_233 = arith.index_cast %get3A_232 : i32 to index
      %get3A_234 = arith.index_cast %mul3A_75 : i32 to index
      %get3A_235 = tpu.vector_load %arg8[%get3A_233, %get3A_234] {strides = array<i32>} : memref<32x128xf32, #tpu.memory_space<vmem>>, vector<16xf32>,
      %mul3A_236 = arith.mulf %gather3A_231, %get3A_235 : vector<16xf32>
      %add3A_237 = arith.addf %add3A_226, %mul3A_236 : vector<16xf32>
      %get3A_238 = arith.constant 15 : i32
      %get3A_239 = arith.index_cast %get3A_238 : i32 to index
      %get3A_240 = arith.index_cast %mul3A_75 : i32 to index
      %get3A_241 = tpu.vector_load %arg7[%get3A_239, %get3A_240] {strides = array<i32>} : memref<32x128xi32, #tpu.memory_space<vmem>>, vector<16xi32>,
      %gather3A_242 = tpu.vector_load_idx %arg6[%get3A_241] : memref<102400xf32, #tpu.memory_space<vmem>>[vector<16xi32>], vector<16xf32>,
      %get3A_243 = arith.constant 15 : i32
      %get3A_244 = arith.index_cast %get3A_243 : i32 to index
      %get3A_245 = arith.index_cast %mul3A_75 : i32 to index
      %get3A_246 = tpu.vector_load %arg8[%get3A_244, %get3A_245] {strides = array<i32>} : memref<32x128xf32, #tpu.memory_space<vmem>>, vector<16xf32>,
      %mul3A_247 = arith.mulf %gather3A_242, %get3A_246 : vector<16xf32>
      %add3A_248 = arith.addf %add3A_237, %mul3A_247 : vector<16xf32>
      %get3A_249 = arith.constant 16 : i32
      %get3A_250 = arith.index_cast %get3A_249 : i32 to index
      %get3A_251 = arith.index_cast %mul3A_75 : i32 to index
      %get3A_252 = tpu.vector_load %arg7[%get3A_250, %get3A_251] {strides = array<i32>} : memref<32x128xi32, #tpu.memory_space<vmem>>, vector<16xi32>,
      %gather3A_253 = tpu.vector_load_idx %arg6[%get3A_252] : memref<102400xf32, #tpu.memory_space<vmem>>[vector<16xi32>], vector<16xf32>,
      %get3A_254 = arith.constant 16 : i32
      %get3A_255 = arith.index_cast %get3A_254 : i32 to index
      %get3A_256 = arith.index_cast %mul3A_75 : i32 to index
      %get3A_257 = tpu.vector_load %arg8[%get3A_255, %get3A_256] {strides = array<i32>} : memref<32x128xf32, #tpu.memory_space<vmem>>, vector<16xf32>,
      %mul3A_258 = arith.mulf %gather3A_253, %get3A_257 : vector<16xf32>
      %add3A_259 = arith.addf %add3A_248, %mul3A_258 : vector<16xf32>
      %get3A_260 = arith.constant 17 : i32
      %get3A_261 = arith.index_cast %get3A_260 : i32 to index
      %get3A_262 = arith.index_cast %mul3A_75 : i32 to index
      %get3A_263 = tpu.vector_load %arg7[%get3A_261, %get3A_262] {strides = array<i32>} : memref<32x128xi32, #tpu.memory_space<vmem>>, vector<16xi32>,
      %gather3A_264 = tpu.vector_load_idx %arg6[%get3A_263] : memref<102400xf32, #tpu.memory_space<vmem>>[vector<16xi32>], vector<16xf32>,
      %get3A_265 = arith.constant 17 : i32
      %get3A_266 = arith.index_cast %get3A_265 : i32 to index
      %get3A_267 = arith.index_cast %mul3A_75 : i32 to index
      %get3A_268 = tpu.vector_load %arg8[%get3A_266, %get3A_267] {strides = array<i32>} : memref<32x128xf32, #tpu.memory_space<vmem>>, vector<16xf32>,
      %mul3A_269 = arith.mulf %gather3A_264, %get3A_268 : vector<16xf32>
      %add3A_270 = arith.addf %add3A_259, %mul3A_269 : vector<16xf32>
      %get3A_271 = arith.constant 18 : i32
      %get3A_272 = arith.index_cast %get3A_271 : i32 to index
      %get3A_273 = arith.index_cast %mul3A_75 : i32 to index
      %get3A_274 = tpu.vector_load %arg7[%get3A_272, %get3A_273] {strides = array<i32>} : memref<32x128xi32, #tpu.memory_space<vmem>>, vector<16xi32>,
      %gather3A_275 = tpu.vector_load_idx %arg6[%get3A_274] : memref<102400xf32, #tpu.memory_space<vmem>>[vector<16xi32>], vector<16xf32>,
      %get3A_276 = arith.constant 18 : i32
      %get3A_277 = arith.index_cast %get3A_276 : i32 to index
      %get3A_278 = arith.index_cast %mul3A_75 : i32 to index
      %get3A_279 = tpu.vector_load %arg8[%get3A_277, %get3A_278] {strides = array<i32>} : memref<32x128xf32, #tpu.memory_space<vmem>>, vector<16xf32>,
      %mul3A_280 = arith.mulf %gather3A_275, %get3A_279 : vector<16xf32>
      %add3A_281 = arith.addf %add3A_270, %mul3A_280 : vector<16xf32>
      %get3A_282 = arith.constant 19 : i32
      %get3A_283 = arith.index_cast %get3A_282 : i32 to index
      %get3A_284 = arith.index_cast %mul3A_75 : i32 to index
      %get3A_285 = tpu.vector_load %arg7[%get3A_283, %get3A_284] {strides = array<i32>} : memref<32x128xi32, #tpu.memory_space<vmem>>, vector<16xi32>,
      %gather3A_286 = tpu.vector_load_idx %arg6[%get3A_285] : memref<102400xf32, #tpu.memory_space<vmem>>[vector<16xi32>], vector<16xf32>,
      %get3A_287 = arith.constant 19 : i32
      %get3A_288 = arith.index_cast %get3A_287 : i32 to index
      %get3A_289 = arith.index_cast %mul3A_75 : i32 to index
      %get3A_290 = tpu.vector_load %arg8[%get3A_288, %get3A_289] {strides = array<i32>} : memref<32x128xf32, #tpu.memory_space<vmem>>, vector<16xf32>,
      %mul3A_291 = arith.mulf %gather3A_286, %get3A_290 : vector<16xf32>
      %add3A_292 = arith.addf %add3A_281, %mul3A_291 : vector<16xf32>
      %get3A_293 = arith.constant 20 : i32
      %get3A_294 = arith.index_cast %get3A_293 : i32 to index
      %get3A_295 = arith.index_cast %mul3A_75 : i32 to index
      %get3A_296 = tpu.vector_load %arg7[%get3A_294, %get3A_295] {strides = array<i32>} : memref<32x128xi32, #tpu.memory_space<vmem>>, vector<16xi32>,
      %gather3A_297 = tpu.vector_load_idx %arg6[%get3A_296] : memref<102400xf32, #tpu.memory_space<vmem>>[vector<16xi32>], vector<16xf32>,
      %get3A_298 = arith.constant 20 : i32
      %get3A_299 = arith.index_cast %get3A_298 : i32 to index
      %get3A_300 = arith.index_cast %mul3A_75 : i32 to index
      %get3A_301 = tpu.vector_load %arg8[%get3A_299, %get3A_300] {strides = array<i32>} : memref<32x128xf32, #tpu.memory_space<vmem>>, vector<16xf32>,
      %mul3A_302 = arith.mulf %gather3A_297, %get3A_301 : vector<16xf32>
      %add3A_303 = arith.addf %add3A_292, %mul3A_302 : vector<16xf32>
      %get3A_304 = arith.constant 21 : i32
      %get3A_305 = arith.index_cast %get3A_304 : i32 to index
      %get3A_306 = arith.index_cast %mul3A_75 : i32 to index
      %get3A_307 = tpu.vector_load %arg7[%get3A_305, %get3A_306] {strides = array<i32>} : memref<32x128xi32, #tpu.memory_space<vmem>>, vector<16xi32>,
      %gather3A_308 = tpu.vector_load_idx %arg6[%get3A_307] : memref<102400xf32, #tpu.memory_space<vmem>>[vector<16xi32>], vector<16xf32>,
      %get3A_309 = arith.constant 21 : i32
      %get3A_310 = arith.index_cast %get3A_309 : i32 to index
      %get3A_311 = arith.index_cast %mul3A_75 : i32 to index
      %get3A_312 = tpu.vector_load %arg8[%get3A_310, %get3A_311] {strides = array<i32>} : memref<32x128xf32, #tpu.memory_space<vmem>>, vector<16xf32>,
      %mul3A_313 = arith.mulf %gather3A_308, %get3A_312 : vector<16xf32>
      %add3A_314 = arith.addf %add3A_303, %mul3A_313 : vector<16xf32>
      %get3A_315 = arith.constant 22 : i32
      %get3A_316 = arith.index_cast %get3A_315 : i32 to index
      %get3A_317 = arith.index_cast %mul3A_75 : i32 to index
      %get3A_318 = tpu.vector_load %arg7[%get3A_316, %get3A_317] {strides = array<i32>} : memref<32x128xi32, #tpu.memory_space<vmem>>, vector<16xi32>,
      %gather3A_319 = tpu.vector_load_idx %arg6[%get3A_318] : memref<102400xf32, #tpu.memory_space<vmem>>[vector<16xi32>], vector<16xf32>,
      %get3A_320 = arith.constant 22 : i32
      %get3A_321 = arith.index_cast %get3A_320 : i32 to index
      %get3A_322 = arith.index_cast %mul3A_75 : i32 to index
      %get3A_323 = tpu.vector_load %arg8[%get3A_321, %get3A_322] {strides = array<i32>} : memref<32x128xf32, #tpu.memory_space<vmem>>, vector<16xf32>,
      %mul3A_324 = arith.mulf %gather3A_319, %get3A_323 : vector<16xf32>
      %add3A_325 = arith.addf %add3A_314, %mul3A_324 : vector<16xf32>
      %get3A_326 = arith.constant 23 : i32
      %get3A_327 = arith.index_cast %get3A_326 : i32 to index
      %get3A_328 = arith.index_cast %mul3A_75 : i32 to index
      %get3A_329 = tpu.vector_load %arg7[%get3A_327, %get3A_328] {strides = array<i32>} : memref<32x128xi32, #tpu.memory_space<vmem>>, vector<16xi32>,
      %gather3A_330 = tpu.vector_load_idx %arg6[%get3A_329] : memref<102400xf32, #tpu.memory_space<vmem>>[vector<16xi32>], vector<16xf32>,
      %get3A_331 = arith.constant 23 : i32
      %get3A_332 = arith.index_cast %get3A_331 : i32 to index
      %get3A_333 = arith.index_cast %mul3A_75 : i32 to index
      %get3A_334 = tpu.vector_load %arg8[%get3A_332, %get3A_333] {strides = array<i32>} : memref<32x128xf32, #tpu.memory_space<vmem>>, vector<16xf32>,
      %mul3A_335 = arith.mulf %gather3A_330, %get3A_334 : vector<16xf32>
      %add3A_336 = arith.addf %add3A_325, %mul3A_335 : vector<16xf32>
      %get3A_337 = arith.constant 24 : i32
      %get3A_338 = arith.index_cast %get3A_337 : i32 to index
      %get3A_339 = arith.index_cast %mul3A_75 : i32 to index
      %get3A_340 = tpu.vector_load %arg7[%get3A_338, %get3A_339] {strides = array<i32>} : memref<32x128xi32, #tpu.memory_space<vmem>>, vector<16xi32>,
      %gather3A_341 = tpu.vector_load_idx %arg6[%get3A_340] : memref<102400xf32, #tpu.memory_space<vmem>>[vector<16xi32>], vector<16xf32>,
      %get3A_342 = arith.constant 24 : i32
      %get3A_343 = arith.index_cast %get3A_342 : i32 to index
      %get3A_344 = arith.index_cast %mul3A_75 : i32 to index
      %get3A_345 = tpu.vector_load %arg8[%get3A_343, %get3A_344] {strides = array<i32>} : memref<32x128xf32, #tpu.memory_space<vmem>>, vector<16xf32>,
      %mul3A_346 = arith.mulf %gather3A_341, %get3A_345 : vector<16xf32>
      %add3A_347 = arith.addf %add3A_336, %mul3A_346 : vector<16xf32>
      %get3A_348 = arith.constant 25 : i32
      %get3A_349 = arith.index_cast %get3A_348 : i32 to index
      %get3A_350 = arith.index_cast %mul3A_75 : i32 to index
      %get3A_351 = tpu.vector_load %arg7[%get3A_349, %get3A_350] {strides = array<i32>} : memref<32x128xi32, #tpu.memory_space<vmem>>, vector<16xi32>,
      %gather3A_352 = tpu.vector_load_idx %arg6[%get3A_351] : memref<102400xf32, #tpu.memory_space<vmem>>[vector<16xi32>], vector<16xf32>,
      %get3A_353 = arith.constant 25 : i32
      %get3A_354 = arith.index_cast %get3A_353 : i32 to index
      %get3A_355 = arith.index_cast %mul3A_75 : i32 to index
      %get3A_356 = tpu.vector_load %arg8[%get3A_354, %get3A_355] {strides = array<i32>} : memref<32x128xf32, #tpu.memory_space<vmem>>, vector<16xf32>,
      %mul3A_357 = arith.mulf %gather3A_352, %get3A_356 : vector<16xf32>
      %add3A_358 = arith.addf %add3A_347, %mul3A_357 : vector<16xf32>
      %get3A_359 = arith.constant 26 : i32
      %get3A_360 = arith.index_cast %get3A_359 : i32 to index
      %get3A_361 = arith.index_cast %mul3A_75 : i32 to index
      %get3A_362 = tpu.vector_load %arg7[%get3A_360, %get3A_361] {strides = array<i32>} : memref<32x128xi32, #tpu.memory_space<vmem>>, vector<16xi32>,
      %gather3A_363 = tpu.vector_load_idx %arg6[%get3A_362] : memref<102400xf32, #tpu.memory_space<vmem>>[vector<16xi32>], vector<16xf32>,
      %get3A_364 = arith.constant 26 : i32
      %get3A_365 = arith.index_cast %get3A_364 : i32 to index
      %get3A_366 = arith.index_cast %mul3A_75 : i32 to index
      %get3A_367 = tpu.vector_load %arg8[%get3A_365, %get3A_366] {strides = array<i32>} : memref<32x128xf32, #tpu.memory_space<vmem>>, vector<16xf32>,
      %mul3A_368 = arith.mulf %gather3A_363, %get3A_367 : vector<16xf32>
      %add3A_369 = arith.addf %add3A_358, %mul3A_368 : vector<16xf32>
      %get3A_370 = arith.constant 27 : i32
      %get3A_371 = arith.index_cast %get3A_370 : i32 to index
      %get3A_372 = arith.index_cast %mul3A_75 : i32 to index
      %get3A_373 = tpu.vector_load %arg7[%get3A_371, %get3A_372] {strides = array<i32>} : memref<32x128xi32, #tpu.memory_space<vmem>>, vector<16xi32>,
      %gather3A_374 = tpu.vector_load_idx %arg6[%get3A_373] : memref<102400xf32, #tpu.memory_space<vmem>>[vector<16xi32>], vector<16xf32>,
      %get3A_375 = arith.constant 27 : i32
      %get3A_376 = arith.index_cast %get3A_375 : i32 to index
      %get3A_377 = arith.index_cast %mul3A_75 : i32 to index
      %get3A_378 = tpu.vector_load %arg8[%get3A_376, %get3A_377] {strides = array<i32>} : memref<32x128xf32, #tpu.memory_space<vmem>>, vector<16xf32>,
      %mul3A_379 = arith.mulf %gather3A_374, %get3A_378 : vector<16xf32>
      %add3A_380 = arith.addf %add3A_369, %mul3A_379 : vector<16xf32>
      %get3A_381 = arith.constant 28 : i32
      %get3A_382 = arith.index_cast %get3A_381 : i32 to index
      %get3A_383 = arith.index_cast %mul3A_75 : i32 to index
      %get3A_384 = tpu.vector_load %arg7[%get3A_382, %get3A_383] {strides = array<i32>} : memref<32x128xi32, #tpu.memory_space<vmem>>, vector<16xi32>,
      %gather3A_385 = tpu.vector_load_idx %arg6[%get3A_384] : memref<102400xf32, #tpu.memory_space<vmem>>[vector<16xi32>], vector<16xf32>,
      %get3A_386 = arith.constant 28 : i32
      %get3A_387 = arith.index_cast %get3A_386 : i32 to index
      %get3A_388 = arith.index_cast %mul3A_75 : i32 to index
      %get3A_389 = tpu.vector_load %arg8[%get3A_387, %get3A_388] {strides = array<i32>} : memref<32x128xf32, #tpu.memory_space<vmem>>, vector<16xf32>,
      %mul3A_390 = arith.mulf %gather3A_385, %get3A_389 : vector<16xf32>
      %add3A_391 = arith.addf %add3A_380, %mul3A_390 : vector<16xf32>
      %get3A_392 = arith.constant 29 : i32
      %get3A_393 = arith.index_cast %get3A_392 : i32 to index
      %get3A_394 = arith.index_cast %mul3A_75 : i32 to index
      %get3A_395 = tpu.vector_load %arg7[%get3A_393, %get3A_394] {strides = array<i32>} : memref<32x128xi32, #tpu.memory_space<vmem>>, vector<16xi32>,
      %gather3A_396 = tpu.vector_load_idx %arg6[%get3A_395] : memref<102400xf32, #tpu.memory_space<vmem>>[vector<16xi32>], vector<16xf32>,
      %get3A_397 = arith.constant 29 : i32
      %get3A_398 = arith.index_cast %get3A_397 : i32 to index
      %get3A_399 = arith.index_cast %mul3A_75 : i32 to index
      %get3A_400 = tpu.vector_load %arg8[%get3A_398, %get3A_399] {strides = array<i32>} : memref<32x128xf32, #tpu.memory_space<vmem>>, vector<16xf32>,
      %mul3A_401 = arith.mulf %gather3A_396, %get3A_400 : vector<16xf32>
      %add3A_402 = arith.addf %add3A_391, %mul3A_401 : vector<16xf32>
      %get3A_403 = arith.constant 30 : i32
      %get3A_404 = arith.index_cast %get3A_403 : i32 to index
      %get3A_405 = arith.index_cast %mul3A_75 : i32 to index
      %get3A_406 = tpu.vector_load %arg7[%get3A_404, %get3A_405] {strides = array<i32>} : memref<32x128xi32, #tpu.memory_space<vmem>>, vector<16xi32>,
      %gather3A_407 = tpu.vector_load_idx %arg6[%get3A_406] : memref<102400xf32, #tpu.memory_space<vmem>>[vector<16xi32>], vector<16xf32>,
      %get3A_408 = arith.constant 30 : i32
      %get3A_409 = arith.index_cast %get3A_408 : i32 to index
      %get3A_410 = arith.index_cast %mul3A_75 : i32 to index
      %get3A_411 = tpu.vector_load %arg8[%get3A_409, %get3A_410] {strides = array<i32>} : memref<32x128xf32, #tpu.memory_space<vmem>>, vector<16xf32>,
      %mul3A_412 = arith.mulf %gather3A_407, %get3A_411 : vector<16xf32>
      %add3A_413 = arith.addf %add3A_402, %mul3A_412 : vector<16xf32>
      %get3A_414 = arith.constant 31 : i32
      %get3A_415 = arith.index_cast %get3A_414 : i32 to index
      %get3A_416 = arith.index_cast %mul3A_75 : i32 to index
      %get3A_417 = tpu.vector_load %arg7[%get3A_415, %get3A_416] {strides = array<i32>} : memref<32x128xi32, #tpu.memory_space<vmem>>, vector<16xi32>,
      %gather3A_418 = tpu.vector_load_idx %arg6[%get3A_417] : memref<102400xf32, #tpu.memory_space<vmem>>[vector<16xi32>], vector<16xf32>,
      %get3A_419 = arith.constant 31 : i32
      %get3A_420 = arith.index_cast %get3A_419 : i32 to index
      %get3A_421 = arith.index_cast %mul3A_75 : i32 to index
      %get3A_422 = tpu.vector_load %arg8[%get3A_420, %get3A_421] {strides = array<i32>} : memref<32x128xf32, #tpu.memory_space<vmem>>, vector<16xf32>,
      %mul3A_423 = arith.mulf %gather3A_418, %get3A_422 : vector<16xf32>
      %add3A_424 = arith.addf %add3A_413, %mul3A_423 : vector<16xf32>
      %swap3A = arith.index_cast %mul3A_75 : i32 to index
      %swap3A_425 = tpu.vector_load %arg9[%swap3A] {strides = array<i32>} : memref<128xf32, #tpu.memory_space<vmem>>, vector<16xf32>,
      tpu.vector_store %arg9[%swap3A], %add3A_424 {strides = array<i32>} : memref<128xf32, #tpu.memory_space<vmem>>, vector<16xf32>,
    }
    %scan3A_68 = arith.constant 8 : i32
    "tpu.region"() ({
      %run_scoped3A = tpu.sem_alloc : memref<!tpu.dma_semaphore, #tpu.memory_space<semaphore_mem>>
      %dma_start3A_69 = tpu.memref_slice %arg5[%mul3A_2] : memref<4096xf32, #tpu.memory_space<hbm>> -> memref<128xf32, #tpu.memory_space<hbm>>
      %dma_start3A_70 = tpu.memref_slice %arg5[%mul3A_2] : memref<4096xf32, #tpu.memory_space<hbm>> -> memref<128xf32, #tpu.memory_space<hbm>>
      tpu.enqueue_dma source(%arg9 : memref<128xf32, #tpu.memory_space<vmem>>) target(%dma_start3A_70 : memref<128xf32, #tpu.memory_space<hbm>>) target_semaphore(%run_scoped3A : memref<!tpu.dma_semaphore, #tpu.memory_space<semaphore_mem>>)
      %dma_wait3A_71 = tpu.memref_slice %arg5[%mul3A_2] : memref<4096xf32, #tpu.memory_space<hbm>> -> memref<128xf32, #tpu.memory_space<hbm>>
      %dma_wait3A_72 = tpu.memref_slice %arg5[%mul3A_2] : memref<4096xf32, #tpu.memory_space<hbm>> -> memref<128xf32, #tpu.memory_space<hbm>>
      tpu.wait_dma2 semaphore(%run_scoped3A : memref<!tpu.dma_semaphore, #tpu.memory_space<semaphore_mem>>) src(%arg9 : memref<128xf32, #tpu.memory_space<vmem>>) dst(%dma_wait3A_72 : memref<128xf32, #tpu.memory_space<hbm>>)
      tpu.yield
    }) : () -> ()
    return
  }
}

#map = affine_map<(d0, d1) -> (0, 0)>
#map1 = affine_map<(d0, d1) -> (0)>
module attributes {stable_mosaic.version = 14 : i64} {
  func.func @ns_kernel(%arg0: i32, %arg1: i32, %arg2: memref<16x100000xi32, #tpu.memory_space<hbm>>, %arg3: memref<16x128xi32, #tpu.memory_space<hbm>>, %arg4: memref<100000xf32, #tpu.memory_space<hbm>>, %arg5: memref<102400xf32, #tpu.memory_space<hbm>>, %arg6: memref<100000xf32, #tpu.memory_space<vmem>>, %arg7: memref<16x640xi32, #tpu.memory_space<vmem>>, %arg8: memref<16x640xi32, #tpu.memory_space<vmem>>, %arg9: memref<640xf32, #tpu.memory_space<vmem>>, %arg10: memref<16x128xi32, #tpu.memory_space<vmem>>, %arg11: memref<128xf32, #tpu.memory_space<vmem>>, %arg12: memref<!tpu.dma_semaphore, #tpu.memory_space<semaphore_mem>>, %arg13: memref<!tpu.dma_semaphore, #tpu.memory_space<semaphore_mem>>, %arg14: memref<!tpu.dma_semaphore, #tpu.memory_space<semaphore_mem>>) attributes {dimension_semantics = [#tpu.dimension_semantics<core_parallel>, #tpu.dimension_semantics<subcore_parallel>], iteration_bounds = array<i64: 2, 16>, scalar_prefetch = 0 : i64, scratch_operands = 9 : i64, tpu.core_type = #tpu.core_type<sc_vector_subcore>, window_params = [{transform_indices = #map}, {transform_indices = #map}, {transform_indices = #map1}, {transform_indices = #map1}]} {
    %mul3A = arith.constant 2 : i32
    %mul3A_0 = arith.muli %arg1, %mul3A : i32
    %add3A = arith.addi %mul3A_0, %arg0 : i32
    %dma_start3A = arith.constant 0 : i32
    %dma_start3A_1 = tpu.memref_slice %arg6[%dma_start3A] : memref<100000xf32, #tpu.memory_space<vmem>> -> memref<25088xf32, #tpu.memory_space<vmem>>
    %dma_start3A_2 = arith.constant 0 : i32
    %dma_start3A_3 = tpu.memref_slice %arg4[%dma_start3A_2] : memref<100000xf32, #tpu.memory_space<hbm>> -> memref<25088xf32, #tpu.memory_space<hbm>>
    %dma_start3A_4 = arith.constant 0 : i32
    %dma_start3A_5 = tpu.memref_slice %arg6[%dma_start3A_4] : memref<100000xf32, #tpu.memory_space<vmem>> -> memref<25088xf32, #tpu.memory_space<vmem>>
    %dma_start3A_6 = arith.constant 0 : i32
    %dma_start3A_7 = tpu.memref_slice %arg4[%dma_start3A_6] : memref<100000xf32, #tpu.memory_space<hbm>> -> memref<25088xf32, #tpu.memory_space<hbm>>
    tpu.enqueue_dma source(%dma_start3A_7 : memref<25088xf32, #tpu.memory_space<hbm>>) target(%dma_start3A_5 : memref<25088xf32, #tpu.memory_space<vmem>>) target_semaphore(%arg12 : memref<!tpu.dma_semaphore, #tpu.memory_space<semaphore_mem>>)
    %dma_start3A_8 = arith.constant 25088 : i32
    %dma_start3A_9 = tpu.memref_slice %arg6[%dma_start3A_8] : memref<100000xf32, #tpu.memory_space<vmem>> -> memref<25088xf32, #tpu.memory_space<vmem>>
    %dma_start3A_10 = arith.constant 25088 : i32
    %dma_start3A_11 = tpu.memref_slice %arg4[%dma_start3A_10] : memref<100000xf32, #tpu.memory_space<hbm>> -> memref<25088xf32, #tpu.memory_space<hbm>>
    %dma_start3A_12 = arith.constant 25088 : i32
    %dma_start3A_13 = tpu.memref_slice %arg6[%dma_start3A_12] : memref<100000xf32, #tpu.memory_space<vmem>> -> memref<25088xf32, #tpu.memory_space<vmem>>
    %dma_start3A_14 = arith.constant 25088 : i32
    %dma_start3A_15 = tpu.memref_slice %arg4[%dma_start3A_14] : memref<100000xf32, #tpu.memory_space<hbm>> -> memref<25088xf32, #tpu.memory_space<hbm>>
    tpu.enqueue_dma source(%dma_start3A_15 : memref<25088xf32, #tpu.memory_space<hbm>>) target(%dma_start3A_13 : memref<25088xf32, #tpu.memory_space<vmem>>) target_semaphore(%arg12 : memref<!tpu.dma_semaphore, #tpu.memory_space<semaphore_mem>>)
    %dma_start3A_16 = arith.constant 50176 : i32
    %dma_start3A_17 = tpu.memref_slice %arg6[%dma_start3A_16] : memref<100000xf32, #tpu.memory_space<vmem>> -> memref<25088xf32, #tpu.memory_space<vmem>>
    %dma_start3A_18 = arith.constant 50176 : i32
    %dma_start3A_19 = tpu.memref_slice %arg4[%dma_start3A_18] : memref<100000xf32, #tpu.memory_space<hbm>> -> memref<25088xf32, #tpu.memory_space<hbm>>
    %dma_start3A_20 = arith.constant 50176 : i32
    %dma_start3A_21 = tpu.memref_slice %arg6[%dma_start3A_20] : memref<100000xf32, #tpu.memory_space<vmem>> -> memref<25088xf32, #tpu.memory_space<vmem>>
    %dma_start3A_22 = arith.constant 50176 : i32
    %dma_start3A_23 = tpu.memref_slice %arg4[%dma_start3A_22] : memref<100000xf32, #tpu.memory_space<hbm>> -> memref<25088xf32, #tpu.memory_space<hbm>>
    tpu.enqueue_dma source(%dma_start3A_23 : memref<25088xf32, #tpu.memory_space<hbm>>) target(%dma_start3A_21 : memref<25088xf32, #tpu.memory_space<vmem>>) target_semaphore(%arg12 : memref<!tpu.dma_semaphore, #tpu.memory_space<semaphore_mem>>)
    %dma_start3A_24 = arith.constant 75264 : i32
    %dma_start3A_25 = tpu.memref_slice %arg6[%dma_start3A_24] : memref<100000xf32, #tpu.memory_space<vmem>> -> memref<24736xf32, #tpu.memory_space<vmem>>
    %dma_start3A_26 = arith.constant 75264 : i32
    %dma_start3A_27 = tpu.memref_slice %arg4[%dma_start3A_26] : memref<100000xf32, #tpu.memory_space<hbm>> -> memref<24736xf32, #tpu.memory_space<hbm>>
    %dma_start3A_28 = arith.constant 75264 : i32
    %dma_start3A_29 = tpu.memref_slice %arg6[%dma_start3A_28] : memref<100000xf32, #tpu.memory_space<vmem>> -> memref<24736xf32, #tpu.memory_space<vmem>>
    %dma_start3A_30 = arith.constant 75264 : i32
    %dma_start3A_31 = tpu.memref_slice %arg4[%dma_start3A_30] : memref<100000xf32, #tpu.memory_space<hbm>> -> memref<24736xf32, #tpu.memory_space<hbm>>
    tpu.enqueue_dma source(%dma_start3A_31 : memref<24736xf32, #tpu.memory_space<hbm>>) target(%dma_start3A_29 : memref<24736xf32, #tpu.memory_space<vmem>>) target_semaphore(%arg12 : memref<!tpu.dma_semaphore, #tpu.memory_space<semaphore_mem>>)
    %mul3A_32 = arith.constant 3200 : i32
    %mul3A_33 = arith.muli %add3A, %mul3A_32 : i32
    %add3A_34 = arith.constant 0 : i32
    %add3A_35 = arith.addi %mul3A_33, %add3A_34 : i32
    %min3A = arith.constant 99328 : i32
    %min3A_36 = arith.minsi %add3A_35, %min3A : i32
    %dma_start3A_37 = arith.constant 0 : i32
    %dma_start3A_38 = tpu.memref_slice %arg2[%dma_start3A_37, %min3A_36] : memref<16x100000xi32, #tpu.memory_space<hbm>> -> memref<16x640xi32, #tpu.memory_space<hbm>>
    %dma_start3A_39 = arith.constant 0 : i32
    %dma_start3A_40 = tpu.memref_slice %arg2[%dma_start3A_39, %min3A_36] : memref<16x100000xi32, #tpu.memory_space<hbm>> -> memref<16x640xi32, #tpu.memory_space<hbm>>
    tpu.enqueue_dma source(%dma_start3A_40 : memref<16x640xi32, #tpu.memory_space<hbm>>) target(%arg7 : memref<16x640xi32, #tpu.memory_space<vmem>>) target_semaphore(%arg13 : memref<!tpu.dma_semaphore, #tpu.memory_space<semaphore_mem>>)
    %dma_wait3A = arith.constant 0 : i32
    %dma_wait3A_41 = tpu.memref_slice %arg6[%dma_wait3A] : memref<100000xf32, #tpu.memory_space<vmem>> -> memref<25088xf32, #tpu.memory_space<vmem>>
    %dma_wait3A_42 = arith.constant 0 : i32
    %dma_wait3A_43 = tpu.memref_slice %arg4[%dma_wait3A_42] : memref<100000xf32, #tpu.memory_space<hbm>> -> memref<25088xf32, #tpu.memory_space<hbm>>
    %dma_wait3A_44 = arith.constant 0 : i32
    %dma_wait3A_45 = tpu.memref_slice %arg6[%dma_wait3A_44] : memref<100000xf32, #tpu.memory_space<vmem>> -> memref<25088xf32, #tpu.memory_space<vmem>>
    %dma_wait3A_46 = arith.constant 0 : i32
    %dma_wait3A_47 = tpu.memref_slice %arg4[%dma_wait3A_46] : memref<100000xf32, #tpu.memory_space<hbm>> -> memref<25088xf32, #tpu.memory_space<hbm>>
    tpu.wait_dma2 semaphore(%arg12 : memref<!tpu.dma_semaphore, #tpu.memory_space<semaphore_mem>>) src(%dma_wait3A_47 : memref<25088xf32, #tpu.memory_space<hbm>>) dst(%dma_wait3A_45 : memref<25088xf32, #tpu.memory_space<vmem>>)
    %dma_wait3A_48 = arith.constant 25088 : i32
    %dma_wait3A_49 = tpu.memref_slice %arg6[%dma_wait3A_48] : memref<100000xf32, #tpu.memory_space<vmem>> -> memref<25088xf32, #tpu.memory_space<vmem>>
    %dma_wait3A_50 = arith.constant 25088 : i32
    %dma_wait3A_51 = tpu.memref_slice %arg4[%dma_wait3A_50] : memref<100000xf32, #tpu.memory_space<hbm>> -> memref<25088xf32, #tpu.memory_space<hbm>>
    %dma_wait3A_52 = arith.constant 25088 : i32
    %dma_wait3A_53 = tpu.memref_slice %arg6[%dma_wait3A_52] : memref<100000xf32, #tpu.memory_space<vmem>> -> memref<25088xf32, #tpu.memory_space<vmem>>
    %dma_wait3A_54 = arith.constant 25088 : i32
    %dma_wait3A_55 = tpu.memref_slice %arg4[%dma_wait3A_54] : memref<100000xf32, #tpu.memory_space<hbm>> -> memref<25088xf32, #tpu.memory_space<hbm>>
    tpu.wait_dma2 semaphore(%arg12 : memref<!tpu.dma_semaphore, #tpu.memory_space<semaphore_mem>>) src(%dma_wait3A_55 : memref<25088xf32, #tpu.memory_space<hbm>>) dst(%dma_wait3A_53 : memref<25088xf32, #tpu.memory_space<vmem>>)
    %dma_wait3A_56 = arith.constant 50176 : i32
    %dma_wait3A_57 = tpu.memref_slice %arg6[%dma_wait3A_56] : memref<100000xf32, #tpu.memory_space<vmem>> -> memref<25088xf32, #tpu.memory_space<vmem>>
    %dma_wait3A_58 = arith.constant 50176 : i32
    %dma_wait3A_59 = tpu.memref_slice %arg4[%dma_wait3A_58] : memref<100000xf32, #tpu.memory_space<hbm>> -> memref<25088xf32, #tpu.memory_space<hbm>>
    %dma_wait3A_60 = arith.constant 50176 : i32
    %dma_wait3A_61 = tpu.memref_slice %arg6[%dma_wait3A_60] : memref<100000xf32, #tpu.memory_space<vmem>> -> memref<25088xf32, #tpu.memory_space<vmem>>
    %dma_wait3A_62 = arith.constant 50176 : i32
    %dma_wait3A_63 = tpu.memref_slice %arg4[%dma_wait3A_62] : memref<100000xf32, #tpu.memory_space<hbm>> -> memref<25088xf32, #tpu.memory_space<hbm>>
    tpu.wait_dma2 semaphore(%arg12 : memref<!tpu.dma_semaphore, #tpu.memory_space<semaphore_mem>>) src(%dma_wait3A_63 : memref<25088xf32, #tpu.memory_space<hbm>>) dst(%dma_wait3A_61 : memref<25088xf32, #tpu.memory_space<vmem>>)
    %dma_wait3A_64 = arith.constant 75264 : i32
    %dma_wait3A_65 = tpu.memref_slice %arg6[%dma_wait3A_64] : memref<100000xf32, #tpu.memory_space<vmem>> -> memref<24736xf32, #tpu.memory_space<vmem>>
    %dma_wait3A_66 = arith.constant 75264 : i32
    %dma_wait3A_67 = tpu.memref_slice %arg4[%dma_wait3A_66] : memref<100000xf32, #tpu.memory_space<hbm>> -> memref<24736xf32, #tpu.memory_space<hbm>>
    %dma_wait3A_68 = arith.constant 75264 : i32
    %dma_wait3A_69 = tpu.memref_slice %arg6[%dma_wait3A_68] : memref<100000xf32, #tpu.memory_space<vmem>> -> memref<24736xf32, #tpu.memory_space<vmem>>
    %dma_wait3A_70 = arith.constant 75264 : i32
    %dma_wait3A_71 = tpu.memref_slice %arg4[%dma_wait3A_70] : memref<100000xf32, #tpu.memory_space<hbm>> -> memref<24736xf32, #tpu.memory_space<hbm>>
    tpu.wait_dma2 semaphore(%arg12 : memref<!tpu.dma_semaphore, #tpu.memory_space<semaphore_mem>>) src(%dma_wait3A_71 : memref<24736xf32, #tpu.memory_space<hbm>>) dst(%dma_wait3A_69 : memref<24736xf32, #tpu.memory_space<vmem>>)
    %add3A_72 = arith.constant 640 : i32
    %add3A_73 = arith.addi %mul3A_33, %add3A_72 : i32
    %min3A_74 = arith.constant 99328 : i32
    %min3A_75 = arith.minsi %add3A_73, %min3A_74 : i32
    %dma_start3A_76 = arith.constant 0 : i32
    %dma_start3A_77 = tpu.memref_slice %arg2[%dma_start3A_76, %min3A_75] : memref<16x100000xi32, #tpu.memory_space<hbm>> -> memref<16x640xi32, #tpu.memory_space<hbm>>
    %dma_start3A_78 = arith.constant 0 : i32
    %dma_start3A_79 = tpu.memref_slice %arg2[%dma_start3A_78, %min3A_75] : memref<16x100000xi32, #tpu.memory_space<hbm>> -> memref<16x640xi32, #tpu.memory_space<hbm>>
    tpu.enqueue_dma source(%dma_start3A_79 : memref<16x640xi32, #tpu.memory_space<hbm>>) target(%arg8 : memref<16x640xi32, #tpu.memory_space<vmem>>) target_semaphore(%arg14 : memref<!tpu.dma_semaphore, #tpu.memory_space<semaphore_mem>>)
    %dma_wait3A_80 = arith.constant 0 : i32
    %dma_wait3A_81 = tpu.memref_slice %arg2[%dma_wait3A_80, %min3A_36] : memref<16x100000xi32, #tpu.memory_space<hbm>> -> memref<16x640xi32, #tpu.memory_space<hbm>>
    %dma_wait3A_82 = arith.constant 0 : i32
    %dma_wait3A_83 = tpu.memref_slice %arg2[%dma_wait3A_82, %min3A_36] : memref<16x100000xi32, #tpu.memory_space<hbm>> -> memref<16x640xi32, #tpu.memory_space<hbm>>
    tpu.wait_dma2 semaphore(%arg13 : memref<!tpu.dma_semaphore, #tpu.memory_space<semaphore_mem>>) src(%dma_wait3A_83 : memref<16x640xi32, #tpu.memory_space<hbm>>) dst(%arg7 : memref<16x640xi32, #tpu.memory_space<vmem>>)
    %scan3A = arith.constant 0 : i32
    %scan3A_84 = arith.constant 40 : i32
    %scan3A_85 = arith.addi %scan3A, %scan3A_84 : i32
    %scan3A_86 = arith.constant 1 : i32
    scf.for %scan3A_170 = %scan3A to %scan3A_85 step %scan3A_86  : i32 {
      %mul3A_171 = arith.constant 1 : i32
      %mul3A_172 = arith.muli %scan3A_170, %mul3A_171 : i32
      %add3A_173 = arith.constant 0 : i32
      %add3A_174 = arith.addi %add3A_173, %mul3A_172 : i32
      %mul3A_175 = arith.constant 16 : i32
      %mul3A_176 = arith.muli %add3A_174, %mul3A_175 : i32
      %get3A = arith.constant 0 : i32
      %get3A_177 = arith.index_cast %get3A : i32 to index
      %get3A_178 = arith.index_cast %mul3A_176 : i32 to index
      %get3A_179 = tpu.vector_load %arg7[%get3A_177, %get3A_178] {strides = array<i32>} : memref<16x640xi32, #tpu.memory_space<vmem>>, vector<16xi32>,
      %gather3A = tpu.vector_load_idx %arg6[%get3A_179] : memref<100000xf32, #tpu.memory_space<vmem>>[vector<16xi32>], vector<16xf32>,
      %get3A_180 = arith.constant 1 : i32
      %get3A_181 = arith.index_cast %get3A_180 : i32 to index
      %get3A_182 = arith.index_cast %mul3A_176 : i32 to index
      %get3A_183 = tpu.vector_load %arg7[%get3A_181, %get3A_182] {strides = array<i32>} : memref<16x640xi32, #tpu.memory_space<vmem>>, vector<16xi32>,
      %gather3A_184 = tpu.vector_load_idx %arg6[%get3A_183] : memref<100000xf32, #tpu.memory_space<vmem>>[vector<16xi32>], vector<16xf32>,
      %get3A_185 = arith.constant 2 : i32
      %get3A_186 = arith.index_cast %get3A_185 : i32 to index
      %get3A_187 = arith.index_cast %mul3A_176 : i32 to index
      %get3A_188 = tpu.vector_load %arg7[%get3A_186, %get3A_187] {strides = array<i32>} : memref<16x640xi32, #tpu.memory_space<vmem>>, vector<16xi32>,
      %gather3A_189 = tpu.vector_load_idx %arg6[%get3A_188] : memref<100000xf32, #tpu.memory_space<vmem>>[vector<16xi32>], vector<16xf32>,
      %get3A_190 = arith.constant 3 : i32
      %get3A_191 = arith.index_cast %get3A_190 : i32 to index
      %get3A_192 = arith.index_cast %mul3A_176 : i32 to index
      %get3A_193 = tpu.vector_load %arg7[%get3A_191, %get3A_192] {strides = array<i32>} : memref<16x640xi32, #tpu.memory_space<vmem>>, vector<16xi32>,
      %gather3A_194 = tpu.vector_load_idx %arg6[%get3A_193] : memref<100000xf32, #tpu.memory_space<vmem>>[vector<16xi32>], vector<16xf32>,
      %get3A_195 = arith.constant 4 : i32
      %get3A_196 = arith.index_cast %get3A_195 : i32 to index
      %get3A_197 = arith.index_cast %mul3A_176 : i32 to index
      %get3A_198 = tpu.vector_load %arg7[%get3A_196, %get3A_197] {strides = array<i32>} : memref<16x640xi32, #tpu.memory_space<vmem>>, vector<16xi32>,
      %gather3A_199 = tpu.vector_load_idx %arg6[%get3A_198] : memref<100000xf32, #tpu.memory_space<vmem>>[vector<16xi32>], vector<16xf32>,
      %add3A_200 = arith.addf %gather3A, %gather3A_199 : vector<16xf32>
      %get3A_201 = arith.constant 5 : i32
      %get3A_202 = arith.index_cast %get3A_201 : i32 to index
      %get3A_203 = arith.index_cast %mul3A_176 : i32 to index
      %get3A_204 = tpu.vector_load %arg7[%get3A_202, %get3A_203] {strides = array<i32>} : memref<16x640xi32, #tpu.memory_space<vmem>>, vector<16xi32>,
      %gather3A_205 = tpu.vector_load_idx %arg6[%get3A_204] : memref<100000xf32, #tpu.memory_space<vmem>>[vector<16xi32>], vector<16xf32>,
      %add3A_206 = arith.addf %gather3A_184, %gather3A_205 : vector<16xf32>
      %get3A_207 = arith.constant 6 : i32
      %get3A_208 = arith.index_cast %get3A_207 : i32 to index
      %get3A_209 = arith.index_cast %mul3A_176 : i32 to index
      %get3A_210 = tpu.vector_load %arg7[%get3A_208, %get3A_209] {strides = array<i32>} : memref<16x640xi32, #tpu.memory_space<vmem>>, vector<16xi32>,
      %gather3A_211 = tpu.vector_load_idx %arg6[%get3A_210] : memref<100000xf32, #tpu.memory_space<vmem>>[vector<16xi32>], vector<16xf32>,
      %add3A_212 = arith.addf %gather3A_189, %gather3A_211 : vector<16xf32>
      %get3A_213 = arith.constant 7 : i32
      %get3A_214 = arith.index_cast %get3A_213 : i32 to index
      %get3A_215 = arith.index_cast %mul3A_176 : i32 to index
      %get3A_216 = tpu.vector_load %arg7[%get3A_214, %get3A_215] {strides = array<i32>} : memref<16x640xi32, #tpu.memory_space<vmem>>, vector<16xi32>,
      %gather3A_217 = tpu.vector_load_idx %arg6[%get3A_216] : memref<100000xf32, #tpu.memory_space<vmem>>[vector<16xi32>], vector<16xf32>,
      %add3A_218 = arith.addf %gather3A_194, %gather3A_217 : vector<16xf32>
      %get3A_219 = arith.constant 8 : i32
      %get3A_220 = arith.index_cast %get3A_219 : i32 to index
      %get3A_221 = arith.index_cast %mul3A_176 : i32 to index
      %get3A_222 = tpu.vector_load %arg7[%get3A_220, %get3A_221] {strides = array<i32>} : memref<16x640xi32, #tpu.memory_space<vmem>>, vector<16xi32>,
      %gather3A_223 = tpu.vector_load_idx %arg6[%get3A_222] : memref<100000xf32, #tpu.memory_space<vmem>>[vector<16xi32>], vector<16xf32>,
      %add3A_224 = arith.addf %add3A_200, %gather3A_223 : vector<16xf32>
      %get3A_225 = arith.constant 9 : i32
      %get3A_226 = arith.index_cast %get3A_225 : i32 to index
      %get3A_227 = arith.index_cast %mul3A_176 : i32 to index
      %get3A_228 = tpu.vector_load %arg7[%get3A_226, %get3A_227] {strides = array<i32>} : memref<16x640xi32, #tpu.memory_space<vmem>>, vector<16xi32>,
      %gather3A_229 = tpu.vector_load_idx %arg6[%get3A_228] : memref<100000xf32, #tpu.memory_space<vmem>>[vector<16xi32>], vector<16xf32>,
      %add3A_230 = arith.addf %add3A_206, %gather3A_229 : vector<16xf32>
      %get3A_231 = arith.constant 10 : i32
      %get3A_232 = arith.index_cast %get3A_231 : i32 to index
      %get3A_233 = arith.index_cast %mul3A_176 : i32 to index
      %get3A_234 = tpu.vector_load %arg7[%get3A_232, %get3A_233] {strides = array<i32>} : memref<16x640xi32, #tpu.memory_space<vmem>>, vector<16xi32>,
      %gather3A_235 = tpu.vector_load_idx %arg6[%get3A_234] : memref<100000xf32, #tpu.memory_space<vmem>>[vector<16xi32>], vector<16xf32>,
      %add3A_236 = arith.addf %add3A_212, %gather3A_235 : vector<16xf32>
      %get3A_237 = arith.constant 11 : i32
      %get3A_238 = arith.index_cast %get3A_237 : i32 to index
      %get3A_239 = arith.index_cast %mul3A_176 : i32 to index
      %get3A_240 = tpu.vector_load %arg7[%get3A_238, %get3A_239] {strides = array<i32>} : memref<16x640xi32, #tpu.memory_space<vmem>>, vector<16xi32>,
      %gather3A_241 = tpu.vector_load_idx %arg6[%get3A_240] : memref<100000xf32, #tpu.memory_space<vmem>>[vector<16xi32>], vector<16xf32>,
      %add3A_242 = arith.addf %add3A_218, %gather3A_241 : vector<16xf32>
      %get3A_243 = arith.constant 12 : i32
      %get3A_244 = arith.index_cast %get3A_243 : i32 to index
      %get3A_245 = arith.index_cast %mul3A_176 : i32 to index
      %get3A_246 = tpu.vector_load %arg7[%get3A_244, %get3A_245] {strides = array<i32>} : memref<16x640xi32, #tpu.memory_space<vmem>>, vector<16xi32>,
      %gather3A_247 = tpu.vector_load_idx %arg6[%get3A_246] : memref<100000xf32, #tpu.memory_space<vmem>>[vector<16xi32>], vector<16xf32>,
      %add3A_248 = arith.addf %add3A_224, %gather3A_247 : vector<16xf32>
      %get3A_249 = arith.constant 13 : i32
      %get3A_250 = arith.index_cast %get3A_249 : i32 to index
      %get3A_251 = arith.index_cast %mul3A_176 : i32 to index
      %get3A_252 = tpu.vector_load %arg7[%get3A_250, %get3A_251] {strides = array<i32>} : memref<16x640xi32, #tpu.memory_space<vmem>>, vector<16xi32>,
      %gather3A_253 = tpu.vector_load_idx %arg6[%get3A_252] : memref<100000xf32, #tpu.memory_space<vmem>>[vector<16xi32>], vector<16xf32>,
      %add3A_254 = arith.addf %add3A_230, %gather3A_253 : vector<16xf32>
      %get3A_255 = arith.constant 14 : i32
      %get3A_256 = arith.index_cast %get3A_255 : i32 to index
      %get3A_257 = arith.index_cast %mul3A_176 : i32 to index
      %get3A_258 = tpu.vector_load %arg7[%get3A_256, %get3A_257] {strides = array<i32>} : memref<16x640xi32, #tpu.memory_space<vmem>>, vector<16xi32>,
      %gather3A_259 = tpu.vector_load_idx %arg6[%get3A_258] : memref<100000xf32, #tpu.memory_space<vmem>>[vector<16xi32>], vector<16xf32>,
      %add3A_260 = arith.addf %add3A_236, %gather3A_259 : vector<16xf32>
      %get3A_261 = arith.constant 15 : i32
      %get3A_262 = arith.index_cast %get3A_261 : i32 to index
      %get3A_263 = arith.index_cast %mul3A_176 : i32 to index
      %get3A_264 = tpu.vector_load %arg7[%get3A_262, %get3A_263] {strides = array<i32>} : memref<16x640xi32, #tpu.memory_space<vmem>>, vector<16xi32>,
      %gather3A_265 = tpu.vector_load_idx %arg6[%get3A_264] : memref<100000xf32, #tpu.memory_space<vmem>>[vector<16xi32>], vector<16xf32>,
      %add3A_266 = arith.addf %add3A_242, %gather3A_265 : vector<16xf32>
      %add3A_267 = arith.addf %add3A_248, %add3A_254 : vector<16xf32>
      %add3A_268 = arith.addf %add3A_260, %add3A_266 : vector<16xf32>
      %add3A_269 = arith.addf %add3A_267, %add3A_268 : vector<16xf32>
      %swap3A = arith.index_cast %mul3A_176 : i32 to index
      %swap3A_270 = tpu.vector_load %arg9[%swap3A] {strides = array<i32>} : memref<640xf32, #tpu.memory_space<vmem>>, vector<16xf32>,
      tpu.vector_store %arg9[%swap3A], %add3A_269 {strides = array<i32>} : memref<640xf32, #tpu.memory_space<vmem>>, vector<16xf32>,
    }
    %scan3A_87 = arith.constant 40 : i32
    %add3A_88 = arith.constant 0 : i32
    %add3A_89 = arith.addi %mul3A_33, %add3A_88 : i32
    %min3A_90 = arith.constant 99328 : i32
    %min3A_91 = arith.minsi %add3A_89, %min3A_90 : i32
    "tpu.region"() ({
      %run_scoped3A = tpu.sem_alloc : memref<!tpu.dma_semaphore, #tpu.memory_space<semaphore_mem>>
      %dma_start3A_170 = tpu.memref_slice %arg5[%min3A_91] : memref<102400xf32, #tpu.memory_space<hbm>> -> memref<640xf32, #tpu.memory_space<hbm>>
      %dma_start3A_171 = tpu.memref_slice %arg5[%min3A_91] : memref<102400xf32, #tpu.memory_space<hbm>> -> memref<640xf32, #tpu.memory_space<hbm>>
      tpu.enqueue_dma source(%arg9 : memref<640xf32, #tpu.memory_space<vmem>>) target(%dma_start3A_171 : memref<640xf32, #tpu.memory_space<hbm>>) target_semaphore(%run_scoped3A : memref<!tpu.dma_semaphore, #tpu.memory_space<semaphore_mem>>)
      %dma_wait3A_172 = tpu.memref_slice %arg5[%min3A_91] : memref<102400xf32, #tpu.memory_space<hbm>> -> memref<640xf32, #tpu.memory_space<hbm>>
      %dma_wait3A_173 = tpu.memref_slice %arg5[%min3A_91] : memref<102400xf32, #tpu.memory_space<hbm>> -> memref<640xf32, #tpu.memory_space<hbm>>
      tpu.wait_dma2 semaphore(%run_scoped3A : memref<!tpu.dma_semaphore, #tpu.memory_space<semaphore_mem>>) src(%arg9 : memref<640xf32, #tpu.memory_space<vmem>>) dst(%dma_wait3A_173 : memref<640xf32, #tpu.memory_space<hbm>>)
      tpu.yield
    }) : () -> ()
    %add3A_92 = arith.constant 1280 : i32
    %add3A_93 = arith.addi %mul3A_33, %add3A_92 : i32
    %min3A_94 = arith.constant 99328 : i32
    %min3A_95 = arith.minsi %add3A_93, %min3A_94 : i32
    %dma_start3A_96 = arith.constant 0 : i32
    %dma_start3A_97 = tpu.memref_slice %arg2[%dma_start3A_96, %min3A_95] : memref<16x100000xi32, #tpu.memory_space<hbm>> -> memref<16x640xi32, #tpu.memory_space<hbm>>
    %dma_start3A_98 = arith.constant 0 : i32
    %dma_start3A_99 = tpu.memref_slice %arg2[%dma_start3A_98, %min3A_95] : memref<16x100000xi32, #tpu.memory_space<hbm>> -> memref<16x640xi32, #tpu.memory_space<hbm>>
    tpu.enqueue_dma source(%dma_start3A_99 : memref<16x640xi32, #tpu.memory_space<hbm>>) target(%arg7 : memref<16x640xi32, #tpu.memory_space<vmem>>) target_semaphore(%arg13 : memref<!tpu.dma_semaphore, #tpu.memory_space<semaphore_mem>>)
    %dma_wait3A_100 = arith.constant 0 : i32
    %dma_wait3A_101 = tpu.memref_slice %arg2[%dma_wait3A_100, %min3A_75] : memref<16x100000xi32, #tpu.memory_space<hbm>> -> memref<16x640xi32, #tpu.memory_space<hbm>>
    %dma_wait3A_102 = arith.constant 0 : i32
    %dma_wait3A_103 = tpu.memref_slice %arg2[%dma_wait3A_102, %min3A_75] : memref<16x100000xi32, #tpu.memory_space<hbm>> -> memref<16x640xi32, #tpu.memory_space<hbm>>
    tpu.wait_dma2 semaphore(%arg14 : memref<!tpu.dma_semaphore, #tpu.memory_space<semaphore_mem>>) src(%dma_wait3A_103 : memref<16x640xi32, #tpu.memory_space<hbm>>) dst(%arg8 : memref<16x640xi32, #tpu.memory_space<vmem>>)
    %scan3A_104 = arith.constant 0 : i32
    %scan3A_105 = arith.constant 40 : i32
    %scan3A_106 = arith.addi %scan3A_104, %scan3A_105 : i32
    %scan3A_107 = arith.constant 1 : i32
    scf.for %scan3A_170 = %scan3A_104 to %scan3A_106 step %scan3A_107  : i32 {
      %mul3A_171 = arith.constant 1 : i32
      %mul3A_172 = arith.muli %scan3A_170, %mul3A_171 : i32
      %add3A_173 = arith.constant 0 : i32
      %add3A_174 = arith.addi %add3A_173, %mul3A_172 : i32
      %mul3A_175 = arith.constant 16 : i32
      %mul3A_176 = arith.muli %add3A_174, %mul3A_175 : i32
      %get3A = arith.constant 0 : i32
      %get3A_177 = arith.index_cast %get3A : i32 to index
      %get3A_178 = arith.index_cast %mul3A_176 : i32 to index
      %get3A_179 = tpu.vector_load %arg8[%get3A_177, %get3A_178] {strides = array<i32>} : memref<16x640xi32, #tpu.memory_space<vmem>>, vector<16xi32>,
      %gather3A = tpu.vector_load_idx %arg6[%get3A_179] : memref<100000xf32, #tpu.memory_space<vmem>>[vector<16xi32>], vector<16xf32>,
      %get3A_180 = arith.constant 1 : i32
      %get3A_181 = arith.index_cast %get3A_180 : i32 to index
      %get3A_182 = arith.index_cast %mul3A_176 : i32 to index
      %get3A_183 = tpu.vector_load %arg8[%get3A_181, %get3A_182] {strides = array<i32>} : memref<16x640xi32, #tpu.memory_space<vmem>>, vector<16xi32>,
      %gather3A_184 = tpu.vector_load_idx %arg6[%get3A_183] : memref<100000xf32, #tpu.memory_space<vmem>>[vector<16xi32>], vector<16xf32>,
      %get3A_185 = arith.constant 2 : i32
      %get3A_186 = arith.index_cast %get3A_185 : i32 to index
      %get3A_187 = arith.index_cast %mul3A_176 : i32 to index
      %get3A_188 = tpu.vector_load %arg8[%get3A_186, %get3A_187] {strides = array<i32>} : memref<16x640xi32, #tpu.memory_space<vmem>>, vector<16xi32>,
      %gather3A_189 = tpu.vector_load_idx %arg6[%get3A_188] : memref<100000xf32, #tpu.memory_space<vmem>>[vector<16xi32>], vector<16xf32>,
      %get3A_190 = arith.constant 3 : i32
      %get3A_191 = arith.index_cast %get3A_190 : i32 to index
      %get3A_192 = arith.index_cast %mul3A_176 : i32 to index
      %get3A_193 = tpu.vector_load %arg8[%get3A_191, %get3A_192] {strides = array<i32>} : memref<16x640xi32, #tpu.memory_space<vmem>>, vector<16xi32>,
      %gather3A_194 = tpu.vector_load_idx %arg6[%get3A_193] : memref<100000xf32, #tpu.memory_space<vmem>>[vector<16xi32>], vector<16xf32>,
      %get3A_195 = arith.constant 4 : i32
      %get3A_196 = arith.index_cast %get3A_195 : i32 to index
      %get3A_197 = arith.index_cast %mul3A_176 : i32 to index
      %get3A_198 = tpu.vector_load %arg8[%get3A_196, %get3A_197] {strides = array<i32>} : memref<16x640xi32, #tpu.memory_space<vmem>>, vector<16xi32>,
      %gather3A_199 = tpu.vector_load_idx %arg6[%get3A_198] : memref<100000xf32, #tpu.memory_space<vmem>>[vector<16xi32>], vector<16xf32>,
      %add3A_200 = arith.addf %gather3A, %gather3A_199 : vector<16xf32>
      %get3A_201 = arith.constant 5 : i32
      %get3A_202 = arith.index_cast %get3A_201 : i32 to index
      %get3A_203 = arith.index_cast %mul3A_176 : i32 to index
      %get3A_204 = tpu.vector_load %arg8[%get3A_202, %get3A_203] {strides = array<i32>} : memref<16x640xi32, #tpu.memory_space<vmem>>, vector<16xi32>,
      %gather3A_205 = tpu.vector_load_idx %arg6[%get3A_204] : memref<100000xf32, #tpu.memory_space<vmem>>[vector<16xi32>], vector<16xf32>,
      %add3A_206 = arith.addf %gather3A_184, %gather3A_205 : vector<16xf32>
      %get3A_207 = arith.constant 6 : i32
      %get3A_208 = arith.index_cast %get3A_207 : i32 to index
      %get3A_209 = arith.index_cast %mul3A_176 : i32 to index
      %get3A_210 = tpu.vector_load %arg8[%get3A_208, %get3A_209] {strides = array<i32>} : memref<16x640xi32, #tpu.memory_space<vmem>>, vector<16xi32>,
      %gather3A_211 = tpu.vector_load_idx %arg6[%get3A_210] : memref<100000xf32, #tpu.memory_space<vmem>>[vector<16xi32>], vector<16xf32>,
      %add3A_212 = arith.addf %gather3A_189, %gather3A_211 : vector<16xf32>
      %get3A_213 = arith.constant 7 : i32
      %get3A_214 = arith.index_cast %get3A_213 : i32 to index
      %get3A_215 = arith.index_cast %mul3A_176 : i32 to index
      %get3A_216 = tpu.vector_load %arg8[%get3A_214, %get3A_215] {strides = array<i32>} : memref<16x640xi32, #tpu.memory_space<vmem>>, vector<16xi32>,
      %gather3A_217 = tpu.vector_load_idx %arg6[%get3A_216] : memref<100000xf32, #tpu.memory_space<vmem>>[vector<16xi32>], vector<16xf32>,
      %add3A_218 = arith.addf %gather3A_194, %gather3A_217 : vector<16xf32>
      %get3A_219 = arith.constant 8 : i32
      %get3A_220 = arith.index_cast %get3A_219 : i32 to index
      %get3A_221 = arith.index_cast %mul3A_176 : i32 to index
      %get3A_222 = tpu.vector_load %arg8[%get3A_220, %get3A_221] {strides = array<i32>} : memref<16x640xi32, #tpu.memory_space<vmem>>, vector<16xi32>,
      %gather3A_223 = tpu.vector_load_idx %arg6[%get3A_222] : memref<100000xf32, #tpu.memory_space<vmem>>[vector<16xi32>], vector<16xf32>,
      %add3A_224 = arith.addf %add3A_200, %gather3A_223 : vector<16xf32>
      %get3A_225 = arith.constant 9 : i32
      %get3A_226 = arith.index_cast %get3A_225 : i32 to index
      %get3A_227 = arith.index_cast %mul3A_176 : i32 to index
      %get3A_228 = tpu.vector_load %arg8[%get3A_226, %get3A_227] {strides = array<i32>} : memref<16x640xi32, #tpu.memory_space<vmem>>, vector<16xi32>,
      %gather3A_229 = tpu.vector_load_idx %arg6[%get3A_228] : memref<100000xf32, #tpu.memory_space<vmem>>[vector<16xi32>], vector<16xf32>,
      %add3A_230 = arith.addf %add3A_206, %gather3A_229 : vector<16xf32>
      %get3A_231 = arith.constant 10 : i32
      %get3A_232 = arith.index_cast %get3A_231 : i32 to index
      %get3A_233 = arith.index_cast %mul3A_176 : i32 to index
      %get3A_234 = tpu.vector_load %arg8[%get3A_232, %get3A_233] {strides = array<i32>} : memref<16x640xi32, #tpu.memory_space<vmem>>, vector<16xi32>,
      %gather3A_235 = tpu.vector_load_idx %arg6[%get3A_234] : memref<100000xf32, #tpu.memory_space<vmem>>[vector<16xi32>], vector<16xf32>,
      %add3A_236 = arith.addf %add3A_212, %gather3A_235 : vector<16xf32>
      %get3A_237 = arith.constant 11 : i32
      %get3A_238 = arith.index_cast %get3A_237 : i32 to index
      %get3A_239 = arith.index_cast %mul3A_176 : i32 to index
      %get3A_240 = tpu.vector_load %arg8[%get3A_238, %get3A_239] {strides = array<i32>} : memref<16x640xi32, #tpu.memory_space<vmem>>, vector<16xi32>,
      %gather3A_241 = tpu.vector_load_idx %arg6[%get3A_240] : memref<100000xf32, #tpu.memory_space<vmem>>[vector<16xi32>], vector<16xf32>,
      %add3A_242 = arith.addf %add3A_218, %gather3A_241 : vector<16xf32>
      %get3A_243 = arith.constant 12 : i32
      %get3A_244 = arith.index_cast %get3A_243 : i32 to index
      %get3A_245 = arith.index_cast %mul3A_176 : i32 to index
      %get3A_246 = tpu.vector_load %arg8[%get3A_244, %get3A_245] {strides = array<i32>} : memref<16x640xi32, #tpu.memory_space<vmem>>, vector<16xi32>,
      %gather3A_247 = tpu.vector_load_idx %arg6[%get3A_246] : memref<100000xf32, #tpu.memory_space<vmem>>[vector<16xi32>], vector<16xf32>,
      %add3A_248 = arith.addf %add3A_224, %gather3A_247 : vector<16xf32>
      %get3A_249 = arith.constant 13 : i32
      %get3A_250 = arith.index_cast %get3A_249 : i32 to index
      %get3A_251 = arith.index_cast %mul3A_176 : i32 to index
      %get3A_252 = tpu.vector_load %arg8[%get3A_250, %get3A_251] {strides = array<i32>} : memref<16x640xi32, #tpu.memory_space<vmem>>, vector<16xi32>,
      %gather3A_253 = tpu.vector_load_idx %arg6[%get3A_252] : memref<100000xf32, #tpu.memory_space<vmem>>[vector<16xi32>], vector<16xf32>,
      %add3A_254 = arith.addf %add3A_230, %gather3A_253 : vector<16xf32>
      %get3A_255 = arith.constant 14 : i32
      %get3A_256 = arith.index_cast %get3A_255 : i32 to index
      %get3A_257 = arith.index_cast %mul3A_176 : i32 to index
      %get3A_258 = tpu.vector_load %arg8[%get3A_256, %get3A_257] {strides = array<i32>} : memref<16x640xi32, #tpu.memory_space<vmem>>, vector<16xi32>,
      %gather3A_259 = tpu.vector_load_idx %arg6[%get3A_258] : memref<100000xf32, #tpu.memory_space<vmem>>[vector<16xi32>], vector<16xf32>,
      %add3A_260 = arith.addf %add3A_236, %gather3A_259 : vector<16xf32>
      %get3A_261 = arith.constant 15 : i32
      %get3A_262 = arith.index_cast %get3A_261 : i32 to index
      %get3A_263 = arith.index_cast %mul3A_176 : i32 to index
      %get3A_264 = tpu.vector_load %arg8[%get3A_262, %get3A_263] {strides = array<i32>} : memref<16x640xi32, #tpu.memory_space<vmem>>, vector<16xi32>,
      %gather3A_265 = tpu.vector_load_idx %arg6[%get3A_264] : memref<100000xf32, #tpu.memory_space<vmem>>[vector<16xi32>], vector<16xf32>,
      %add3A_266 = arith.addf %add3A_242, %gather3A_265 : vector<16xf32>
      %add3A_267 = arith.addf %add3A_248, %add3A_254 : vector<16xf32>
      %add3A_268 = arith.addf %add3A_260, %add3A_266 : vector<16xf32>
      %add3A_269 = arith.addf %add3A_267, %add3A_268 : vector<16xf32>
      %swap3A = arith.index_cast %mul3A_176 : i32 to index
      %swap3A_270 = tpu.vector_load %arg9[%swap3A] {strides = array<i32>} : memref<640xf32, #tpu.memory_space<vmem>>, vector<16xf32>,
      tpu.vector_store %arg9[%swap3A], %add3A_269 {strides = array<i32>} : memref<640xf32, #tpu.memory_space<vmem>>, vector<16xf32>,
    }
    %scan3A_108 = arith.constant 40 : i32
    %add3A_109 = arith.constant 640 : i32
    %add3A_110 = arith.addi %mul3A_33, %add3A_109 : i32
    %min3A_111 = arith.constant 99328 : i32
    %min3A_112 = arith.minsi %add3A_110, %min3A_111 : i32
    "tpu.region"() ({
      %run_scoped3A = tpu.sem_alloc : memref<!tpu.dma_semaphore, #tpu.memory_space<semaphore_mem>>
      %dma_start3A_170 = tpu.memref_slice %arg5[%min3A_112] : memref<102400xf32, #tpu.memory_space<hbm>> -> memref<640xf32, #tpu.memory_space<hbm>>
      %dma_start3A_171 = tpu.memref_slice %arg5[%min3A_112] : memref<102400xf32, #tpu.memory_space<hbm>> -> memref<640xf32, #tpu.memory_space<hbm>>
      tpu.enqueue_dma source(%arg9 : memref<640xf32, #tpu.memory_space<vmem>>) target(%dma_start3A_171 : memref<640xf32, #tpu.memory_space<hbm>>) target_semaphore(%run_scoped3A : memref<!tpu.dma_semaphore, #tpu.memory_space<semaphore_mem>>)
      %dma_wait3A_172 = tpu.memref_slice %arg5[%min3A_112] : memref<102400xf32, #tpu.memory_space<hbm>> -> memref<640xf32, #tpu.memory_space<hbm>>
      %dma_wait3A_173 = tpu.memref_slice %arg5[%min3A_112] : memref<102400xf32, #tpu.memory_space<hbm>> -> memref<640xf32, #tpu.memory_space<hbm>>
      tpu.wait_dma2 semaphore(%run_scoped3A : memref<!tpu.dma_semaphore, #tpu.memory_space<semaphore_mem>>) src(%arg9 : memref<640xf32, #tpu.memory_space<vmem>>) dst(%dma_wait3A_173 : memref<640xf32, #tpu.memory_space<hbm>>)
      tpu.yield
    }) : () -> ()
    %add3A_113 = arith.constant 1920 : i32
    %add3A_114 = arith.addi %mul3A_33, %add3A_113 : i32
    %min3A_115 = arith.constant 99328 : i32
    %min3A_116 = arith.minsi %add3A_114, %min3A_115 : i32
    %dma_start3A_117 = arith.constant 0 : i32
    %dma_start3A_118 = tpu.memref_slice %arg2[%dma_start3A_117, %min3A_116] : memref<16x100000xi32, #tpu.memory_space<hbm>> -> memref<16x640xi32, #tpu.memory_space<hbm>>
    %dma_start3A_119 = arith.constant 0 : i32
    %dma_start3A_120 = tpu.memref_slice %arg2[%dma_start3A_119, %min3A_116] : memref<16x100000xi32, #tpu.memory_space<hbm>> -> memref<16x640xi32, #tpu.memory_space<hbm>>
    tpu.enqueue_dma source(%dma_start3A_120 : memref<16x640xi32, #tpu.memory_space<hbm>>) target(%arg8 : memref<16x640xi32, #tpu.memory_space<vmem>>) target_semaphore(%arg14 : memref<!tpu.dma_semaphore, #tpu.memory_space<semaphore_mem>>)
    %dma_wait3A_121 = arith.constant 0 : i32
    %dma_wait3A_122 = tpu.memref_slice %arg2[%dma_wait3A_121, %min3A_95] : memref<16x100000xi32, #tpu.memory_space<hbm>> -> memref<16x640xi32, #tpu.memory_space<hbm>>
    %dma_wait3A_123 = arith.constant 0 : i32
    %dma_wait3A_124 = tpu.memref_slice %arg2[%dma_wait3A_123, %min3A_95] : memref<16x100000xi32, #tpu.memory_space<hbm>> -> memref<16x640xi32, #tpu.memory_space<hbm>>
    tpu.wait_dma2 semaphore(%arg13 : memref<!tpu.dma_semaphore, #tpu.memory_space<semaphore_mem>>) src(%dma_wait3A_124 : memref<16x640xi32, #tpu.memory_space<hbm>>) dst(%arg7 : memref<16x640xi32, #tpu.memory_space<vmem>>)
    %scan3A_125 = arith.constant 0 : i32
    %scan3A_126 = arith.constant 40 : i32
    %scan3A_127 = arith.addi %scan3A_125, %scan3A_126 : i32
    %scan3A_128 = arith.constant 1 : i32
    scf.for %scan3A_170 = %scan3A_125 to %scan3A_127 step %scan3A_128  : i32 {
      %mul3A_171 = arith.constant 1 : i32
      %mul3A_172 = arith.muli %scan3A_170, %mul3A_171 : i32
      %add3A_173 = arith.constant 0 : i32
      %add3A_174 = arith.addi %add3A_173, %mul3A_172 : i32
      %mul3A_175 = arith.constant 16 : i32
      %mul3A_176 = arith.muli %add3A_174, %mul3A_175 : i32
      %get3A = arith.constant 0 : i32
      %get3A_177 = arith.index_cast %get3A : i32 to index
      %get3A_178 = arith.index_cast %mul3A_176 : i32 to index
      %get3A_179 = tpu.vector_load %arg7[%get3A_177, %get3A_178] {strides = array<i32>} : memref<16x640xi32, #tpu.memory_space<vmem>>, vector<16xi32>,
      %gather3A = tpu.vector_load_idx %arg6[%get3A_179] : memref<100000xf32, #tpu.memory_space<vmem>>[vector<16xi32>], vector<16xf32>,
      %get3A_180 = arith.constant 1 : i32
      %get3A_181 = arith.index_cast %get3A_180 : i32 to index
      %get3A_182 = arith.index_cast %mul3A_176 : i32 to index
      %get3A_183 = tpu.vector_load %arg7[%get3A_181, %get3A_182] {strides = array<i32>} : memref<16x640xi32, #tpu.memory_space<vmem>>, vector<16xi32>,
      %gather3A_184 = tpu.vector_load_idx %arg6[%get3A_183] : memref<100000xf32, #tpu.memory_space<vmem>>[vector<16xi32>], vector<16xf32>,
      %get3A_185 = arith.constant 2 : i32
      %get3A_186 = arith.index_cast %get3A_185 : i32 to index
      %get3A_187 = arith.index_cast %mul3A_176 : i32 to index
      %get3A_188 = tpu.vector_load %arg7[%get3A_186, %get3A_187] {strides = array<i32>} : memref<16x640xi32, #tpu.memory_space<vmem>>, vector<16xi32>,
      %gather3A_189 = tpu.vector_load_idx %arg6[%get3A_188] : memref<100000xf32, #tpu.memory_space<vmem>>[vector<16xi32>], vector<16xf32>,
      %get3A_190 = arith.constant 3 : i32
      %get3A_191 = arith.index_cast %get3A_190 : i32 to index
      %get3A_192 = arith.index_cast %mul3A_176 : i32 to index
      %get3A_193 = tpu.vector_load %arg7[%get3A_191, %get3A_192] {strides = array<i32>} : memref<16x640xi32, #tpu.memory_space<vmem>>, vector<16xi32>,
      %gather3A_194 = tpu.vector_load_idx %arg6[%get3A_193] : memref<100000xf32, #tpu.memory_space<vmem>>[vector<16xi32>], vector<16xf32>,
      %get3A_195 = arith.constant 4 : i32
      %get3A_196 = arith.index_cast %get3A_195 : i32 to index
      %get3A_197 = arith.index_cast %mul3A_176 : i32 to index
      %get3A_198 = tpu.vector_load %arg7[%get3A_196, %get3A_197] {strides = array<i32>} : memref<16x640xi32, #tpu.memory_space<vmem>>, vector<16xi32>,
      %gather3A_199 = tpu.vector_load_idx %arg6[%get3A_198] : memref<100000xf32, #tpu.memory_space<vmem>>[vector<16xi32>], vector<16xf32>,
      %add3A_200 = arith.addf %gather3A, %gather3A_199 : vector<16xf32>
      %get3A_201 = arith.constant 5 : i32
      %get3A_202 = arith.index_cast %get3A_201 : i32 to index
      %get3A_203 = arith.index_cast %mul3A_176 : i32 to index
      %get3A_204 = tpu.vector_load %arg7[%get3A_202, %get3A_203] {strides = array<i32>} : memref<16x640xi32, #tpu.memory_space<vmem>>, vector<16xi32>,
      %gather3A_205 = tpu.vector_load_idx %arg6[%get3A_204] : memref<100000xf32, #tpu.memory_space<vmem>>[vector<16xi32>], vector<16xf32>,
      %add3A_206 = arith.addf %gather3A_184, %gather3A_205 : vector<16xf32>
      %get3A_207 = arith.constant 6 : i32
      %get3A_208 = arith.index_cast %get3A_207 : i32 to index
      %get3A_209 = arith.index_cast %mul3A_176 : i32 to index
      %get3A_210 = tpu.vector_load %arg7[%get3A_208, %get3A_209] {strides = array<i32>} : memref<16x640xi32, #tpu.memory_space<vmem>>, vector<16xi32>,
      %gather3A_211 = tpu.vector_load_idx %arg6[%get3A_210] : memref<100000xf32, #tpu.memory_space<vmem>>[vector<16xi32>], vector<16xf32>,
      %add3A_212 = arith.addf %gather3A_189, %gather3A_211 : vector<16xf32>
      %get3A_213 = arith.constant 7 : i32
      %get3A_214 = arith.index_cast %get3A_213 : i32 to index
      %get3A_215 = arith.index_cast %mul3A_176 : i32 to index
      %get3A_216 = tpu.vector_load %arg7[%get3A_214, %get3A_215] {strides = array<i32>} : memref<16x640xi32, #tpu.memory_space<vmem>>, vector<16xi32>,
      %gather3A_217 = tpu.vector_load_idx %arg6[%get3A_216] : memref<100000xf32, #tpu.memory_space<vmem>>[vector<16xi32>], vector<16xf32>,
      %add3A_218 = arith.addf %gather3A_194, %gather3A_217 : vector<16xf32>
      %get3A_219 = arith.constant 8 : i32
      %get3A_220 = arith.index_cast %get3A_219 : i32 to index
      %get3A_221 = arith.index_cast %mul3A_176 : i32 to index
      %get3A_222 = tpu.vector_load %arg7[%get3A_220, %get3A_221] {strides = array<i32>} : memref<16x640xi32, #tpu.memory_space<vmem>>, vector<16xi32>,
      %gather3A_223 = tpu.vector_load_idx %arg6[%get3A_222] : memref<100000xf32, #tpu.memory_space<vmem>>[vector<16xi32>], vector<16xf32>,
      %add3A_224 = arith.addf %add3A_200, %gather3A_223 : vector<16xf32>
      %get3A_225 = arith.constant 9 : i32
      %get3A_226 = arith.index_cast %get3A_225 : i32 to index
      %get3A_227 = arith.index_cast %mul3A_176 : i32 to index
      %get3A_228 = tpu.vector_load %arg7[%get3A_226, %get3A_227] {strides = array<i32>} : memref<16x640xi32, #tpu.memory_space<vmem>>, vector<16xi32>,
      %gather3A_229 = tpu.vector_load_idx %arg6[%get3A_228] : memref<100000xf32, #tpu.memory_space<vmem>>[vector<16xi32>], vector<16xf32>,
      %add3A_230 = arith.addf %add3A_206, %gather3A_229 : vector<16xf32>
      %get3A_231 = arith.constant 10 : i32
      %get3A_232 = arith.index_cast %get3A_231 : i32 to index
      %get3A_233 = arith.index_cast %mul3A_176 : i32 to index
      %get3A_234 = tpu.vector_load %arg7[%get3A_232, %get3A_233] {strides = array<i32>} : memref<16x640xi32, #tpu.memory_space<vmem>>, vector<16xi32>,
      %gather3A_235 = tpu.vector_load_idx %arg6[%get3A_234] : memref<100000xf32, #tpu.memory_space<vmem>>[vector<16xi32>], vector<16xf32>,
      %add3A_236 = arith.addf %add3A_212, %gather3A_235 : vector<16xf32>
      %get3A_237 = arith.constant 11 : i32
      %get3A_238 = arith.index_cast %get3A_237 : i32 to index
      %get3A_239 = arith.index_cast %mul3A_176 : i32 to index
      %get3A_240 = tpu.vector_load %arg7[%get3A_238, %get3A_239] {strides = array<i32>} : memref<16x640xi32, #tpu.memory_space<vmem>>, vector<16xi32>,
      %gather3A_241 = tpu.vector_load_idx %arg6[%get3A_240] : memref<100000xf32, #tpu.memory_space<vmem>>[vector<16xi32>], vector<16xf32>,
      %add3A_242 = arith.addf %add3A_218, %gather3A_241 : vector<16xf32>
      %get3A_243 = arith.constant 12 : i32
      %get3A_244 = arith.index_cast %get3A_243 : i32 to index
      %get3A_245 = arith.index_cast %mul3A_176 : i32 to index
      %get3A_246 = tpu.vector_load %arg7[%get3A_244, %get3A_245] {strides = array<i32>} : memref<16x640xi32, #tpu.memory_space<vmem>>, vector<16xi32>,
      %gather3A_247 = tpu.vector_load_idx %arg6[%get3A_246] : memref<100000xf32, #tpu.memory_space<vmem>>[vector<16xi32>], vector<16xf32>,
      %add3A_248 = arith.addf %add3A_224, %gather3A_247 : vector<16xf32>
      %get3A_249 = arith.constant 13 : i32
      %get3A_250 = arith.index_cast %get3A_249 : i32 to index
      %get3A_251 = arith.index_cast %mul3A_176 : i32 to index
      %get3A_252 = tpu.vector_load %arg7[%get3A_250, %get3A_251] {strides = array<i32>} : memref<16x640xi32, #tpu.memory_space<vmem>>, vector<16xi32>,
      %gather3A_253 = tpu.vector_load_idx %arg6[%get3A_252] : memref<100000xf32, #tpu.memory_space<vmem>>[vector<16xi32>], vector<16xf32>,
      %add3A_254 = arith.addf %add3A_230, %gather3A_253 : vector<16xf32>
      %get3A_255 = arith.constant 14 : i32
      %get3A_256 = arith.index_cast %get3A_255 : i32 to index
      %get3A_257 = arith.index_cast %mul3A_176 : i32 to index
      %get3A_258 = tpu.vector_load %arg7[%get3A_256, %get3A_257] {strides = array<i32>} : memref<16x640xi32, #tpu.memory_space<vmem>>, vector<16xi32>,
      %gather3A_259 = tpu.vector_load_idx %arg6[%get3A_258] : memref<100000xf32, #tpu.memory_space<vmem>>[vector<16xi32>], vector<16xf32>,
      %add3A_260 = arith.addf %add3A_236, %gather3A_259 : vector<16xf32>
      %get3A_261 = arith.constant 15 : i32
      %get3A_262 = arith.index_cast %get3A_261 : i32 to index
      %get3A_263 = arith.index_cast %mul3A_176 : i32 to index
      %get3A_264 = tpu.vector_load %arg7[%get3A_262, %get3A_263] {strides = array<i32>} : memref<16x640xi32, #tpu.memory_space<vmem>>, vector<16xi32>,
      %gather3A_265 = tpu.vector_load_idx %arg6[%get3A_264] : memref<100000xf32, #tpu.memory_space<vmem>>[vector<16xi32>], vector<16xf32>,
      %add3A_266 = arith.addf %add3A_242, %gather3A_265 : vector<16xf32>
      %add3A_267 = arith.addf %add3A_248, %add3A_254 : vector<16xf32>
      %add3A_268 = arith.addf %add3A_260, %add3A_266 : vector<16xf32>
      %add3A_269 = arith.addf %add3A_267, %add3A_268 : vector<16xf32>
      %swap3A = arith.index_cast %mul3A_176 : i32 to index
      %swap3A_270 = tpu.vector_load %arg9[%swap3A] {strides = array<i32>} : memref<640xf32, #tpu.memory_space<vmem>>, vector<16xf32>,
      tpu.vector_store %arg9[%swap3A], %add3A_269 {strides = array<i32>} : memref<640xf32, #tpu.memory_space<vmem>>, vector<16xf32>,
    }
    %scan3A_129 = arith.constant 40 : i32
    %add3A_130 = arith.constant 1280 : i32
    %add3A_131 = arith.addi %mul3A_33, %add3A_130 : i32
    %min3A_132 = arith.constant 99328 : i32
    %min3A_133 = arith.minsi %add3A_131, %min3A_132 : i32
    "tpu.region"() ({
      %run_scoped3A = tpu.sem_alloc : memref<!tpu.dma_semaphore, #tpu.memory_space<semaphore_mem>>
      %dma_start3A_170 = tpu.memref_slice %arg5[%min3A_133] : memref<102400xf32, #tpu.memory_space<hbm>> -> memref<640xf32, #tpu.memory_space<hbm>>
      %dma_start3A_171 = tpu.memref_slice %arg5[%min3A_133] : memref<102400xf32, #tpu.memory_space<hbm>> -> memref<640xf32, #tpu.memory_space<hbm>>
      tpu.enqueue_dma source(%arg9 : memref<640xf32, #tpu.memory_space<vmem>>) target(%dma_start3A_171 : memref<640xf32, #tpu.memory_space<hbm>>) target_semaphore(%run_scoped3A : memref<!tpu.dma_semaphore, #tpu.memory_space<semaphore_mem>>)
      %dma_wait3A_172 = tpu.memref_slice %arg5[%min3A_133] : memref<102400xf32, #tpu.memory_space<hbm>> -> memref<640xf32, #tpu.memory_space<hbm>>
      %dma_wait3A_173 = tpu.memref_slice %arg5[%min3A_133] : memref<102400xf32, #tpu.memory_space<hbm>> -> memref<640xf32, #tpu.memory_space<hbm>>
      tpu.wait_dma2 semaphore(%run_scoped3A : memref<!tpu.dma_semaphore, #tpu.memory_space<semaphore_mem>>) src(%arg9 : memref<640xf32, #tpu.memory_space<vmem>>) dst(%dma_wait3A_173 : memref<640xf32, #tpu.memory_space<hbm>>)
      tpu.yield
    }) : () -> ()
    %add3A_134 = arith.constant 2560 : i32
    %add3A_135 = arith.addi %mul3A_33, %add3A_134 : i32
    %min3A_136 = arith.constant 99328 : i32
    %min3A_137 = arith.minsi %add3A_135, %min3A_136 : i32
    %dma_start3A_138 = arith.constant 0 : i32
    %dma_start3A_139 = tpu.memref_slice %arg2[%dma_start3A_138, %min3A_137] : memref<16x100000xi32, #tpu.memory_space<hbm>> -> memref<16x640xi32, #tpu.memory_space<hbm>>
    %dma_start3A_140 = arith.constant 0 : i32
    %dma_start3A_141 = tpu.memref_slice %arg2[%dma_start3A_140, %min3A_137] : memref<16x100000xi32, #tpu.memory_space<hbm>> -> memref<16x640xi32, #tpu.memory_space<hbm>>
    tpu.enqueue_dma source(%dma_start3A_141 : memref<16x640xi32, #tpu.memory_space<hbm>>) target(%arg7 : memref<16x640xi32, #tpu.memory_space<vmem>>) target_semaphore(%arg13 : memref<!tpu.dma_semaphore, #tpu.memory_space<semaphore_mem>>)
    %dma_wait3A_142 = arith.constant 0 : i32
    %dma_wait3A_143 = tpu.memref_slice %arg2[%dma_wait3A_142, %min3A_116] : memref<16x100000xi32, #tpu.memory_space<hbm>> -> memref<16x640xi32, #tpu.memory_space<hbm>>
    %dma_wait3A_144 = arith.constant 0 : i32
    %dma_wait3A_145 = tpu.memref_slice %arg2[%dma_wait3A_144, %min3A_116] : memref<16x100000xi32, #tpu.memory_space<hbm>> -> memref<16x640xi32, #tpu.memory_space<hbm>>
    tpu.wait_dma2 semaphore(%arg14 : memref<!tpu.dma_semaphore, #tpu.memory_space<semaphore_mem>>) src(%dma_wait3A_145 : memref<16x640xi32, #tpu.memory_space<hbm>>) dst(%arg8 : memref<16x640xi32, #tpu.memory_space<vmem>>)
    %scan3A_146 = arith.constant 0 : i32
    %scan3A_147 = arith.constant 40 : i32
    %scan3A_148 = arith.addi %scan3A_146, %scan3A_147 : i32
    %scan3A_149 = arith.constant 1 : i32
    scf.for %scan3A_170 = %scan3A_146 to %scan3A_148 step %scan3A_149  : i32 {
      %mul3A_171 = arith.constant 1 : i32
      %mul3A_172 = arith.muli %scan3A_170, %mul3A_171 : i32
      %add3A_173 = arith.constant 0 : i32
      %add3A_174 = arith.addi %add3A_173, %mul3A_172 : i32
      %mul3A_175 = arith.constant 16 : i32
      %mul3A_176 = arith.muli %add3A_174, %mul3A_175 : i32
      %get3A = arith.constant 0 : i32
      %get3A_177 = arith.index_cast %get3A : i32 to index
      %get3A_178 = arith.index_cast %mul3A_176 : i32 to index
      %get3A_179 = tpu.vector_load %arg8[%get3A_177, %get3A_178] {strides = array<i32>} : memref<16x640xi32, #tpu.memory_space<vmem>>, vector<16xi32>,
      %gather3A = tpu.vector_load_idx %arg6[%get3A_179] : memref<100000xf32, #tpu.memory_space<vmem>>[vector<16xi32>], vector<16xf32>,
      %get3A_180 = arith.constant 1 : i32
      %get3A_181 = arith.index_cast %get3A_180 : i32 to index
      %get3A_182 = arith.index_cast %mul3A_176 : i32 to index
      %get3A_183 = tpu.vector_load %arg8[%get3A_181, %get3A_182] {strides = array<i32>} : memref<16x640xi32, #tpu.memory_space<vmem>>, vector<16xi32>,
      %gather3A_184 = tpu.vector_load_idx %arg6[%get3A_183] : memref<100000xf32, #tpu.memory_space<vmem>>[vector<16xi32>], vector<16xf32>,
      %get3A_185 = arith.constant 2 : i32
      %get3A_186 = arith.index_cast %get3A_185 : i32 to index
      %get3A_187 = arith.index_cast %mul3A_176 : i32 to index
      %get3A_188 = tpu.vector_load %arg8[%get3A_186, %get3A_187] {strides = array<i32>} : memref<16x640xi32, #tpu.memory_space<vmem>>, vector<16xi32>,
      %gather3A_189 = tpu.vector_load_idx %arg6[%get3A_188] : memref<100000xf32, #tpu.memory_space<vmem>>[vector<16xi32>], vector<16xf32>,
      %get3A_190 = arith.constant 3 : i32
      %get3A_191 = arith.index_cast %get3A_190 : i32 to index
      %get3A_192 = arith.index_cast %mul3A_176 : i32 to index
      %get3A_193 = tpu.vector_load %arg8[%get3A_191, %get3A_192] {strides = array<i32>} : memref<16x640xi32, #tpu.memory_space<vmem>>, vector<16xi32>,
      %gather3A_194 = tpu.vector_load_idx %arg6[%get3A_193] : memref<100000xf32, #tpu.memory_space<vmem>>[vector<16xi32>], vector<16xf32>,
      %get3A_195 = arith.constant 4 : i32
      %get3A_196 = arith.index_cast %get3A_195 : i32 to index
      %get3A_197 = arith.index_cast %mul3A_176 : i32 to index
      %get3A_198 = tpu.vector_load %arg8[%get3A_196, %get3A_197] {strides = array<i32>} : memref<16x640xi32, #tpu.memory_space<vmem>>, vector<16xi32>,
      %gather3A_199 = tpu.vector_load_idx %arg6[%get3A_198] : memref<100000xf32, #tpu.memory_space<vmem>>[vector<16xi32>], vector<16xf32>,
      %add3A_200 = arith.addf %gather3A, %gather3A_199 : vector<16xf32>
      %get3A_201 = arith.constant 5 : i32
      %get3A_202 = arith.index_cast %get3A_201 : i32 to index
      %get3A_203 = arith.index_cast %mul3A_176 : i32 to index
      %get3A_204 = tpu.vector_load %arg8[%get3A_202, %get3A_203] {strides = array<i32>} : memref<16x640xi32, #tpu.memory_space<vmem>>, vector<16xi32>,
      %gather3A_205 = tpu.vector_load_idx %arg6[%get3A_204] : memref<100000xf32, #tpu.memory_space<vmem>>[vector<16xi32>], vector<16xf32>,
      %add3A_206 = arith.addf %gather3A_184, %gather3A_205 : vector<16xf32>
      %get3A_207 = arith.constant 6 : i32
      %get3A_208 = arith.index_cast %get3A_207 : i32 to index
      %get3A_209 = arith.index_cast %mul3A_176 : i32 to index
      %get3A_210 = tpu.vector_load %arg8[%get3A_208, %get3A_209] {strides = array<i32>} : memref<16x640xi32, #tpu.memory_space<vmem>>, vector<16xi32>,
      %gather3A_211 = tpu.vector_load_idx %arg6[%get3A_210] : memref<100000xf32, #tpu.memory_space<vmem>>[vector<16xi32>], vector<16xf32>,
      %add3A_212 = arith.addf %gather3A_189, %gather3A_211 : vector<16xf32>
      %get3A_213 = arith.constant 7 : i32
      %get3A_214 = arith.index_cast %get3A_213 : i32 to index
      %get3A_215 = arith.index_cast %mul3A_176 : i32 to index
      %get3A_216 = tpu.vector_load %arg8[%get3A_214, %get3A_215] {strides = array<i32>} : memref<16x640xi32, #tpu.memory_space<vmem>>, vector<16xi32>,
      %gather3A_217 = tpu.vector_load_idx %arg6[%get3A_216] : memref<100000xf32, #tpu.memory_space<vmem>>[vector<16xi32>], vector<16xf32>,
      %add3A_218 = arith.addf %gather3A_194, %gather3A_217 : vector<16xf32>
      %get3A_219 = arith.constant 8 : i32
      %get3A_220 = arith.index_cast %get3A_219 : i32 to index
      %get3A_221 = arith.index_cast %mul3A_176 : i32 to index
      %get3A_222 = tpu.vector_load %arg8[%get3A_220, %get3A_221] {strides = array<i32>} : memref<16x640xi32, #tpu.memory_space<vmem>>, vector<16xi32>,
      %gather3A_223 = tpu.vector_load_idx %arg6[%get3A_222] : memref<100000xf32, #tpu.memory_space<vmem>>[vector<16xi32>], vector<16xf32>,
      %add3A_224 = arith.addf %add3A_200, %gather3A_223 : vector<16xf32>
      %get3A_225 = arith.constant 9 : i32
      %get3A_226 = arith.index_cast %get3A_225 : i32 to index
      %get3A_227 = arith.index_cast %mul3A_176 : i32 to index
      %get3A_228 = tpu.vector_load %arg8[%get3A_226, %get3A_227] {strides = array<i32>} : memref<16x640xi32, #tpu.memory_space<vmem>>, vector<16xi32>,
      %gather3A_229 = tpu.vector_load_idx %arg6[%get3A_228] : memref<100000xf32, #tpu.memory_space<vmem>>[vector<16xi32>], vector<16xf32>,
      %add3A_230 = arith.addf %add3A_206, %gather3A_229 : vector<16xf32>
      %get3A_231 = arith.constant 10 : i32
      %get3A_232 = arith.index_cast %get3A_231 : i32 to index
      %get3A_233 = arith.index_cast %mul3A_176 : i32 to index
      %get3A_234 = tpu.vector_load %arg8[%get3A_232, %get3A_233] {strides = array<i32>} : memref<16x640xi32, #tpu.memory_space<vmem>>, vector<16xi32>,
      %gather3A_235 = tpu.vector_load_idx %arg6[%get3A_234] : memref<100000xf32, #tpu.memory_space<vmem>>[vector<16xi32>], vector<16xf32>,
      %add3A_236 = arith.addf %add3A_212, %gather3A_235 : vector<16xf32>
      %get3A_237 = arith.constant 11 : i32
      %get3A_238 = arith.index_cast %get3A_237 : i32 to index
      %get3A_239 = arith.index_cast %mul3A_176 : i32 to index
      %get3A_240 = tpu.vector_load %arg8[%get3A_238, %get3A_239] {strides = array<i32>} : memref<16x640xi32, #tpu.memory_space<vmem>>, vector<16xi32>,
      %gather3A_241 = tpu.vector_load_idx %arg6[%get3A_240] : memref<100000xf32, #tpu.memory_space<vmem>>[vector<16xi32>], vector<16xf32>,
      %add3A_242 = arith.addf %add3A_218, %gather3A_241 : vector<16xf32>
      %get3A_243 = arith.constant 12 : i32
      %get3A_244 = arith.index_cast %get3A_243 : i32 to index
      %get3A_245 = arith.index_cast %mul3A_176 : i32 to index
      %get3A_246 = tpu.vector_load %arg8[%get3A_244, %get3A_245] {strides = array<i32>} : memref<16x640xi32, #tpu.memory_space<vmem>>, vector<16xi32>,
      %gather3A_247 = tpu.vector_load_idx %arg6[%get3A_246] : memref<100000xf32, #tpu.memory_space<vmem>>[vector<16xi32>], vector<16xf32>,
      %add3A_248 = arith.addf %add3A_224, %gather3A_247 : vector<16xf32>
      %get3A_249 = arith.constant 13 : i32
      %get3A_250 = arith.index_cast %get3A_249 : i32 to index
      %get3A_251 = arith.index_cast %mul3A_176 : i32 to index
      %get3A_252 = tpu.vector_load %arg8[%get3A_250, %get3A_251] {strides = array<i32>} : memref<16x640xi32, #tpu.memory_space<vmem>>, vector<16xi32>,
      %gather3A_253 = tpu.vector_load_idx %arg6[%get3A_252] : memref<100000xf32, #tpu.memory_space<vmem>>[vector<16xi32>], vector<16xf32>,
      %add3A_254 = arith.addf %add3A_230, %gather3A_253 : vector<16xf32>
      %get3A_255 = arith.constant 14 : i32
      %get3A_256 = arith.index_cast %get3A_255 : i32 to index
      %get3A_257 = arith.index_cast %mul3A_176 : i32 to index
      %get3A_258 = tpu.vector_load %arg8[%get3A_256, %get3A_257] {strides = array<i32>} : memref<16x640xi32, #tpu.memory_space<vmem>>, vector<16xi32>,
      %gather3A_259 = tpu.vector_load_idx %arg6[%get3A_258] : memref<100000xf32, #tpu.memory_space<vmem>>[vector<16xi32>], vector<16xf32>,
      %add3A_260 = arith.addf %add3A_236, %gather3A_259 : vector<16xf32>
      %get3A_261 = arith.constant 15 : i32
      %get3A_262 = arith.index_cast %get3A_261 : i32 to index
      %get3A_263 = arith.index_cast %mul3A_176 : i32 to index
      %get3A_264 = tpu.vector_load %arg8[%get3A_262, %get3A_263] {strides = array<i32>} : memref<16x640xi32, #tpu.memory_space<vmem>>, vector<16xi32>,
      %gather3A_265 = tpu.vector_load_idx %arg6[%get3A_264] : memref<100000xf32, #tpu.memory_space<vmem>>[vector<16xi32>], vector<16xf32>,
      %add3A_266 = arith.addf %add3A_242, %gather3A_265 : vector<16xf32>
      %add3A_267 = arith.addf %add3A_248, %add3A_254 : vector<16xf32>
      %add3A_268 = arith.addf %add3A_260, %add3A_266 : vector<16xf32>
      %add3A_269 = arith.addf %add3A_267, %add3A_268 : vector<16xf32>
      %swap3A = arith.index_cast %mul3A_176 : i32 to index
      %swap3A_270 = tpu.vector_load %arg9[%swap3A] {strides = array<i32>} : memref<640xf32, #tpu.memory_space<vmem>>, vector<16xf32>,
      tpu.vector_store %arg9[%swap3A], %add3A_269 {strides = array<i32>} : memref<640xf32, #tpu.memory_space<vmem>>, vector<16xf32>,
    }
    %scan3A_150 = arith.constant 40 : i32
    %add3A_151 = arith.constant 1920 : i32
    %add3A_152 = arith.addi %mul3A_33, %add3A_151 : i32
    %min3A_153 = arith.constant 99328 : i32
    %min3A_154 = arith.minsi %add3A_152, %min3A_153 : i32
    "tpu.region"() ({
      %run_scoped3A = tpu.sem_alloc : memref<!tpu.dma_semaphore, #tpu.memory_space<semaphore_mem>>
      %dma_start3A_170 = tpu.memref_slice %arg5[%min3A_154] : memref<102400xf32, #tpu.memory_space<hbm>> -> memref<640xf32, #tpu.memory_space<hbm>>
      %dma_start3A_171 = tpu.memref_slice %arg5[%min3A_154] : memref<102400xf32, #tpu.memory_space<hbm>> -> memref<640xf32, #tpu.memory_space<hbm>>
      tpu.enqueue_dma source(%arg9 : memref<640xf32, #tpu.memory_space<vmem>>) target(%dma_start3A_171 : memref<640xf32, #tpu.memory_space<hbm>>) target_semaphore(%run_scoped3A : memref<!tpu.dma_semaphore, #tpu.memory_space<semaphore_mem>>)
      %dma_wait3A_172 = tpu.memref_slice %arg5[%min3A_154] : memref<102400xf32, #tpu.memory_space<hbm>> -> memref<640xf32, #tpu.memory_space<hbm>>
      %dma_wait3A_173 = tpu.memref_slice %arg5[%min3A_154] : memref<102400xf32, #tpu.memory_space<hbm>> -> memref<640xf32, #tpu.memory_space<hbm>>
      tpu.wait_dma2 semaphore(%run_scoped3A : memref<!tpu.dma_semaphore, #tpu.memory_space<semaphore_mem>>) src(%arg9 : memref<640xf32, #tpu.memory_space<vmem>>) dst(%dma_wait3A_173 : memref<640xf32, #tpu.memory_space<hbm>>)
      tpu.yield
    }) : () -> ()
    %dma_wait3A_155 = arith.constant 0 : i32
    %dma_wait3A_156 = tpu.memref_slice %arg2[%dma_wait3A_155, %min3A_137] : memref<16x100000xi32, #tpu.memory_space<hbm>> -> memref<16x640xi32, #tpu.memory_space<hbm>>
    %dma_wait3A_157 = arith.constant 0 : i32
    %dma_wait3A_158 = tpu.memref_slice %arg2[%dma_wait3A_157, %min3A_137] : memref<16x100000xi32, #tpu.memory_space<hbm>> -> memref<16x640xi32, #tpu.memory_space<hbm>>
    tpu.wait_dma2 semaphore(%arg13 : memref<!tpu.dma_semaphore, #tpu.memory_space<semaphore_mem>>) src(%dma_wait3A_158 : memref<16x640xi32, #tpu.memory_space<hbm>>) dst(%arg7 : memref<16x640xi32, #tpu.memory_space<vmem>>)
    %scan3A_159 = arith.constant 0 : i32
    %scan3A_160 = arith.constant 40 : i32
    %scan3A_161 = arith.addi %scan3A_159, %scan3A_160 : i32
    %scan3A_162 = arith.constant 1 : i32
    scf.for %scan3A_170 = %scan3A_159 to %scan3A_161 step %scan3A_162  : i32 {
      %mul3A_171 = arith.constant 1 : i32
      %mul3A_172 = arith.muli %scan3A_170, %mul3A_171 : i32
      %add3A_173 = arith.constant 0 : i32
      %add3A_174 = arith.addi %add3A_173, %mul3A_172 : i32
      %mul3A_175 = arith.constant 16 : i32
      %mul3A_176 = arith.muli %add3A_174, %mul3A_175 : i32
      %get3A = arith.constant 0 : i32
      %get3A_177 = arith.index_cast %get3A : i32 to index
      %get3A_178 = arith.index_cast %mul3A_176 : i32 to index
      %get3A_179 = tpu.vector_load %arg7[%get3A_177, %get3A_178] {strides = array<i32>} : memref<16x640xi32, #tpu.memory_space<vmem>>, vector<16xi32>,
      %gather3A = tpu.vector_load_idx %arg6[%get3A_179] : memref<100000xf32, #tpu.memory_space<vmem>>[vector<16xi32>], vector<16xf32>,
      %get3A_180 = arith.constant 1 : i32
      %get3A_181 = arith.index_cast %get3A_180 : i32 to index
      %get3A_182 = arith.index_cast %mul3A_176 : i32 to index
      %get3A_183 = tpu.vector_load %arg7[%get3A_181, %get3A_182] {strides = array<i32>} : memref<16x640xi32, #tpu.memory_space<vmem>>, vector<16xi32>,
      %gather3A_184 = tpu.vector_load_idx %arg6[%get3A_183] : memref<100000xf32, #tpu.memory_space<vmem>>[vector<16xi32>], vector<16xf32>,
      %get3A_185 = arith.constant 2 : i32
      %get3A_186 = arith.index_cast %get3A_185 : i32 to index
      %get3A_187 = arith.index_cast %mul3A_176 : i32 to index
      %get3A_188 = tpu.vector_load %arg7[%get3A_186, %get3A_187] {strides = array<i32>} : memref<16x640xi32, #tpu.memory_space<vmem>>, vector<16xi32>,
      %gather3A_189 = tpu.vector_load_idx %arg6[%get3A_188] : memref<100000xf32, #tpu.memory_space<vmem>>[vector<16xi32>], vector<16xf32>,
      %get3A_190 = arith.constant 3 : i32
      %get3A_191 = arith.index_cast %get3A_190 : i32 to index
      %get3A_192 = arith.index_cast %mul3A_176 : i32 to index
      %get3A_193 = tpu.vector_load %arg7[%get3A_191, %get3A_192] {strides = array<i32>} : memref<16x640xi32, #tpu.memory_space<vmem>>, vector<16xi32>,
      %gather3A_194 = tpu.vector_load_idx %arg6[%get3A_193] : memref<100000xf32, #tpu.memory_space<vmem>>[vector<16xi32>], vector<16xf32>,
      %get3A_195 = arith.constant 4 : i32
      %get3A_196 = arith.index_cast %get3A_195 : i32 to index
      %get3A_197 = arith.index_cast %mul3A_176 : i32 to index
      %get3A_198 = tpu.vector_load %arg7[%get3A_196, %get3A_197] {strides = array<i32>} : memref<16x640xi32, #tpu.memory_space<vmem>>, vector<16xi32>,
      %gather3A_199 = tpu.vector_load_idx %arg6[%get3A_198] : memref<100000xf32, #tpu.memory_space<vmem>>[vector<16xi32>], vector<16xf32>,
      %add3A_200 = arith.addf %gather3A, %gather3A_199 : vector<16xf32>
      %get3A_201 = arith.constant 5 : i32
      %get3A_202 = arith.index_cast %get3A_201 : i32 to index
      %get3A_203 = arith.index_cast %mul3A_176 : i32 to index
      %get3A_204 = tpu.vector_load %arg7[%get3A_202, %get3A_203] {strides = array<i32>} : memref<16x640xi32, #tpu.memory_space<vmem>>, vector<16xi32>,
      %gather3A_205 = tpu.vector_load_idx %arg6[%get3A_204] : memref<100000xf32, #tpu.memory_space<vmem>>[vector<16xi32>], vector<16xf32>,
      %add3A_206 = arith.addf %gather3A_184, %gather3A_205 : vector<16xf32>
      %get3A_207 = arith.constant 6 : i32
      %get3A_208 = arith.index_cast %get3A_207 : i32 to index
      %get3A_209 = arith.index_cast %mul3A_176 : i32 to index
      %get3A_210 = tpu.vector_load %arg7[%get3A_208, %get3A_209] {strides = array<i32>} : memref<16x640xi32, #tpu.memory_space<vmem>>, vector<16xi32>,
      %gather3A_211 = tpu.vector_load_idx %arg6[%get3A_210] : memref<100000xf32, #tpu.memory_space<vmem>>[vector<16xi32>], vector<16xf32>,
      %add3A_212 = arith.addf %gather3A_189, %gather3A_211 : vector<16xf32>
      %get3A_213 = arith.constant 7 : i32
      %get3A_214 = arith.index_cast %get3A_213 : i32 to index
      %get3A_215 = arith.index_cast %mul3A_176 : i32 to index
      %get3A_216 = tpu.vector_load %arg7[%get3A_214, %get3A_215] {strides = array<i32>} : memref<16x640xi32, #tpu.memory_space<vmem>>, vector<16xi32>,
      %gather3A_217 = tpu.vector_load_idx %arg6[%get3A_216] : memref<100000xf32, #tpu.memory_space<vmem>>[vector<16xi32>], vector<16xf32>,
      %add3A_218 = arith.addf %gather3A_194, %gather3A_217 : vector<16xf32>
      %get3A_219 = arith.constant 8 : i32
      %get3A_220 = arith.index_cast %get3A_219 : i32 to index
      %get3A_221 = arith.index_cast %mul3A_176 : i32 to index
      %get3A_222 = tpu.vector_load %arg7[%get3A_220, %get3A_221] {strides = array<i32>} : memref<16x640xi32, #tpu.memory_space<vmem>>, vector<16xi32>,
      %gather3A_223 = tpu.vector_load_idx %arg6[%get3A_222] : memref<100000xf32, #tpu.memory_space<vmem>>[vector<16xi32>], vector<16xf32>,
      %add3A_224 = arith.addf %add3A_200, %gather3A_223 : vector<16xf32>
      %get3A_225 = arith.constant 9 : i32
      %get3A_226 = arith.index_cast %get3A_225 : i32 to index
      %get3A_227 = arith.index_cast %mul3A_176 : i32 to index
      %get3A_228 = tpu.vector_load %arg7[%get3A_226, %get3A_227] {strides = array<i32>} : memref<16x640xi32, #tpu.memory_space<vmem>>, vector<16xi32>,
      %gather3A_229 = tpu.vector_load_idx %arg6[%get3A_228] : memref<100000xf32, #tpu.memory_space<vmem>>[vector<16xi32>], vector<16xf32>,
      %add3A_230 = arith.addf %add3A_206, %gather3A_229 : vector<16xf32>
      %get3A_231 = arith.constant 10 : i32
      %get3A_232 = arith.index_cast %get3A_231 : i32 to index
      %get3A_233 = arith.index_cast %mul3A_176 : i32 to index
      %get3A_234 = tpu.vector_load %arg7[%get3A_232, %get3A_233] {strides = array<i32>} : memref<16x640xi32, #tpu.memory_space<vmem>>, vector<16xi32>,
      %gather3A_235 = tpu.vector_load_idx %arg6[%get3A_234] : memref<100000xf32, #tpu.memory_space<vmem>>[vector<16xi32>], vector<16xf32>,
      %add3A_236 = arith.addf %add3A_212, %gather3A_235 : vector<16xf32>
      %get3A_237 = arith.constant 11 : i32
      %get3A_238 = arith.index_cast %get3A_237 : i32 to index
      %get3A_239 = arith.index_cast %mul3A_176 : i32 to index
      %get3A_240 = tpu.vector_load %arg7[%get3A_238, %get3A_239] {strides = array<i32>} : memref<16x640xi32, #tpu.memory_space<vmem>>, vector<16xi32>,
      %gather3A_241 = tpu.vector_load_idx %arg6[%get3A_240] : memref<100000xf32, #tpu.memory_space<vmem>>[vector<16xi32>], vector<16xf32>,
      %add3A_242 = arith.addf %add3A_218, %gather3A_241 : vector<16xf32>
      %get3A_243 = arith.constant 12 : i32
      %get3A_244 = arith.index_cast %get3A_243 : i32 to index
      %get3A_245 = arith.index_cast %mul3A_176 : i32 to index
      %get3A_246 = tpu.vector_load %arg7[%get3A_244, %get3A_245] {strides = array<i32>} : memref<16x640xi32, #tpu.memory_space<vmem>>, vector<16xi32>,
      %gather3A_247 = tpu.vector_load_idx %arg6[%get3A_246] : memref<100000xf32, #tpu.memory_space<vmem>>[vector<16xi32>], vector<16xf32>,
      %add3A_248 = arith.addf %add3A_224, %gather3A_247 : vector<16xf32>
      %get3A_249 = arith.constant 13 : i32
      %get3A_250 = arith.index_cast %get3A_249 : i32 to index
      %get3A_251 = arith.index_cast %mul3A_176 : i32 to index
      %get3A_252 = tpu.vector_load %arg7[%get3A_250, %get3A_251] {strides = array<i32>} : memref<16x640xi32, #tpu.memory_space<vmem>>, vector<16xi32>,
      %gather3A_253 = tpu.vector_load_idx %arg6[%get3A_252] : memref<100000xf32, #tpu.memory_space<vmem>>[vector<16xi32>], vector<16xf32>,
      %add3A_254 = arith.addf %add3A_230, %gather3A_253 : vector<16xf32>
      %get3A_255 = arith.constant 14 : i32
      %get3A_256 = arith.index_cast %get3A_255 : i32 to index
      %get3A_257 = arith.index_cast %mul3A_176 : i32 to index
      %get3A_258 = tpu.vector_load %arg7[%get3A_256, %get3A_257] {strides = array<i32>} : memref<16x640xi32, #tpu.memory_space<vmem>>, vector<16xi32>,
      %gather3A_259 = tpu.vector_load_idx %arg6[%get3A_258] : memref<100000xf32, #tpu.memory_space<vmem>>[vector<16xi32>], vector<16xf32>,
      %add3A_260 = arith.addf %add3A_236, %gather3A_259 : vector<16xf32>
      %get3A_261 = arith.constant 15 : i32
      %get3A_262 = arith.index_cast %get3A_261 : i32 to index
      %get3A_263 = arith.index_cast %mul3A_176 : i32 to index
      %get3A_264 = tpu.vector_load %arg7[%get3A_262, %get3A_263] {strides = array<i32>} : memref<16x640xi32, #tpu.memory_space<vmem>>, vector<16xi32>,
      %gather3A_265 = tpu.vector_load_idx %arg6[%get3A_264] : memref<100000xf32, #tpu.memory_space<vmem>>[vector<16xi32>], vector<16xf32>,
      %add3A_266 = arith.addf %add3A_242, %gather3A_265 : vector<16xf32>
      %add3A_267 = arith.addf %add3A_248, %add3A_254 : vector<16xf32>
      %add3A_268 = arith.addf %add3A_260, %add3A_266 : vector<16xf32>
      %add3A_269 = arith.addf %add3A_267, %add3A_268 : vector<16xf32>
      %swap3A = arith.index_cast %mul3A_176 : i32 to index
      %swap3A_270 = tpu.vector_load %arg9[%swap3A] {strides = array<i32>} : memref<640xf32, #tpu.memory_space<vmem>>, vector<16xf32>,
      tpu.vector_store %arg9[%swap3A], %add3A_269 {strides = array<i32>} : memref<640xf32, #tpu.memory_space<vmem>>, vector<16xf32>,
    }
    %scan3A_163 = arith.constant 40 : i32
    %add3A_164 = arith.constant 2560 : i32
    %add3A_165 = arith.addi %mul3A_33, %add3A_164 : i32
    %min3A_166 = arith.constant 99328 : i32
    %min3A_167 = arith.minsi %add3A_165, %min3A_166 : i32
    "tpu.region"() ({
      %run_scoped3A = tpu.sem_alloc : memref<!tpu.dma_semaphore, #tpu.memory_space<semaphore_mem>>
      %dma_start3A_170 = tpu.memref_slice %arg5[%min3A_167] : memref<102400xf32, #tpu.memory_space<hbm>> -> memref<640xf32, #tpu.memory_space<hbm>>
      %dma_start3A_171 = tpu.memref_slice %arg5[%min3A_167] : memref<102400xf32, #tpu.memory_space<hbm>> -> memref<640xf32, #tpu.memory_space<hbm>>
      tpu.enqueue_dma source(%arg9 : memref<640xf32, #tpu.memory_space<vmem>>) target(%dma_start3A_171 : memref<640xf32, #tpu.memory_space<hbm>>) target_semaphore(%run_scoped3A : memref<!tpu.dma_semaphore, #tpu.memory_space<semaphore_mem>>)
      %dma_wait3A_172 = tpu.memref_slice %arg5[%min3A_167] : memref<102400xf32, #tpu.memory_space<hbm>> -> memref<640xf32, #tpu.memory_space<hbm>>
      %dma_wait3A_173 = tpu.memref_slice %arg5[%min3A_167] : memref<102400xf32, #tpu.memory_space<hbm>> -> memref<640xf32, #tpu.memory_space<hbm>>
      tpu.wait_dma2 semaphore(%run_scoped3A : memref<!tpu.dma_semaphore, #tpu.memory_space<semaphore_mem>>) src(%arg9 : memref<640xf32, #tpu.memory_space<vmem>>) dst(%dma_wait3A_173 : memref<640xf32, #tpu.memory_space<hbm>>)
      tpu.yield
    }) : () -> ()
    %eq3A = arith.constant 31 : i32
    %eq3A_168 = arith.cmpi eq, %add3A, %eq3A : i32
    %convert_element_type3A = arith.extui %eq3A_168 : i1 to i32
    %cond3A = arith.constant 0 : i32
    %cond3A_169 = arith.cmpi ne, %convert_element_type3A, %cond3A : i32
    scf.if %cond3A_169 {
      "tpu.region"() ({
        %run_scoped3A = tpu.sem_alloc : memref<!tpu.dma_semaphore, #tpu.memory_space<semaphore_mem>>
        tpu.enqueue_dma source(%arg3 : memref<16x128xi32, #tpu.memory_space<hbm>>) target(%arg10 : memref<16x128xi32, #tpu.memory_space<vmem>>) target_semaphore(%run_scoped3A : memref<!tpu.dma_semaphore, #tpu.memory_space<semaphore_mem>>)
        tpu.wait_dma2 semaphore(%run_scoped3A : memref<!tpu.dma_semaphore, #tpu.memory_space<semaphore_mem>>) src(%arg3 : memref<16x128xi32, #tpu.memory_space<hbm>>) dst(%arg10 : memref<16x128xi32, #tpu.memory_space<vmem>>)
        tpu.yield
      }) : () -> ()
      %scan3A_170 = arith.constant 0 : i32
      %scan3A_171 = arith.constant 8 : i32
      %scan3A_172 = arith.addi %scan3A_170, %scan3A_171 : i32
      %scan3A_173 = arith.constant 1 : i32
      scf.for %scan3A_175 = %scan3A_170 to %scan3A_172 step %scan3A_173  : i32 {
        %mul3A_176 = arith.constant 1 : i32
        %mul3A_177 = arith.muli %scan3A_175, %mul3A_176 : i32
        %add3A_178 = arith.constant 0 : i32
        %add3A_179 = arith.addi %add3A_178, %mul3A_177 : i32
        %mul3A_180 = arith.constant 16 : i32
        %mul3A_181 = arith.muli %add3A_179, %mul3A_180 : i32
        %get3A = arith.constant 0 : i32
        %get3A_182 = arith.index_cast %get3A : i32 to index
        %get3A_183 = arith.index_cast %mul3A_181 : i32 to index
        %get3A_184 = tpu.vector_load %arg10[%get3A_182, %get3A_183] {strides = array<i32>} : memref<16x128xi32, #tpu.memory_space<vmem>>, vector<16xi32>,
        %gather3A = tpu.vector_load_idx %arg6[%get3A_184] : memref<100000xf32, #tpu.memory_space<vmem>>[vector<16xi32>], vector<16xf32>,
        %get3A_185 = arith.constant 1 : i32
        %get3A_186 = arith.index_cast %get3A_185 : i32 to index
        %get3A_187 = arith.index_cast %mul3A_181 : i32 to index
        %get3A_188 = tpu.vector_load %arg10[%get3A_186, %get3A_187] {strides = array<i32>} : memref<16x128xi32, #tpu.memory_space<vmem>>, vector<16xi32>,
        %gather3A_189 = tpu.vector_load_idx %arg6[%get3A_188] : memref<100000xf32, #tpu.memory_space<vmem>>[vector<16xi32>], vector<16xf32>,
        %add3A_190 = arith.addf %gather3A, %gather3A_189 : vector<16xf32>
        %get3A_191 = arith.constant 2 : i32
        %get3A_192 = arith.index_cast %get3A_191 : i32 to index
        %get3A_193 = arith.index_cast %mul3A_181 : i32 to index
        %get3A_194 = tpu.vector_load %arg10[%get3A_192, %get3A_193] {strides = array<i32>} : memref<16x128xi32, #tpu.memory_space<vmem>>, vector<16xi32>,
        %gather3A_195 = tpu.vector_load_idx %arg6[%get3A_194] : memref<100000xf32, #tpu.memory_space<vmem>>[vector<16xi32>], vector<16xf32>,
        %add3A_196 = arith.addf %add3A_190, %gather3A_195 : vector<16xf32>
        %get3A_197 = arith.constant 3 : i32
        %get3A_198 = arith.index_cast %get3A_197 : i32 to index
        %get3A_199 = arith.index_cast %mul3A_181 : i32 to index
        %get3A_200 = tpu.vector_load %arg10[%get3A_198, %get3A_199] {strides = array<i32>} : memref<16x128xi32, #tpu.memory_space<vmem>>, vector<16xi32>,
        %gather3A_201 = tpu.vector_load_idx %arg6[%get3A_200] : memref<100000xf32, #tpu.memory_space<vmem>>[vector<16xi32>], vector<16xf32>,
        %add3A_202 = arith.addf %add3A_196, %gather3A_201 : vector<16xf32>
        %get3A_203 = arith.constant 4 : i32
        %get3A_204 = arith.index_cast %get3A_203 : i32 to index
        %get3A_205 = arith.index_cast %mul3A_181 : i32 to index
        %get3A_206 = tpu.vector_load %arg10[%get3A_204, %get3A_205] {strides = array<i32>} : memref<16x128xi32, #tpu.memory_space<vmem>>, vector<16xi32>,
        %gather3A_207 = tpu.vector_load_idx %arg6[%get3A_206] : memref<100000xf32, #tpu.memory_space<vmem>>[vector<16xi32>], vector<16xf32>,
        %add3A_208 = arith.addf %add3A_202, %gather3A_207 : vector<16xf32>
        %get3A_209 = arith.constant 5 : i32
        %get3A_210 = arith.index_cast %get3A_209 : i32 to index
        %get3A_211 = arith.index_cast %mul3A_181 : i32 to index
        %get3A_212 = tpu.vector_load %arg10[%get3A_210, %get3A_211] {strides = array<i32>} : memref<16x128xi32, #tpu.memory_space<vmem>>, vector<16xi32>,
        %gather3A_213 = tpu.vector_load_idx %arg6[%get3A_212] : memref<100000xf32, #tpu.memory_space<vmem>>[vector<16xi32>], vector<16xf32>,
        %add3A_214 = arith.addf %add3A_208, %gather3A_213 : vector<16xf32>
        %get3A_215 = arith.constant 6 : i32
        %get3A_216 = arith.index_cast %get3A_215 : i32 to index
        %get3A_217 = arith.index_cast %mul3A_181 : i32 to index
        %get3A_218 = tpu.vector_load %arg10[%get3A_216, %get3A_217] {strides = array<i32>} : memref<16x128xi32, #tpu.memory_space<vmem>>, vector<16xi32>,
        %gather3A_219 = tpu.vector_load_idx %arg6[%get3A_218] : memref<100000xf32, #tpu.memory_space<vmem>>[vector<16xi32>], vector<16xf32>,
        %add3A_220 = arith.addf %add3A_214, %gather3A_219 : vector<16xf32>
        %get3A_221 = arith.constant 7 : i32
        %get3A_222 = arith.index_cast %get3A_221 : i32 to index
        %get3A_223 = arith.index_cast %mul3A_181 : i32 to index
        %get3A_224 = tpu.vector_load %arg10[%get3A_222, %get3A_223] {strides = array<i32>} : memref<16x128xi32, #tpu.memory_space<vmem>>, vector<16xi32>,
        %gather3A_225 = tpu.vector_load_idx %arg6[%get3A_224] : memref<100000xf32, #tpu.memory_space<vmem>>[vector<16xi32>], vector<16xf32>,
        %add3A_226 = arith.addf %add3A_220, %gather3A_225 : vector<16xf32>
        %get3A_227 = arith.constant 8 : i32
        %get3A_228 = arith.index_cast %get3A_227 : i32 to index
        %get3A_229 = arith.index_cast %mul3A_181 : i32 to index
        %get3A_230 = tpu.vector_load %arg10[%get3A_228, %get3A_229] {strides = array<i32>} : memref<16x128xi32, #tpu.memory_space<vmem>>, vector<16xi32>,
        %gather3A_231 = tpu.vector_load_idx %arg6[%get3A_230] : memref<100000xf32, #tpu.memory_space<vmem>>[vector<16xi32>], vector<16xf32>,
        %add3A_232 = arith.addf %add3A_226, %gather3A_231 : vector<16xf32>
        %get3A_233 = arith.constant 9 : i32
        %get3A_234 = arith.index_cast %get3A_233 : i32 to index
        %get3A_235 = arith.index_cast %mul3A_181 : i32 to index
        %get3A_236 = tpu.vector_load %arg10[%get3A_234, %get3A_235] {strides = array<i32>} : memref<16x128xi32, #tpu.memory_space<vmem>>, vector<16xi32>,
        %gather3A_237 = tpu.vector_load_idx %arg6[%get3A_236] : memref<100000xf32, #tpu.memory_space<vmem>>[vector<16xi32>], vector<16xf32>,
        %add3A_238 = arith.addf %add3A_232, %gather3A_237 : vector<16xf32>
        %get3A_239 = arith.constant 10 : i32
        %get3A_240 = arith.index_cast %get3A_239 : i32 to index
        %get3A_241 = arith.index_cast %mul3A_181 : i32 to index
        %get3A_242 = tpu.vector_load %arg10[%get3A_240, %get3A_241] {strides = array<i32>} : memref<16x128xi32, #tpu.memory_space<vmem>>, vector<16xi32>,
        %gather3A_243 = tpu.vector_load_idx %arg6[%get3A_242] : memref<100000xf32, #tpu.memory_space<vmem>>[vector<16xi32>], vector<16xf32>,
        %add3A_244 = arith.addf %add3A_238, %gather3A_243 : vector<16xf32>
        %get3A_245 = arith.constant 11 : i32
        %get3A_246 = arith.index_cast %get3A_245 : i32 to index
        %get3A_247 = arith.index_cast %mul3A_181 : i32 to index
        %get3A_248 = tpu.vector_load %arg10[%get3A_246, %get3A_247] {strides = array<i32>} : memref<16x128xi32, #tpu.memory_space<vmem>>, vector<16xi32>,
        %gather3A_249 = tpu.vector_load_idx %arg6[%get3A_248] : memref<100000xf32, #tpu.memory_space<vmem>>[vector<16xi32>], vector<16xf32>,
        %add3A_250 = arith.addf %add3A_244, %gather3A_249 : vector<16xf32>
        %get3A_251 = arith.constant 12 : i32
        %get3A_252 = arith.index_cast %get3A_251 : i32 to index
        %get3A_253 = arith.index_cast %mul3A_181 : i32 to index
        %get3A_254 = tpu.vector_load %arg10[%get3A_252, %get3A_253] {strides = array<i32>} : memref<16x128xi32, #tpu.memory_space<vmem>>, vector<16xi32>,
        %gather3A_255 = tpu.vector_load_idx %arg6[%get3A_254] : memref<100000xf32, #tpu.memory_space<vmem>>[vector<16xi32>], vector<16xf32>,
        %add3A_256 = arith.addf %add3A_250, %gather3A_255 : vector<16xf32>
        %get3A_257 = arith.constant 13 : i32
        %get3A_258 = arith.index_cast %get3A_257 : i32 to index
        %get3A_259 = arith.index_cast %mul3A_181 : i32 to index
        %get3A_260 = tpu.vector_load %arg10[%get3A_258, %get3A_259] {strides = array<i32>} : memref<16x128xi32, #tpu.memory_space<vmem>>, vector<16xi32>,
        %gather3A_261 = tpu.vector_load_idx %arg6[%get3A_260] : memref<100000xf32, #tpu.memory_space<vmem>>[vector<16xi32>], vector<16xf32>,
        %add3A_262 = arith.addf %add3A_256, %gather3A_261 : vector<16xf32>
        %get3A_263 = arith.constant 14 : i32
        %get3A_264 = arith.index_cast %get3A_263 : i32 to index
        %get3A_265 = arith.index_cast %mul3A_181 : i32 to index
        %get3A_266 = tpu.vector_load %arg10[%get3A_264, %get3A_265] {strides = array<i32>} : memref<16x128xi32, #tpu.memory_space<vmem>>, vector<16xi32>,
        %gather3A_267 = tpu.vector_load_idx %arg6[%get3A_266] : memref<100000xf32, #tpu.memory_space<vmem>>[vector<16xi32>], vector<16xf32>,
        %add3A_268 = arith.addf %add3A_262, %gather3A_267 : vector<16xf32>
        %get3A_269 = arith.constant 15 : i32
        %get3A_270 = arith.index_cast %get3A_269 : i32 to index
        %get3A_271 = arith.index_cast %mul3A_181 : i32 to index
        %get3A_272 = tpu.vector_load %arg10[%get3A_270, %get3A_271] {strides = array<i32>} : memref<16x128xi32, #tpu.memory_space<vmem>>, vector<16xi32>,
        %gather3A_273 = tpu.vector_load_idx %arg6[%get3A_272] : memref<100000xf32, #tpu.memory_space<vmem>>[vector<16xi32>], vector<16xf32>,
        %add3A_274 = arith.addf %add3A_268, %gather3A_273 : vector<16xf32>
        %swap3A = arith.index_cast %mul3A_181 : i32 to index
        %swap3A_275 = tpu.vector_load %arg11[%swap3A] {strides = array<i32>} : memref<128xf32, #tpu.memory_space<vmem>>, vector<16xf32>,
        tpu.vector_store %arg11[%swap3A], %add3A_274 {strides = array<i32>} : memref<128xf32, #tpu.memory_space<vmem>>, vector<16xf32>,
      }
      %scan3A_174 = arith.constant 8 : i32
      "tpu.region"() ({
        %run_scoped3A = tpu.sem_alloc : memref<!tpu.dma_semaphore, #tpu.memory_space<semaphore_mem>>
        %dma_start3A_175 = arith.constant 99968 : i32
        %dma_start3A_176 = tpu.memref_slice %arg5[%dma_start3A_175] : memref<102400xf32, #tpu.memory_space<hbm>> -> memref<128xf32, #tpu.memory_space<hbm>>
        %dma_start3A_177 = arith.constant 99968 : i32
        %dma_start3A_178 = tpu.memref_slice %arg5[%dma_start3A_177] : memref<102400xf32, #tpu.memory_space<hbm>> -> memref<128xf32, #tpu.memory_space<hbm>>
        tpu.enqueue_dma source(%arg11 : memref<128xf32, #tpu.memory_space<vmem>>) target(%dma_start3A_178 : memref<128xf32, #tpu.memory_space<hbm>>) target_semaphore(%run_scoped3A : memref<!tpu.dma_semaphore, #tpu.memory_space<semaphore_mem>>)
        %dma_wait3A_179 = arith.constant 99968 : i32
        %dma_wait3A_180 = tpu.memref_slice %arg5[%dma_wait3A_179] : memref<102400xf32, #tpu.memory_space<hbm>> -> memref<128xf32, #tpu.memory_space<hbm>>
        %dma_wait3A_181 = arith.constant 99968 : i32
        %dma_wait3A_182 = tpu.memref_slice %arg5[%dma_wait3A_181] : memref<102400xf32, #tpu.memory_space<hbm>> -> memref<128xf32, #tpu.memory_space<hbm>>
        tpu.wait_dma2 semaphore(%run_scoped3A : memref<!tpu.dma_semaphore, #tpu.memory_space<semaphore_mem>>) src(%arg11 : memref<128xf32, #tpu.memory_space<vmem>>) dst(%dma_wait3A_182 : memref<128xf32, #tpu.memory_space<hbm>>)
        tpu.yield
      }) : () -> ()
    } else {
    }
    return
  }
}

module attributes {stable_mosaic.version = 14 : i64} {
  func.func @_proj_body(%arg0: i32, %arg1: memref<20480x128xf32, #tpu.memory_space<vmem>>, %arg2: memref<128x1xf32, #tpu.memory_space<vmem>>, %arg3: memref<20480xf32, #tpu.memory_space<vmem>>) attributes {dimension_semantics = [#tpu.dimension_semantics<parallel>], iteration_bounds = array<i64: 5>, scalar_prefetch = 0 : i64, scratch_operands = 0 : i64, tpu.core_type = #tpu.core_type<tc>, window_params = [{transform_indices = @transform_0, window_bounds = array<i64: 20480, 128>}, {pipeline_mode = #tpu.pipeline_mode<synchronous>, transform_indices = @transform_1, window_bounds = array<i64: 128, 1>}, {transform_indices = @transform_2, window_bounds = array<i64: 20480>}]} {
    %get3A = arith.constant 0 : index
    %get3A_0 = arith.constant 0 : index
    %get3A_1 = vector.load %arg2[%get3A, %get3A_0] : memref<128x1xf32, #tpu.memory_space<vmem>>, vector<128x1xf32>
    %get3A_2 = arith.constant 0 : index
    %get3A_3 = arith.constant 0 : index
    %get3A_4 = vector.load %arg1[%get3A_2, %get3A_3] : memref<20480x128xf32, #tpu.memory_space<vmem>>, vector<20480x128xf32>
    %dot_general3A = arith.constant dense<0.000000e+00> : vector<1x20480xf32>
    %dot_general3A_5 = tpu.matmul %get3A_1, %get3A_4, %dot_general3A {dimension_numbers = #tpu.dot_dimension_numbers<[0], [1], [1], [0], [0, 1, 1, 0], [], []>, transpose_lhs_hint = false} : vector<128x1xf32>, vector<20480x128xf32>, vector<1x20480xf32> -> vector<1x20480xf32>
    %squeeze3A = vector.shape_cast %dot_general3A_5 : vector<1x20480xf32> to vector<20480xf32>
    %swap3A = arith.constant 0 : index
    %swap3A_6 = vector.load %arg3[%swap3A] : memref<20480xf32, #tpu.memory_space<vmem>>, vector<20480xf32>
    tpu.vector_store %arg3[%swap3A], %squeeze3A {strides = array<i32>} : memref<20480xf32, #tpu.memory_space<vmem>>, vector<20480xf32>,
    return
  }
  func.func @transform_0(%arg0: i32) -> (i32, i32) {
    %c0_i32 = arith.constant 0 : i32
    %c0_i32_0 = arith.constant 0 : i32
    return %arg0, %c0_i32 : i32, i32
  }
  func.func @transform_1(%arg0: i32) -> (i32, i32) {
    %c0_i32 = arith.constant 0 : i32
    %c0_i32_0 = arith.constant 0 : i32
    %c0_i32_1 = arith.constant 0 : i32
    return %c0_i32, %c0_i32_0 : i32, i32
  }
  func.func @transform_2(%arg0: i32) -> i32 {
    %c0_i32 = arith.constant 0 : i32
    return %arg0 : i32
  }
}

module attributes {stable_mosaic.version = 14 : i64} {
  func.func @_mul_body(%arg0: memref<102400xf32, #tpu.memory_space<vmem>>, %arg1: memref<102400xf32, #tpu.memory_space<vmem>>, %arg2: memref<102400xf32, #tpu.memory_space<vmem>>) attributes {dimension_semantics = [], scalar_prefetch = 0 : i64, scratch_operands = 0 : i64, tpu.core_type = #tpu.core_type<tc>} {
    %get3A = arith.constant 0 : index
    %get3A_0 = vector.load %arg0[%get3A] : memref<102400xf32, #tpu.memory_space<vmem>>, vector<102400xf32>
    %get3A_1 = arith.constant 0 : index
    %get3A_2 = vector.load %arg1[%get3A_1] : memref<102400xf32, #tpu.memory_space<vmem>>, vector<102400xf32>
    %mul3A = arith.mulf %get3A_0, %get3A_2 : vector<102400xf32>
    %swap3A = arith.constant 0 : index
    %swap3A_3 = vector.load %arg2[%swap3A] : memref<102400xf32, #tpu.memory_space<vmem>>, vector<102400xf32>
    tpu.vector_store %arg2[%swap3A], %mul3A {strides = array<i32>} : memref<102400xf32, #tpu.memory_space<vmem>>, vector<102400xf32>,
    return
  }
}

</mosaic_0001>

<sc_bundles>
// kernel: kernel.6.cloned.1.call-start
scs
__scs_entry_jumppad:
0x0: {  	(pc) =	sbr.rel $0x88, $3  }
0x1: {  	(tag) =	ssettag $0x0;
	lr =	simm.s32 $0x1  }
0x2: {  	[smem:$0x3F9B] =	sst lr;
	_ =	strace $0xD0000000  }
0x3: {  	_ = 	snop  }
0x4: {  	_ = 	snop  }
0x5: {  	_ = 	snop  }
0x6: {  	_ = 	snop  }
0x7: {  	_ = 	snop  }
__scs_overlays_trampoline_lowered:
0x8: {  	[smem:$0x3FAA] =	sst s0  }
0x9: {  	[smem:$0x3FAB] =	sst s1  }
0xa: {  	[smem:$0x3FAC] =	sst s2  }
0xb: {  	[smem:$0x3FAD] =	sst s3  }
0xc: {  	[smem:$0x3FAE] =	sst s4  }
0xd: {  	[smem:$0x3FAF] =	sst s5  }
0xe: {  	[smem:$0x3FB0] =	sst s6  }
0xf: {  	[smem:$0x3FB1] =	sst s7  }
0x10: {  	[smem:$0x3FB2] =	sst s8  }
0x11: {  	[smem:$0x3FB3] =	sst s9;
	s0 =	simm.s32 @!p0 $0x0  }
0x12: {  	s1 =	sld [smem:$0x3F99];
	s0 =	simm.s32 @p0 $0x1  }
0x13: {  	[smem:$0x3FB4] =	sst s0;
	s0 =	simm.s32 @!p1 $0x0  }
0x14: {  	s2 =	sld [smem:$0x3F98];
	s0 =	simm.s32 @p1 $0x1  }
0x15: {  	[smem:$0x3FB5] =	sst s0;
	s0 =	simm.s32 @!p2 $0x0  }
0x16: {  	s3 =	sld [smem:$0x3FDB];
	s0 =	simm.s32 @p2 $0x1  }
0x17: {  	s4 =	simm.s32 $0x1BF5;
	[smem:$0x3FB7] =	sst s0  }
0x18: {  	s0 =	sld [smem:$0x3F9A];
	_ =	swait.ge [sflag:s4], $0x0  }
0x19: {  	s7 =	sld [smem:$0x3F9B]  }
0x1a: {  	s8 =	sadd.s32 $0xFFFFE003, lr  }
0x1b: {  	s9 =	sadd.s32 $0xFFFFFEF7, lr;
	s5 =	simm.s32 $0xFFFFFFFF;
	p2 =	slt.u32 s8, $0xFFFFF086  }
0x1c: {  	p1 =	slt.u32 s9, $0xF7A;
	s5 =	simm.s32 @!p2 $0x0  }
0x1d: {  	s5 =	simm.s32 @p1 $0x1;
	p0 =	seq.s32 s7, s2  }
0x1e: {  	s7 =	smul.u32 @!p0 $0xF7A, s2;
	p2 =	seq.s32 @!p0 s5, $0x0  }
0x1f: {  	s9 =	smul.u32 $0xF7A, s1;
	s8 =	simm.s32 @!p0 $0x1BF5;
	p2 =	por !p2, p0  }
0x20: {  	[sflag:s8] =	ssyncset.s32 @!p0 $0xFFFFF086;
	s6 =	sadd.s32 @!p0 s3, s7;
	s7 =	simm.s32 @!p0 $0x108  }
0x21: {  	s3 =	sadd.s32 s3, s9;
	s6 =	sadd.s32 @!p0 $0x88, s6;
	s7 =	simm.s32 @p2 $0x1082  }
0x22: {  	[simem:s7], [sflag:s8] =	dma.local @!p0 [hbm:s6], $0xF7A  }
0x23: {  	s9 =	sor.u32 $0xD0000000, s2;
	s6 =	simm.s32 $0x108;
	_ =	swait.ge @!p0 [sflag:s8], $0x0  }
0x24: {  	s3 =	sadd.s32 $0x88, s3;
	s6 =	simm.s32 @!p1 $0x1082;
	[sflag:s4] =	ssyncset.s32 $0xFFFFF086  }
0x25: {  	[simem:s6], [sflag:s4] =	dma.local [hbm:s3], $0xF7A  }
0x26: {  	[smem:$0x3F9B] =	sst s1;
	(tag) =	ssettag s2;
	_ =	strace s9  }
0x27: {  	s1 =	sld [smem:$0x3FAB]  }
0x28: {  	s2 =	sld [smem:$0x3FAC]  }
0x29: {  	s4 =	sld [smem:$0x3FAE]  }
0x2a: {  	p0 =	seq.s32 s5, $0x0;
	s5 =	sld [smem:$0x3FAF]  }
0x2b: {  	s6 =	sld [smem:$0x3FB0]  }
0x2c: {  	s7 =	sld [smem:$0x3FB1]  }
0x2d: {  	s3 =	simm.s32 $0x108;
	s8 =	sld [smem:$0x3FB2]  }
0x2e: {  	s3 =	simm.s32 @!p0 $0x1082;
	s9 =	sld [smem:$0x3FB3]  }
0x2f: {  	lr =	sadd.s32 s0, s3;
	s0 =	sld [smem:$0x3FAA]  }
0x30: {  	s3 =	sld [smem:$0x3FAD]  }
0x31: {  	[smem:$0x3FB6] =	sst s10  }
0x32: {  	s10 =	sld [smem:$0x3FB4];
	_ =	sdelay $0x3  }
0x33: {  	p0 =	seq.s32 s10, $0x1;
	s10 =	sld [smem:$0x3FB6];
	_ =	sdelay $0x3  }
0x34: {  	[smem:$0x3FB6] =	sst s10  }
0x35: {  	s10 =	sld [smem:$0x3FB5];
	_ =	sdelay $0x3  }
0x36: {  	p1 =	seq.s32 s10, $0x1;
	s10 =	sld [smem:$0x3FB6];
	_ =	sdelay $0x3  }
0x37: {  	[smem:$0x3FB6] =	sst s10  }
0x38: {  	s10 =	sld [smem:$0x3FB7]  }
0x39: {  	_ = 	snop;
	(pc) =	sbr.ind lr, $3  }
0x3a: {  	_ = 	snop  }
0x3b: {  	_ = 	snop  }
0x3c: {  	p2 =	seq.s32 s10, $0x1;
	s10 =	sld [smem:$0x3FB6]  }
0x3d: {  	_ =	shalt  }
0x3e: {  	_ =	shalt  }
0x3f: {  	_ =	shalt  }
0x40: {  	_ =	shalt  }
0x41: {  	_ =	shalt  }
0x42: {  	_ =	shalt  }
0x43: {  	_ =	shalt  }
0x44: {  	_ =	shalt  }
0x45: {  	_ =	shalt  }
0x46: {  	_ =	shalt  }
0x47: {  	_ =	shalt  }
0x48: {  	_ =	shalt  }
0x49: {  	_ =	shalt  }
0x4a: {  	_ =	shalt  }
0x4b: {  	_ =	shalt  }
0x4c: {  	_ =	shalt  }
0x4d: {  	_ =	shalt  }
0x4e: {  	_ =	shalt  }
0x4f: {  	_ =	shalt  }
0x50: {  	_ =	shalt  }
0x51: {  	_ =	shalt  }
0x52: {  	_ =	shalt  }
0x53: {  	_ =	shalt  }
0x54: {  	_ =	shalt  }
0x55: {  	_ =	shalt  }
0x56: {  	_ =	shalt  }
0x57: {  	_ =	shalt  }
0x58: {  	_ =	shalt  }
0x59: {  	_ =	shalt  }
0x5a: {  	_ =	shalt  }
0x5b: {  	_ =	shalt  }
0x5c: {  	_ =	shalt  }
0x5d: {  	_ =	shalt  }
0x5e: {  	_ =	shalt  }
0x5f: {  	_ =	shalt  }
0x60: {  	_ =	shalt  }
0x61: {  	_ =	shalt  }
0x62: {  	_ =	shalt  }
0x63: {  	_ =	shalt  }
0x64: {  	_ =	shalt  }
0x65: {  	_ =	shalt  }
0x66: {  	_ =	shalt  }
0x67: {  	_ =	shalt  }
0x68: {  	_ =	shalt  }
0x69: {  	_ =	shalt  }
0x6a: {  	_ =	shalt  }
0x6b: {  	_ =	shalt  }
0x6c: {  	_ =	shalt  }
0x6d: {  	_ =	shalt  }
0x6e: {  	_ =	shalt  }
0x6f: {  	_ =	shalt  }
0x70: {  	_ =	shalt  }
0x71: {  	_ =	shalt  }
0x72: {  	_ =	shalt  }
0x73: {  	_ =	shalt  }
0x74: {  	_ =	shalt  }
0x75: {  	_ =	shalt  }
0x76: {  	_ =	shalt  }
0x77: {  	_ =	shalt  }
0x78: {  	_ =	shalt  }
0x79: {  	_ =	shalt  }
0x7a: {  	_ =	shalt  }
0x7b: {  	_ =	shalt  }
0x7c: {  	_ =	shalt  }
0x7d: {  	_ =	shalt  }
0x7e: {  	_ =	shalt  }
0x7f: {  	_ =	shalt  }
0x80: {  	_ =	shalt  }
0x81: {  	_ =	shalt  }
0x82: {  	_ =	shalt  }
0x83: {  	_ =	shalt  }
0x84: {  	_ =	shalt  }
0x85: {  	_ =	shalt  }
0x86: {  	_ =	shalt  }
0x87: {  	_ =	shalt  }
.Lfunc_end0:
.L_simem_size_0:
called_computation_lowered:
.L_overlay_start_0:
0x88: {  	s2 =	sld [smem:$0x3FD9]  }
0x89: {  	s3 =	sld [smem:$0x3FFE];
	_ =	sdelay $0x1  }
0x8a: {  	s1 =	srdreg.scid  }
0x8b: {  	s0 =	sand.u32 $0x1, s1  }
0x8c: {  	s17 =	sshll.u32 s0, $0xA;
	s2 =	sadd.s32 s3, s2  }
0x8d: {  	s2 =	sadd.s32 s2, s17  }
0x8e: {  	[smem:$0x3FC2] =	sst s2  }
0x8f: {  	_ = 	snop  }
0x90: {  	s2 =	sld [smem:$0x3FC5]  }
0x91: {  	s18 =	sld [smem:$0x3FC4]  }
0x92: {  	s4 =	sld [smem:$0x3FD0];
	(tm) =	ssettm $0x1  }
0x93: {  	s5 =	sld [smem:$0x3FFB];
	_ =	sdelay $0x3  }
0x94: {  	_ =	strace s5  }
0x95: {  	s5 =	sld [smem:$0x3FFC];
	_ =	sdelay $0x3  }
0x96: {  	_ =	strace s5  }
0x97: {  	s5 =	sld [smem:$0x3FFD];
	_ =	sdelay $0x3  }
0x98: {  	_ =	strace s5  }
0x99: {  	_ =	strace $0x8FFFFFFF  }
0x9a: {  	s19 =	sld [smem:$0x3FDB];
	_ =	sdelay $0x1  }
0x9b: {  	s6 =	simm.s32 $_scs_section_size  }
0x9c: {  	s7 =	simm.s32 $_size__tile_overlayer_lowered;
	s8 =	simm.s32 $_tile_overlayer_lowered  }
0x9d: {  	s22 =	simm.s32 $0x1BFF;
	s21 =	sshll.u32 s8, $0x1;
	s5 =	sadd.s32 s6, s19  }
0x9e: {  	s9 =	simm.s32 $0x0;
	s20 =	sshll.u32 s7, $0x1;
	s7 =	sadd.s32 s21, s5  }
0x9f: {  	[timem:s9], [sflag:s22] =	dma.local [hbm:s7], s20  }
0xa0: {  	_ =	swait.ge [sflag:s22], s20  }
0xa1: {  	s6 =	ssub.s32 $0x0, s20;
	[sflag:s22] =	ssyncset.done $0x0  }
0xa2: {  	[sflag:s22] =	ssyncadd.s32 s6;
	_ =	sdelay $0x1  }
0xa3: {  	s23 =	simm.s32 $0x1B8B  }
0xa4: {  	_ =	swait.ge [sflag:s23], $0x1  }
0xa5: {  	[sflag:s23] =	ssyncset.done $0x0  }
0xa6: {  	s25 =	simm.s32 $0x1B8E;
	s24 =	sld [smem:$0x3FFE];
	[sflag:s23] =	ssyncadd.s32 $0xFFFFFFFF  }
0xa7: {  	s26 =	simm.s32 $execute0_lowered;
	[smem:$0x3FD2] =	sst s25  }
0xa8: {  	s7 =	sshll.u32 s26, $0x1;
	_ =	strace $0x80000046;
	[dreg:$0x1] =	wrdreg $0xFFFFFFFF  }
0xa9: {  	s28 =	simm.s32 $_size_execute0_lowered;
	s5 =	sadd.s32 s5, s7;
	[dreg:$0x0] =	wrdreg $0x0  }
0xaa: {  	s7 =	sshll.u32 s28, $0x1;
	[dreg:$0x2] =	wrdreg s5  }
0xab: {  	[dreg:$0x3] =	wrdreg s7  }
0xac: {  	[dreg:$0x4] =	wrdreg $0xC0  }
0xad: {  	_ =	task [dreg:s9], $0x5FFFF  }
0xae: {  	[dreg:$0x1] =	wrdreg $0xFFFFFFFF  }
0xaf: {  	[dreg:$0x0] =	wrdreg $0x60  }
0xb0: {  	[dreg:$0x2] =	wrdreg s18  }
0xb1: {  	[dreg:$0x3] =	wrdreg s4  }
0xb2: {  	[dreg:$0x4] =	wrdreg s2  }
0xb3: {  	[dreg:$0x5] =	wrdreg s24  }
0xb4: {  	[dreg:$0x6] =	wrdreg $0x9  }
0xb5: {  	_ =	task.clear_ibuf [dreg:s9], $0x7FFFF;
	_ =	strace $0x90000046  }
0xb6: {  	s29 =	simm.s32 $0x9;
	_ =	strace $0x80000048  }
0xb7: {  	_ =	swait.ge [sflag:s29], $0x1  }
0xb8: {  	[sflag:s29] =	ssyncadd.s32 $0xFFFFFFFF  }
0xb9: {  	_ =	strace $0x90000048  }
0xba: {  	_ =	sfence  }
0xbb: {  	s30 =	sld [smem:$0x0];
	_ =	sdelay $0x2  }
0xbc: {  	s31 =	sshll.u32 s1, $0xD;
	s1 =	sshrl.u32 s1, $0x2  }
0xbd: {  	s3 =	sand.u32 $0x4000, s31;
	s1 =	sadd.s32 s1, s30  }
0xbe: {  	s0 =	sor.u32 s3, s0;
	s1 =	sshll.u32 s1, $0x11  }
0xbf: {  	s0 =	sor.u32 s1, s0  }
0xc0: {  	s0 =	sadd.s32 $0x8F2B, s0  }
0xc1: {  	[sflag:s0] =	ssyncadd.remote.s32 $0x1  }
0xc2: {  	_ =	sfence.sel $0xFFFF  }
0xc3: {  	[dreg:$0x0] =	wrdreg $0xFFFFFFFF;
	(pc) =	sbr.abs _section_cstart, $3  }
0xc4: {  	[dreg:$0x1] =	wrdreg $0xFFFFFFFF  }
0xc5: {  	_ =	task.clear_ibuf [dreg:s9], $0x2FFFF;
	_ =	strace $0x9FFFFFFF  }
0xc6: {  	(tm) =	ssettm $0x7FFFFFFF  }
0xc7: {  	_ =	shalt  }
tec
execute0_lowered:
.L_overlay_start_1:
0x0: {  	(tag) =	ssettag $0x1  }
0x1: {  	s0 =	rddreg [dreg:$0x0]  }
0x2: {  	s2 =	rddreg [dreg:$0x2]  }
0x3: {  	s1 =	rddreg [dreg:$0x3];
	s4 =	simm.s32 $0x0;
	s3 =	srdreg.scid  }
0x4: {  	s5 =	stileid.u32;
	s23 =	simm.s32 $0x1400;
	s24 =	simm.s32 $0xC3800  }
0x5: {  	s28 =	simm.s32 $0x1AF00;
	s29 =	simm.s32 $0x2;
	s30 =	simm.s32 $0x4  }
0x6: {  	s31 =	simm.s32 $0x3;
	[smem:$0x7FF] =	sst s4;
	s3 =	sand.u32 $0x1, s3  }
0x7: {  	s5 =	sshll.u32 s5, $0x1;
	s17 =	sadd.s32 $0x1000, s1;
	s7 =	sadd.s32 $0x24C0, s2  }
0x8: {  	s26 =	sadd.s32 $0x40D0, s1;
	_ =	strace $0x80000047;
	s6 =	ssub.s32 $0x2, s3  }
0x9: {  	s3 =	sor.u32 s3, s5;
	s5 =	sadd.s32 $0xC40, s2;
	[dreg:$0x5] =	wrdreg s26  }
0xa: {  	s26 =	simm.s32 $0x1;
	s25 =	sshrl.u32 s6, $0x1;
	s13 =	smul.u32 $0xC80, s3  }
0xb: {  	p0 =	sne.s32 s3, $0x1F;
	s3 =	simm.s32 $0x0;
	s19 =	ssub.s32 s6, s25  }
0xc: {  	s6 =	sadd.s32 $0x1880, s2;
	s25 =	simm.s32 $0x18700;
	s8 =	sadd.s32 s0, s13  }
0xd: {  	s9 =	smin.u32 s13, $0x18180;
	s10 =	sshrl.u32 s13, $0x3;
	s11 =	smin.u32 s13, $0x17F00  }
0xe: {  	s15 =	smin.u32 s13, $0x17C80;
	s16 =	smin.u32 s13, $0x17A00;
	s19 =	smax.u32 s19, $0x1  }
0xf: {  	s12 =	sadd.s32 $0x280, s9;
	s10 =	sadd.s32 s17, s10;
	s14 =	sadd.s32 $0x500, s11  }
.Ltmp0:
0x10: {  	s15 =	sadd.s32 $0x780, s15;
	s16 =	sadd.s32 $0xA00, s16;
	(pc) =	sbr.rel .LBB2_1-.Ltmp0, $4  }
0x11: {  	s9 =	sadd.s32 s0, s12;
	s11 =	sadd.s32 s0, s14;
	s12 =	sshrl.u32 s12, $0x3  }
0x12: {  	s13 =	sadd.s32 s0, s15;
	s14 =	sshrl.u32 s14, $0x3;
	s18 =	sshrl.u32 s15, $0x3  }
0x13: {  	s20 =	sshrl.u32 s16, $0x3;
	s15 =	sadd.s32 s0, s16;
	s12 =	sadd.s32 s17, s12  }
0x14: {  	s14 =	sadd.s32 s17, s14;
	s16 =	sadd.s32 s17, s18;
	s17 =	sadd.s32 s17, s20  }
.LBB2_14:
0x15: {  	v5 =	vld [tilespmem:s21+$0x1D980];
	v1 =	vadd.f32 v1, v4;
	_ =	sdelay $0x1  }
0x16: {  	v42 =	vld [tilespmem:s21+$0x1DA80];
	v1 =	vadd.f32 v2, v1;
	_ =	sdelay $0x1  }
0x17: {  	v43 =	vld [tilespmem:s21+$0x1DB00];
	v1 =	vadd.f32 v3, v1  }
0x18: {  	v44 =	vld [tilespmem:s21+$0x1DC00]  }
0x19: {  	v6 =	vld [tilespmem:s21+$0x1DB80];
	[tilespmem:s1+$0x1E180] =	vst v1  }
0x1a: {  	v0 =	vld.idx.msk [tilespmem:v0+s4+$0x0], $0xffff  }
0x1b: {  	v1 =	vld.idx.msk [tilespmem:v5+s4+$0x0], $0xffff  }
0x1c: {  	v45 =	vld [tilespmem:s21+$0x1DC80]  }
0x1d: {  	v4 =	vld.idx.msk [tilespmem:v42+s4+$0x0], $0xffff  }
0x1e: {  	v7 =	vld [tilespmem:s21+$0x1DD00]  }
0x1f: {  	v2 =	vld.idx.msk [tilespmem:v43+s4+$0x0], $0xffff  }
0x20: {  	v8 =	vld [tilespmem:s21+$0x1DD80];
	v0 =	vadd.f32 v0, v1  }
0x21: {  	v46 =	vld.idx.msk [tilespmem:v6+s4+$0x0], $0xffff  }
0x22: {  	v47 =	vld [tilespmem:s21+$0x1DE00];
	v0 =	vadd.f32 v4, v0  }
0x23: {  	v3 =	vld.idx.msk [tilespmem:v44+s4+$0x0], $0xffff  }
0x24: {  	v48 =	vld [tilespmem:s21+$0x1DE80];
	v0 =	vadd.f32 v2, v0  }
0x25: {  	v49 =	vld.idx.msk [tilespmem:v45+s4+$0x0], $0xffff  }
0x26: {  	v50 =	vld [tilespmem:s21+$0x1DF00];
	v0 =	vadd.f32 v46, v0  }
0x27: {  	v51 =	vld.idx.msk [tilespmem:v7+s4+$0x0], $0xffff  }
0x28: {  	v52 =	vld [tilespmem:s21+$0x1DF80];
	v0 =	vadd.f32 v3, v0  }
0x29: {  	v53 =	vld.idx.msk [tilespmem:v8+s4+$0x0], $0xffff  }
0x2a: {  	v54 =	vld [tilespmem:s21+$0x1E000];
	v0 =	vadd.f32 v49, v0  }
0x2b: {  	v55 =	vld.idx.msk [tilespmem:v47+s4+$0x0], $0xffff  }
0x2c: {  	v56 =	vld [tilespmem:s21+$0x1E080];
	v0 =	vadd.f32 v51, v0  }
0x2d: {  	v57 =	vld.idx.msk [tilespmem:v48+s4+$0x0], $0xffff  }
0x2e: {  	v58 =	vld [tilespmem:s21+$0x1E100];
	v0 =	vadd.f32 v53, v0  }
0x2f: {  	v59 =	vld.idx.msk [tilespmem:v50+s4+$0x0], $0xffff  }
0x30: {  	v0 =	vadd.f32 v55, v0  }
0x31: {  	v60 =	vld.idx.msk [tilespmem:v52+s4+$0x0], $0xffff  }
0x32: {  	v0 =	vadd.f32 v57, v0  }
0x33: {  	v61 =	vld.idx.msk [tilespmem:v54+s4+$0x0], $0xffff  }
0x34: {  	v0 =	vadd.f32 v59, v0  }
0x35: {  	v62 =	vld.idx.msk [tilespmem:v56+s4+$0x0], $0xffff  }
0x36: {  	v0 =	vadd.f32 v60, v0  }
0x37: {  	v63 =	vld.idx.msk [tilespmem:v58+s4+$0x0], $0xffff  }
0x38: {  	v0 =	vadd.f32 v61, v0;
	_ =	sdelay $0x1  }
0x39: {  	v0 =	vadd.f32 v62, v0;
	_ =	sdelay $0x1  }
0x3a: {  	v0 =	vadd.f32 v63, v0;
	_ =	sdelay $0x1  }
0x3b: {  	s0 =	rddreg [dreg:$0x5];
	s22 =	simm.s32 $0x1E180;
	[tilespmem:s21+$0x1E180] =	vst v0  }
0x3c: {  	[hbm4b:s0+s4] =	stream.linear.scatter [tilespmem:s22], [sflag:$0x4], $0x80, $0x38;
	[tilespmem:$0x1E200] =	vst v63  }
0x3d: {  	_ =	swait.ge [sflag:s30], $0x80  }
0x3e: {  	[sflag:s30] =	ssyncset.done $0x0  }
0x3f: {  	[sflag:s30] =	ssyncadd.s32 $0xFFFFFF80  }
.LBB2_15:
0x40: {  	s3 =	sadd.s32 $0x1, s3  }
0x41: {  	p1 =	sne.s32 s3, s19  }
.Ltmp1:
0x42: {  	_ = 	snop;
	(pc) =	sbr.rel @!p1 .LBB2_16-.Ltmp1, $1  }
0x43: {  	_ =	sdelay $0x3  }
.LBB2_1:
0x44: {  	[tilespmem:s4], [sflag:$0x1] =	stream.linear.gather [hbm4b:s2+s4], $0x6200, $0x38;
	[tilespmem:$0x1E200] =	vst v63  }
0x45: {  	s0 =	simm.s32 $0x6200  }
0x46: {  	[tilespmem:s0], [sflag:$0x1] =	stream.linear.gather [hbm4b:s5+s4], $0x6200, $0x38;
	[tilespmem:$0x1E200] =	vst v63  }
0x47: {  	s21 =	simm.s32 $0xC400  }
0x48: {  	[tilespmem:s21], [sflag:$0x1] =	stream.linear.gather [hbm4b:s6+s4], $0x6200, $0x38;
	[tilespmem:$0x1E200] =	vst v63  }
0x49: {  	s22 =	simm.s32 $0x12600  }
0x4a: {  	[tilespmem:s22], [sflag:$0x1] =	stream.linear.gather [hbm4b:s7+s4], $0x60A0, $0x38;
	[tilespmem:$0x1E200] =	vst v63  }
0x4b: {  	_ = 	snop  }
0x4c: {  	[tilespmem:s25], [sflag:$0x2] =	stream.strided.gather [hbm4b:s8+s23], $0x2800, s24, s23, $0x38;
	[tilespmem:$0x1E200] =	vst v63  }
0x4d: {  	_ =	swait.ge [sflag:s26], $0x6200  }
0x4e: {  	[sflag:s26] =	ssyncset.done $0x0  }
0x4f: {  	[sflag:s26] =	ssyncadd.s32 $0xFFFF9E00  }
0x50: {  	_ =	swait.ge [sflag:s26], $0x6200  }
0x51: {  	[sflag:s26] =	ssyncset.done $0x0  }
0x52: {  	[sflag:s26] =	ssyncadd.s32 $0xFFFF9E00  }
0x53: {  	_ =	swait.ge [sflag:s26], $0x6200  }
0x54: {  	[sflag:s26] =	ssyncset.done $0x0  }
0x55: {  	[sflag:s26] =	ssyncadd.s32 $0xFFFF9E00  }
0x56: {  	_ =	swait.ge [sflag:s26], $0x60A0  }
0x57: {  	[sflag:s26] =	ssyncset.done $0x0  }
0x58: {  	[sflag:s26] =	ssyncadd.s32 $0xFFFF9F60  }
0x59: {  	[tilespmem:s28], [sflag:$0x3] =	stream.strided.gather [hbm4b:s9+s23], $0x2800, s24, s23, $0x38;
	[tilespmem:$0x1E200] =	vst v63  }
0x5a: {  	_ =	swait.ge [sflag:s29], $0x2800  }
0x5b: {  	s1 =	sand.u32 $0x70, s4;
	s20 =	sand.u32 $0x1C00, s4;
	[sflag:s29] =	ssyncset.done $0x0  }
0x5c: {  	s1 =	sor.u32 s1, s20;
	[sflag:s29] =	ssyncadd.s32 $0xFFFFD800  }
0x5d: {  	v1 =	vld [tilespmem:s1+$0x19E80]  }
0x5e: {  	v0 =	vld [tilespmem:s1+$0x19D80]  }
0x5f: {  	v3 =	vld [tilespmem:s1+$0x19B80]  }
0x60: {  	v2 =	vld [tilespmem:s1+$0x19D00]  }
0x61: {  	v4 =	vld [tilespmem:s1+$0x19C80]  }
0x62: {  	v5 =	vld [tilespmem:s1+$0x19C00]  }
0x63: {  	v6 =	vld [tilespmem:s1+$0x19B00]  }
0x64: {  	s20 =	sadd.s32 $0x18700, s1;
	v9 =	vld [tilespmem:s1+$0x18700]  }
0x65: {  	v7 =	vld [tilespmem:s20+$0x280]  }
0x66: {  	v11 =	vld [tilespmem:s20+$0x100]  }
0x67: {  	v10 =	vld [tilespmem:s1+$0x19E00]  }
0x68: {  	v8 =	vld [tilespmem:s20+$0x380]  }
0x69: {  	v12 =	vld [tilespmem:s20+$0x200]  }
0x6a: {  	v15 =	vld [tilespmem:s20+$0x300]  }
0x6b: {  	v13 =	vld [tilespmem:s20+$0x180]  }
0x6c: {  	v14 =	vld [tilespmem:s20+$0x80]  }
0x6d: {  	v4 =	vld.idx.msk [tilespmem:v4+s4+$0x0], $0xffff  }
0x6e: {  	v5 =	vld.idx.msk [tilespmem:v5+s4+$0x0], $0xffff  }
0x6f: {  	v6 =	vld.idx.msk [tilespmem:v6+s4+$0x0], $0xffff  }
0x70: {  	v9 =	vld.idx.msk [tilespmem:v9+s4+$0x0], $0xffff  }
0x71: {  	v11 =	vld.idx.msk [tilespmem:v11+s4+$0x0], $0xffff  }
0x72: {  	s21 =	simm.s32 $0x0;
	v12 =	vld.idx.msk [tilespmem:v12+s4+$0x0], $0xffff  }
0x73: {  	s22 =	simm.s32 $0x1D700;
	s20 =	simm.s32 $0x10;
	s1 =	simm.s32 $0x1D700;
	v15 =	vld.idx.msk [tilespmem:v15+s4+$0x0], $0xffff  }
.LBB2_2:
0x74: {  	p1 =	sne.s32 s20, $0x270;
	v10 =	vld.idx.msk [tilespmem:v10+s4+$0x0], $0xffff;
	s21 =	sadd.s32 $0x80, s21;
	s22 =	sadd.s32 $0x10, s22  }
0x75: {  	s0 =	smov.u32 s20;
	s20 =	sadd.s32 $0x10, s20;
	v7 =	vld.idx.msk [tilespmem:v7+s4+$0x0], $0xffff  }
0x76: {  	v8 =	vld.idx.msk [tilespmem:v8+s4+$0x0], $0xffff  }
0x77: {  	v13 =	vld.idx.msk [tilespmem:v13+s4+$0x0], $0xffff  }
0x78: {  	v9 =	vadd.f32 v12, v9;
	v14 =	vld.idx.msk [tilespmem:v14+s4+$0x0], $0xffff  }
0x79: {  	v11 =	vadd.f32 v15, v11;
	v3 =	vld.idx.msk [tilespmem:v3+s4+$0x0], $0xffff  }
0x7a: {  	v6 =	vadd.f32 v6, v9;
	v1 =	vld.idx.msk [tilespmem:v1+s4+$0x0], $0xffff  }
0x7b: {  	v5 =	vadd.f32 v5, v11;
	v0 =	vld.idx.msk [tilespmem:v0+s4+$0x0], $0xffff  }
0x7c: {  	v2 =	vld.idx.msk [tilespmem:v2+s4+$0x0], $0xffff  }
0x7d: {  	v8 =	vadd.f32 v8, v13;
	v5 =	vadd.f32 v10, v5  }
0x7e: {  	v7 =	vadd.f32 v7, v14  }
0x7f: {  	v4 =	vadd.f32 v4, v8  }
0x80: {  	v3 =	vadd.f32 v3, v7  }
0x81: {  	v1 =	vadd.f32 v1, v4  }
0x82: {  	v2 =	vadd.f32 v2, v6;
	v0 =	vadd.f32 v0, v3  }
0x83: {  	v1 =	vadd.f32 v1, v5  }
0x84: {  	v0 =	vadd.f32 v0, v2  }
0x85: {  	s0 =	sand.u32 $0x70, s0;
	s18 =	sand.u32 $0x1C00, s21  }
0x86: {  	s0 =	sor.u32 s0, s18;
	v0 =	vadd.f32 v1, v0  }
0x87: {  	s18 =	sadd.s32 $0x18700, s0  }
0x88: {  	[tilespmem:s1+$0x0] =	vst v0;
	s1 =	smov.u32 s22  }
0x89: {  	v1 =	vld [tilespmem:s0+$0x19E80]  }
0x8a: {  	v0 =	vld [tilespmem:s0+$0x19D80]  }
0x8b: {  	v3 =	vld [tilespmem:s0+$0x19B80]  }
0x8c: {  	v2 =	vld [tilespmem:s0+$0x19D00]  }
0x8d: {  	v4 =	vld [tilespmem:s0+$0x19C80]  }
0x8e: {  	v5 =	vld [tilespmem:s0+$0x19C00]  }
0x8f: {  	v6 =	vld [tilespmem:s0+$0x19B00]  }
0x90: {  	v9 =	vld [tilespmem:s0+$0x18700]  }
0x91: {  	v7 =	vld [tilespmem:s18+$0x280]  }
0x92: {  	v11 =	vld [tilespmem:s18+$0x100]  }
0x93: {  	v10 =	vld [tilespmem:s0+$0x19E00]  }
0x94: {  	v8 =	vld [tilespmem:s18+$0x380]  }
0x95: {  	v4 =	vld.idx.msk [tilespmem:v4+s4+$0x0], $0xffff  }
0x96: {  	v12 =	vld [tilespmem:s18+$0x200]  }
0x97: {  	v15 =	vld [tilespmem:s18+$0x300]  }
0x98: {  	v5 =	vld.idx.msk [tilespmem:v5+s4+$0x0], $0xffff  }
0x99: {  	v6 =	vld.idx.msk [tilespmem:v6+s4+$0x0], $0xffff  }
0x9a: {  	v9 =	vld.idx.msk [tilespmem:v9+s4+$0x0], $0xffff  }
.Ltmp2:
0x9b: {  	v13 =	vld [tilespmem:s18+$0x180];
	(pc) =	sbr.rel @p1 .LBB2_2-.Ltmp2, $4  }
0x9c: {  	v14 =	vld [tilespmem:s18+$0x80]  }
0x9d: {  	v11 =	vld.idx.msk [tilespmem:v11+s4+$0x0], $0xffff  }
0x9e: {  	v12 =	vld.idx.msk [tilespmem:v12+s4+$0x0], $0xffff  }
0x9f: {  	v15 =	vld.idx.msk [tilespmem:v15+s4+$0x0], $0xffff  }
0xa0: {  	_ =	sdelay $0x3  }
0xa1: {  	v10 =	vld.idx.msk [tilespmem:v10+s4+$0x0], $0xffff  }
0xa2: {  	v7 =	vld.idx.msk [tilespmem:v7+s4+$0x0], $0xffff  }
0xa3: {  	v8 =	vld.idx.msk [tilespmem:v8+s4+$0x0], $0xffff  }
0xa4: {  	v13 =	vld.idx.msk [tilespmem:v13+s4+$0x0], $0xffff  }
0xa5: {  	v14 =	vld.idx.msk [tilespmem:v14+s4+$0x0], $0xffff  }
0xa6: {  	v3 =	vld.idx.msk [tilespmem:v3+s4+$0x0], $0xffff  }
0xa7: {  	v1 =	vld.idx.msk [tilespmem:v1+s4+$0x0], $0xffff  }
0xa8: {  	v2 =	vld.idx.msk [tilespmem:v2+s4+$0x0], $0xffff  }
0xa9: {  	v0 =	vld.idx.msk [tilespmem:v0+s4+$0x0], $0xffff;
	v9 =	vadd.f32 v12, v9;
	v11 =	vadd.f32 v15, v11  }
0xaa: {  	v8 =	vadd.f32 v8, v13;
	v7 =	vadd.f32 v7, v14  }
0xab: {  	v6 =	vadd.f32 v6, v9;
	v5 =	vadd.f32 v5, v11  }
0xac: {  	v4 =	vadd.f32 v4, v8;
	v3 =	vadd.f32 v3, v7  }
0xad: {  	v2 =	vadd.f32 v2, v6;
	v5 =	vadd.f32 v10, v5  }
0xae: {  	v1 =	vadd.f32 v1, v4;
	v0 =	vadd.f32 v0, v3;
	_ =	sdelay $0x1  }
0xaf: {  	v1 =	vadd.f32 v1, v5;
	v0 =	vadd.f32 v0, v2;
	_ =	sdelay $0x1  }
0xb0: {  	v0 =	vadd.f32 v1, v0;
	_ =	sdelay $0x1  }
0xb1: {  	s20 =	simm.s32 $0x1D700;
	[tilespmem:s1+$0x0] =	vst v0;
	s1 =	simm.s32 $0x0  }
0xb2: {  	[hbm4b:s10+s1] =	stream.linear.scatter [tilespmem:s20], [sflag:$0x4], $0x280, $0x38;
	[tilespmem:$0x1E200] =	vst v63  }
0xb3: {  	_ =	swait.ge [sflag:s30], $0x280  }
0xb4: {  	[sflag:s30] =	ssyncset.done $0x0  }
0xb5: {  	[sflag:s30] =	ssyncadd.s32 $0xFFFFFD80  }
0xb6: {  	[tilespmem:s25], [sflag:$0x2] =	stream.strided.gather [hbm4b:s11+s23], $0x2800, s24, s23, $0x38;
	[tilespmem:$0x1E200] =	vst v63  }
0xb7: {  	_ =	swait.ge [sflag:s31], $0x2800  }
0xb8: {  	s0 =	sand.u32 $0x70, s1;
	s18 =	sand.u32 $0x1C00, s1;
	[sflag:s31] =	ssyncset.done $0x0  }
0xb9: {  	s0 =	sor.u32 s0, s18;
	[sflag:s31] =	ssyncadd.s32 $0xFFFFD800  }
0xba: {  	v1 =	vld [tilespmem:s0+$0x1C680]  }
0xbb: {  	v0 =	vld [tilespmem:s0+$0x1C580]  }
0xbc: {  	v3 =	vld [tilespmem:s0+$0x1C380]  }
0xbd: {  	v2 =	vld [tilespmem:s0+$0x1C500]  }
0xbe: {  	v4 =	vld [tilespmem:s0+$0x1C480]  }
0xbf: {  	v5 =	vld [tilespmem:s0+$0x1C400]  }
0xc0: {  	v6 =	vld [tilespmem:s0+$0x1C300]  }
0xc1: {  	s18 =	sadd.s32 $0x1AF00, s0;
	v9 =	vld [tilespmem:s0+$0x1AF00]  }
0xc2: {  	v7 =	vld [tilespmem:s18+$0x280]  }
0xc3: {  	v11 =	vld [tilespmem:s18+$0x100]  }
0xc4: {  	v10 =	vld [tilespmem:s0+$0x1C600]  }
0xc5: {  	v8 =	vld [tilespmem:s18+$0x380]  }
0xc6: {  	v12 =	vld [tilespmem:s18+$0x200]  }
0xc7: {  	v15 =	vld [tilespmem:s18+$0x300]  }
0xc8: {  	v13 =	vld [tilespmem:s18+$0x180]  }
0xc9: {  	v14 =	vld [tilespmem:s18+$0x80]  }
0xca: {  	v4 =	vld.idx.msk [tilespmem:v4+s4+$0x0], $0xffff  }
0xcb: {  	v5 =	vld.idx.msk [tilespmem:v5+s4+$0x0], $0xffff  }
0xcc: {  	v6 =	vld.idx.msk [tilespmem:v6+s4+$0x0], $0xffff  }
0xcd: {  	v9 =	vld.idx.msk [tilespmem:v9+s4+$0x0], $0xffff  }
0xce: {  	v11 =	vld.idx.msk [tilespmem:v11+s4+$0x0], $0xffff  }
0xcf: {  	v12 =	vld.idx.msk [tilespmem:v12+s4+$0x0], $0xffff  }
0xd0: {  	s22 =	simm.s32 $0x10;
	s21 =	simm.s32 $0x1D700;
	v15 =	vld.idx.msk [tilespmem:v15+s4+$0x0], $0xffff  }
.LBB2_4:
0xd1: {  	p1 =	sne.s32 s22, $0x270;
	v10 =	vld.idx.msk [tilespmem:v10+s4+$0x0], $0xffff;
	s1 =	sadd.s32 $0x80, s1;
	s20 =	sadd.s32 $0x10, s20  }
0xd2: {  	s0 =	smov.u32 s22;
	s22 =	sadd.s32 $0x10, s22;
	v7 =	vld.idx.msk [tilespmem:v7+s4+$0x0], $0xffff  }
0xd3: {  	v8 =	vld.idx.msk [tilespmem:v8+s4+$0x0], $0xffff  }
0xd4: {  	v13 =	vld.idx.msk [tilespmem:v13+s4+$0x0], $0xffff  }
0xd5: {  	v9 =	vadd.f32 v12, v9;
	v14 =	vld.idx.msk [tilespmem:v14+s4+$0x0], $0xffff  }
0xd6: {  	v11 =	vadd.f32 v15, v11;
	v3 =	vld.idx.msk [tilespmem:v3+s4+$0x0], $0xffff  }
0xd7: {  	v6 =	vadd.f32 v6, v9;
	v1 =	vld.idx.msk [tilespmem:v1+s4+$0x0], $0xffff  }
0xd8: {  	v5 =	vadd.f32 v5, v11;
	v0 =	vld.idx.msk [tilespmem:v0+s4+$0x0], $0xffff  }
0xd9: {  	v2 =	vld.idx.msk [tilespmem:v2+s4+$0x0], $0xffff  }
0xda: {  	v8 =	vadd.f32 v8, v13;
	v5 =	vadd.f32 v10, v5  }
0xdb: {  	v7 =	vadd.f32 v7, v14  }
0xdc: {  	v4 =	vadd.f32 v4, v8  }
0xdd: {  	v3 =	vadd.f32 v3, v7  }
0xde: {  	v1 =	vadd.f32 v1, v4  }
0xdf: {  	v2 =	vadd.f32 v2, v6;
	v0 =	vadd.f32 v0, v3  }
0xe0: {  	v1 =	vadd.f32 v1, v5  }
0xe1: {  	v0 =	vadd.f32 v0, v2  }
0xe2: {  	s0 =	sand.u32 $0x70, s0;
	s18 =	sand.u32 $0x1C00, s1  }
0xe3: {  	s0 =	sor.u32 s0, s18;
	v0 =	vadd.f32 v1, v0  }
0xe4: {  	s18 =	sadd.s32 $0x1AF00, s0  }
0xe5: {  	[tilespmem:s21+$0x0] =	vst v0;
	s21 =	smov.u32 s20  }
0xe6: {  	v1 =	vld [tilespmem:s0+$0x1C680]  }
0xe7: {  	v0 =	vld [tilespmem:s0+$0x1C580]  }
0xe8: {  	v3 =	vld [tilespmem:s0+$0x1C380]  }
0xe9: {  	v2 =	vld [tilespmem:s0+$0x1C500]  }
0xea: {  	v4 =	vld [tilespmem:s0+$0x1C480]  }
0xeb: {  	v5 =	vld [tilespmem:s0+$0x1C400]  }
0xec: {  	v6 =	vld [tilespmem:s0+$0x1C300]  }
0xed: {  	v9 =	vld [tilespmem:s0+$0x1AF00]  }
0xee: {  	v7 =	vld [tilespmem:s18+$0x280]  }
0xef: {  	v11 =	vld [tilespmem:s18+$0x100]  }
0xf0: {  	v10 =	vld [tilespmem:s0+$0x1C600]  }
0xf1: {  	v8 =	vld [tilespmem:s18+$0x380]  }
0xf2: {  	v4 =	vld.idx.msk [tilespmem:v4+s4+$0x0], $0xffff  }
0xf3: {  	v12 =	vld [tilespmem:s18+$0x200]  }
0xf4: {  	v15 =	vld [tilespmem:s18+$0x300]  }
0xf5: {  	v5 =	vld.idx.msk [tilespmem:v5+s4+$0x0], $0xffff  }
0xf6: {  	v6 =	vld.idx.msk [tilespmem:v6+s4+$0x0], $0xffff  }
0xf7: {  	v9 =	vld.idx.msk [tilespmem:v9+s4+$0x0], $0xffff  }
.Ltmp3:
0xf8: {  	v13 =	vld [tilespmem:s18+$0x180];
	(pc) =	sbr.rel @p1 .LBB2_4-.Ltmp3, $4  }
0xf9: {  	v14 =	vld [tilespmem:s18+$0x80]  }
0xfa: {  	v11 =	vld.idx.msk [tilespmem:v11+s4+$0x0], $0xffff  }
0xfb: {  	v12 =	vld.idx.msk [tilespmem:v12+s4+$0x0], $0xffff  }
0xfc: {  	v15 =	vld.idx.msk [tilespmem:v15+s4+$0x0], $0xffff  }
0xfd: {  	_ =	sdelay $0x3  }
0xfe: {  	v10 =	vld.idx.msk [tilespmem:v10+s4+$0x0], $0xffff  }
0xff: {  	v7 =	vld.idx.msk [tilespmem:v7+s4+$0x0], $0xffff  }
0x100: {  	v8 =	vld.idx.msk [tilespmem:v8+s4+$0x0], $0xffff  }
0x101: {  	v13 =	vld.idx.msk [tilespmem:v13+s4+$0x0], $0xffff  }
0x102: {  	v14 =	vld.idx.msk [tilespmem:v14+s4+$0x0], $0xffff  }
0x103: {  	v3 =	vld.idx.msk [tilespmem:v3+s4+$0x0], $0xffff  }
0x104: {  	v1 =	vld.idx.msk [tilespmem:v1+s4+$0x0], $0xffff  }
0x105: {  	v2 =	vld.idx.msk [tilespmem:v2+s4+$0x0], $0xffff  }
0x106: {  	v0 =	vld.idx.msk [tilespmem:v0+s4+$0x0], $0xffff;
	v9 =	vadd.f32 v12, v9;
	v11 =	vadd.f32 v15, v11  }
0x107: {  	v8 =	vadd.f32 v8, v13;
	v7 =	vadd.f32 v7, v14  }
0x108: {  	v6 =	vadd.f32 v6, v9;
	v5 =	vadd.f32 v5, v11  }
0x109: {  	v4 =	vadd.f32 v4, v8;
	v3 =	vadd.f32 v3, v7  }
0x10a: {  	v2 =	vadd.f32 v2, v6;
	v5 =	vadd.f32 v10, v5  }
0x10b: {  	v1 =	vadd.f32 v1, v4;
	v0 =	vadd.f32 v0, v3;
	_ =	sdelay $0x1  }
0x10c: {  	v1 =	vadd.f32 v1, v5;
	v0 =	vadd.f32 v0, v2;
	_ =	sdelay $0x1  }
0x10d: {  	v0 =	vadd.f32 v1, v0;
	_ =	sdelay $0x1  }
0x10e: {  	s1 =	simm.s32 $0x0;
	s20 =	simm.s32 $0x1D700;
	[tilespmem:s21+$0x0] =	vst v0  }
0x10f: {  	[hbm4b:s12+s1] =	stream.linear.scatter [tilespmem:s20], [sflag:$0x4], $0x280, $0x38;
	[tilespmem:$0x1E200] =	vst v63  }
0x110: {  	_ =	swait.ge [sflag:s30], $0x280  }
0x111: {  	[sflag:s30] =	ssyncset.done $0x0  }
0x112: {  	[sflag:s30] =	ssyncadd.s32 $0xFFFFFD80  }
0x113: {  	[tilespmem:s28], [sflag:$0x3] =	stream.strided.gather [hbm4b:s13+s23], $0x2800, s24, s23, $0x38;
	[tilespmem:$0x1E200] =	vst v63  }
0x114: {  	_ =	swait.ge [sflag:s29], $0x2800  }
0x115: {  	s0 =	sand.u32 $0x70, s1;
	s18 =	sand.u32 $0x1C00, s1;
	[sflag:s29] =	ssyncset.done $0x0  }
0x116: {  	s0 =	sor.u32 s0, s18;
	[sflag:s29] =	ssyncadd.s32 $0xFFFFD800  }
0x117: {  	v1 =	vld [tilespmem:s0+$0x19E80]  }
0x118: {  	v0 =	vld [tilespmem:s0+$0x19D80]  }
0x119: {  	v3 =	vld [tilespmem:s0+$0x19B80]  }
0x11a: {  	v2 =	vld [tilespmem:s0+$0x19D00]  }
0x11b: {  	v4 =	vld [tilespmem:s0+$0x19C80]  }
0x11c: {  	v5 =	vld [tilespmem:s0+$0x19C00]  }
0x11d: {  	v6 =	vld [tilespmem:s0+$0x19B00]  }
0x11e: {  	s18 =	sadd.s32 $0x18700, s0;
	v9 =	vld [tilespmem:s0+$0x18700]  }
0x11f: {  	v7 =	vld [tilespmem:s18+$0x280]  }
0x120: {  	v11 =	vld [tilespmem:s18+$0x100]  }
0x121: {  	v10 =	vld [tilespmem:s0+$0x19E00]  }
0x122: {  	v8 =	vld [tilespmem:s18+$0x380]  }
0x123: {  	v12 =	vld [tilespmem:s18+$0x200]  }
0x124: {  	v15 =	vld [tilespmem:s18+$0x300]  }
0x125: {  	v13 =	vld [tilespmem:s18+$0x180]  }
0x126: {  	v14 =	vld [tilespmem:s18+$0x80]  }
0x127: {  	v4 =	vld.idx.msk [tilespmem:v4+s4+$0x0], $0xffff  }
0x128: {  	v5 =	vld.idx.msk [tilespmem:v5+s4+$0x0], $0xffff  }
0x129: {  	v6 =	vld.idx.msk [tilespmem:v6+s4+$0x0], $0xffff  }
0x12a: {  	v9 =	vld.idx.msk [tilespmem:v9+s4+$0x0], $0xffff  }
0x12b: {  	v11 =	vld.idx.msk [tilespmem:v11+s4+$0x0], $0xffff  }
0x12c: {  	v12 =	vld.idx.msk [tilespmem:v12+s4+$0x0], $0xffff  }
0x12d: {  	s22 =	simm.s32 $0x10;
	s21 =	simm.s32 $0x1D700;
	v15 =	vld.idx.msk [tilespmem:v15+s4+$0x0], $0xffff  }
.LBB2_6:
0x12e: {  	p1 =	sne.s32 s22, $0x270;
	v10 =	vld.idx.msk [tilespmem:v10+s4+$0x0], $0xffff;
	s1 =	sadd.s32 $0x80, s1;
	s20 =	sadd.s32 $0x10, s20  }
0x12f: {  	s0 =	smov.u32 s22;
	s22 =	sadd.s32 $0x10, s22;
	v7 =	vld.idx.msk [tilespmem:v7+s4+$0x0], $0xffff  }
0x130: {  	v8 =	vld.idx.msk [tilespmem:v8+s4+$0x0], $0xffff  }
0x131: {  	v13 =	vld.idx.msk [tilespmem:v13+s4+$0x0], $0xffff  }
0x132: {  	v9 =	vadd.f32 v12, v9;
	v14 =	vld.idx.msk [tilespmem:v14+s4+$0x0], $0xffff  }
0x133: {  	v11 =	vadd.f32 v15, v11;
	v3 =	vld.idx.msk [tilespmem:v3+s4+$0x0], $0xffff  }
0x134: {  	v6 =	vadd.f32 v6, v9;
	v1 =	vld.idx.msk [tilespmem:v1+s4+$0x0], $0xffff  }
0x135: {  	v5 =	vadd.f32 v5, v11;
	v0 =	vld.idx.msk [tilespmem:v0+s4+$0x0], $0xffff  }
0x136: {  	v2 =	vld.idx.msk [tilespmem:v2+s4+$0x0], $0xffff  }
0x137: {  	v8 =	vadd.f32 v8, v13;
	v5 =	vadd.f32 v10, v5  }
0x138: {  	v7 =	vadd.f32 v7, v14  }
0x139: {  	v4 =	vadd.f32 v4, v8  }
0x13a: {  	v3 =	vadd.f32 v3, v7  }
0x13b: {  	v1 =	vadd.f32 v1, v4  }
0x13c: {  	v2 =	vadd.f32 v2, v6;
	v0 =	vadd.f32 v0, v3  }
0x13d: {  	v1 =	vadd.f32 v1, v5  }
0x13e: {  	v0 =	vadd.f32 v0, v2  }
0x13f: {  	s0 =	sand.u32 $0x70, s0;
	s18 =	sand.u32 $0x1C00, s1  }
0x140: {  	s0 =	sor.u32 s0, s18;
	v0 =	vadd.f32 v1, v0  }
0x141: {  	s18 =	sadd.s32 $0x18700, s0  }
0x142: {  	[tilespmem:s21+$0x0] =	vst v0;
	s21 =	smov.u32 s20  }
0x143: {  	v1 =	vld [tilespmem:s0+$0x19E80]  }
0x144: {  	v0 =	vld [tilespmem:s0+$0x19D80]  }
0x145: {  	v3 =	vld [tilespmem:s0+$0x19B80]  }
0x146: {  	v2 =	vld [tilespmem:s0+$0x19D00]  }
0x147: {  	v4 =	vld [tilespmem:s0+$0x19C80]  }
0x148: {  	v5 =	vld [tilespmem:s0+$0x19C00]  }
0x149: {  	v6 =	vld [tilespmem:s0+$0x19B00]  }
0x14a: {  	v9 =	vld [tilespmem:s0+$0x18700]  }
0x14b: {  	v7 =	vld [tilespmem:s18+$0x280]  }
0x14c: {  	v11 =	vld [tilespmem:s18+$0x100]  }
0x14d: {  	v10 =	vld [tilespmem:s0+$0x19E00]  }
0x14e: {  	v8 =	vld [tilespmem:s18+$0x380]  }
0x14f: {  	v4 =	vld.idx.msk [tilespmem:v4+s4+$0x0], $0xffff  }
0x150: {  	v12 =	vld [tilespmem:s18+$0x200]  }
0x151: {  	v15 =	vld [tilespmem:s18+$0x300]  }
0x152: {  	v5 =	vld.idx.msk [tilespmem:v5+s4+$0x0], $0xffff  }
0x153: {  	v6 =	vld.idx.msk [tilespmem:v6+s4+$0x0], $0xffff  }
0x154: {  	v9 =	vld.idx.msk [tilespmem:v9+s4+$0x0], $0xffff  }
.Ltmp4:
0x155: {  	v13 =	vld [tilespmem:s18+$0x180];
	(pc) =	sbr.rel @p1 .LBB2_6-.Ltmp4, $4  }
0x156: {  	v14 =	vld [tilespmem:s18+$0x80]  }
0x157: {  	v11 =	vld.idx.msk [tilespmem:v11+s4+$0x0], $0xffff  }
0x158: {  	v12 =	vld.idx.msk [tilespmem:v12+s4+$0x0], $0xffff  }
0x159: {  	v15 =	vld.idx.msk [tilespmem:v15+s4+$0x0], $0xffff  }
0x15a: {  	_ =	sdelay $0x3  }
0x15b: {  	v10 =	vld.idx.msk [tilespmem:v10+s4+$0x0], $0xffff  }
0x15c: {  	v7 =	vld.idx.msk [tilespmem:v7+s4+$0x0], $0xffff  }
0x15d: {  	v8 =	vld.idx.msk [tilespmem:v8+s4+$0x0], $0xffff  }
0x15e: {  	v13 =	vld.idx.msk [tilespmem:v13+s4+$0x0], $0xffff  }
0x15f: {  	v14 =	vld.idx.msk [tilespmem:v14+s4+$0x0], $0xffff  }
0x160: {  	v3 =	vld.idx.msk [tilespmem:v3+s4+$0x0], $0xffff  }
0x161: {  	v1 =	vld.idx.msk [tilespmem:v1+s4+$0x0], $0xffff  }
0x162: {  	v2 =	vld.idx.msk [tilespmem:v2+s4+$0x0], $0xffff  }
0x163: {  	v0 =	vld.idx.msk [tilespmem:v0+s4+$0x0], $0xffff;
	v9 =	vadd.f32 v12, v9;
	v11 =	vadd.f32 v15, v11  }
0x164: {  	v8 =	vadd.f32 v8, v13;
	v7 =	vadd.f32 v7, v14  }
0x165: {  	v6 =	vadd.f32 v6, v9;
	v5 =	vadd.f32 v5, v11  }
0x166: {  	v4 =	vadd.f32 v4, v8;
	v3 =	vadd.f32 v3, v7  }
0x167: {  	v2 =	vadd.f32 v2, v6;
	v5 =	vadd.f32 v10, v5  }
0x168: {  	v1 =	vadd.f32 v1, v4;
	v0 =	vadd.f32 v0, v3;
	_ =	sdelay $0x1  }
0x169: {  	v1 =	vadd.f32 v1, v5;
	v0 =	vadd.f32 v0, v2;
	_ =	sdelay $0x1  }
0x16a: {  	v0 =	vadd.f32 v1, v0;
	_ =	sdelay $0x1  }
0x16b: {  	s1 =	simm.s32 $0x0;
	s20 =	simm.s32 $0x1D700;
	[tilespmem:s21+$0x0] =	vst v0  }
0x16c: {  	[hbm4b:s14+s1] =	stream.linear.scatter [tilespmem:s20], [sflag:$0x4], $0x280, $0x38;
	[tilespmem:$0x1E200] =	vst v63  }
0x16d: {  	_ =	swait.ge [sflag:s30], $0x280  }
0x16e: {  	[sflag:s30] =	ssyncset.done $0x0  }
0x16f: {  	[sflag:s30] =	ssyncadd.s32 $0xFFFFFD80  }
0x170: {  	[tilespmem:s25], [sflag:$0x2] =	stream.strided.gather [hbm4b:s15+s23], $0x2800, s24, s23, $0x38;
	[tilespmem:$0x1E200] =	vst v63  }
0x171: {  	_ =	swait.ge [sflag:s31], $0x2800  }
0x172: {  	s0 =	sand.u32 $0x70, s1;
	s18 =	sand.u32 $0x1C00, s1;
	[sflag:s31] =	ssyncset.done $0x0  }
0x173: {  	s0 =	sor.u32 s0, s18;
	[sflag:s31] =	ssyncadd.s32 $0xFFFFD800  }
0x174: {  	v1 =	vld [tilespmem:s0+$0x1C680]  }
0x175: {  	v0 =	vld [tilespmem:s0+$0x1C580]  }
0x176: {  	v3 =	vld [tilespmem:s0+$0x1C380]  }
0x177: {  	v2 =	vld [tilespmem:s0+$0x1C500]  }
0x178: {  	v4 =	vld [tilespmem:s0+$0x1C480]  }
0x179: {  	v5 =	vld [tilespmem:s0+$0x1C400]  }
0x17a: {  	v6 =	vld [tilespmem:s0+$0x1C300]  }
0x17b: {  	s18 =	sadd.s32 $0x1AF00, s0;
	v9 =	vld [tilespmem:s0+$0x1AF00]  }
0x17c: {  	v7 =	vld [tilespmem:s18+$0x280]  }
0x17d: {  	v11 =	vld [tilespmem:s18+$0x100]  }
0x17e: {  	v10 =	vld [tilespmem:s0+$0x1C600]  }
0x17f: {  	v8 =	vld [tilespmem:s18+$0x380]  }
0x180: {  	v12 =	vld [tilespmem:s18+$0x200]  }
0x181: {  	v15 =	vld [tilespmem:s18+$0x300]  }
0x182: {  	v13 =	vld [tilespmem:s18+$0x180]  }
0x183: {  	v14 =	vld [tilespmem:s18+$0x80]  }
0x184: {  	v4 =	vld.idx.msk [tilespmem:v4+s4+$0x0], $0xffff  }
0x185: {  	v5 =	vld.idx.msk [tilespmem:v5+s4+$0x0], $0xffff  }
0x186: {  	v6 =	vld.idx.msk [tilespmem:v6+s4+$0x0], $0xffff  }
0x187: {  	v9 =	vld.idx.msk [tilespmem:v9+s4+$0x0], $0xffff  }
0x188: {  	v11 =	vld.idx.msk [tilespmem:v11+s4+$0x0], $0xffff  }
0x189: {  	v12 =	vld.idx.msk [tilespmem:v12+s4+$0x0], $0xffff  }
0x18a: {  	s22 =	simm.s32 $0x10;
	s21 =	simm.s32 $0x1D700;
	v15 =	vld.idx.msk [tilespmem:v15+s4+$0x0], $0xffff  }
.LBB2_8:
0x18b: {  	p1 =	sne.s32 s22, $0x270;
	v10 =	vld.idx.msk [tilespmem:v10+s4+$0x0], $0xffff;
	s1 =	sadd.s32 $0x80, s1;
	s20 =	sadd.s32 $0x10, s20  }
0x18c: {  	s0 =	smov.u32 s22;
	s22 =	sadd.s32 $0x10, s22;
	v7 =	vld.idx.msk [tilespmem:v7+s4+$0x0], $0xffff  }
0x18d: {  	v8 =	vld.idx.msk [tilespmem:v8+s4+$0x0], $0xffff  }
0x18e: {  	v13 =	vld.idx.msk [tilespmem:v13+s4+$0x0], $0xffff  }
0x18f: {  	v9 =	vadd.f32 v12, v9;
	v14 =	vld.idx.msk [tilespmem:v14+s4+$0x0], $0xffff  }
0x190: {  	v11 =	vadd.f32 v15, v11;
	v3 =	vld.idx.msk [tilespmem:v3+s4+$0x0], $0xffff  }
0x191: {  	v6 =	vadd.f32 v6, v9;
	v1 =	vld.idx.msk [tilespmem:v1+s4+$0x0], $0xffff  }
0x192: {  	v5 =	vadd.f32 v5, v11;
	v0 =	vld.idx.msk [tilespmem:v0+s4+$0x0], $0xffff  }
0x193: {  	v2 =	vld.idx.msk [tilespmem:v2+s4+$0x0], $0xffff  }
0x194: {  	v8 =	vadd.f32 v8, v13;
	v5 =	vadd.f32 v10, v5  }
0x195: {  	v7 =	vadd.f32 v7, v14  }
0x196: {  	v4 =	vadd.f32 v4, v8  }
0x197: {  	v3 =	vadd.f32 v3, v7  }
0x198: {  	v1 =	vadd.f32 v1, v4  }
0x199: {  	v2 =	vadd.f32 v2, v6;
	v0 =	vadd.f32 v0, v3  }
0x19a: {  	v1 =	vadd.f32 v1, v5  }
0x19b: {  	v0 =	vadd.f32 v0, v2  }
0x19c: {  	s0 =	sand.u32 $0x70, s0;
	s18 =	sand.u32 $0x1C00, s1  }
0x19d: {  	s0 =	sor.u32 s0, s18;
	v0 =	vadd.f32 v1, v0  }
0x19e: {  	s18 =	sadd.s32 $0x1AF00, s0  }
0x19f: {  	[tilespmem:s21+$0x0] =	vst v0;
	s21 =	smov.u32 s20  }
0x1a0: {  	v1 =	vld [tilespmem:s0+$0x1C680]  }
0x1a1: {  	v0 =	vld [tilespmem:s0+$0x1C580]  }
0x1a2: {  	v3 =	vld [tilespmem:s0+$0x1C380]  }
0x1a3: {  	v2 =	vld [tilespmem:s0+$0x1C500]  }
0x1a4: {  	v4 =	vld [tilespmem:s0+$0x1C480]  }
0x1a5: {  	v5 =	vld [tilespmem:s0+$0x1C400]  }
0x1a6: {  	v6 =	vld [tilespmem:s0+$0x1C300]  }
0x1a7: {  	v9 =	vld [tilespmem:s0+$0x1AF00]  }
0x1a8: {  	v7 =	vld [tilespmem:s18+$0x280]  }
0x1a9: {  	v11 =	vld [tilespmem:s18+$0x100]  }
0x1aa: {  	v10 =	vld [tilespmem:s0+$0x1C600]  }
0x1ab: {  	v8 =	vld [tilespmem:s18+$0x380]  }
0x1ac: {  	v4 =	vld.idx.msk [tilespmem:v4+s4+$0x0], $0xffff  }
0x1ad: {  	v12 =	vld [tilespmem:s18+$0x200]  }
0x1ae: {  	v15 =	vld [tilespmem:s18+$0x300]  }
0x1af: {  	v5 =	vld.idx.msk [tilespmem:v5+s4+$0x0], $0xffff  }
0x1b0: {  	v6 =	vld.idx.msk [tilespmem:v6+s4+$0x0], $0xffff  }
0x1b1: {  	v9 =	vld.idx.msk [tilespmem:v9+s4+$0x0], $0xffff  }
.Ltmp5:
0x1b2: {  	v13 =	vld [tilespmem:s18+$0x180];
	(pc) =	sbr.rel @p1 .LBB2_8-.Ltmp5, $4  }
0x1b3: {  	v14 =	vld [tilespmem:s18+$0x80]  }
0x1b4: {  	v11 =	vld.idx.msk [tilespmem:v11+s4+$0x0], $0xffff  }
0x1b5: {  	v12 =	vld.idx.msk [tilespmem:v12+s4+$0x0], $0xffff  }
0x1b6: {  	v15 =	vld.idx.msk [tilespmem:v15+s4+$0x0], $0xffff  }
0x1b7: {  	_ =	sdelay $0x3  }
0x1b8: {  	v10 =	vld.idx.msk [tilespmem:v10+s4+$0x0], $0xffff  }
0x1b9: {  	v7 =	vld.idx.msk [tilespmem:v7+s4+$0x0], $0xffff  }
0x1ba: {  	v8 =	vld.idx.msk [tilespmem:v8+s4+$0x0], $0xffff  }
0x1bb: {  	v13 =	vld.idx.msk [tilespmem:v13+s4+$0x0], $0xffff  }
0x1bc: {  	v14 =	vld.idx.msk [tilespmem:v14+s4+$0x0], $0xffff  }
0x1bd: {  	v3 =	vld.idx.msk [tilespmem:v3+s4+$0x0], $0xffff  }
0x1be: {  	v1 =	vld.idx.msk [tilespmem:v1+s4+$0x0], $0xffff  }
0x1bf: {  	v2 =	vld.idx.msk [tilespmem:v2+s4+$0x0], $0xffff  }
0x1c0: {  	v0 =	vld.idx.msk [tilespmem:v0+s4+$0x0], $0xffff;
	v9 =	vadd.f32 v12, v9;
	v11 =	vadd.f32 v15, v11  }
0x1c1: {  	v8 =	vadd.f32 v8, v13;
	v7 =	vadd.f32 v7, v14  }
0x1c2: {  	v6 =	vadd.f32 v6, v9;
	v5 =	vadd.f32 v5, v11  }
0x1c3: {  	v4 =	vadd.f32 v4, v8;
	v3 =	vadd.f32 v3, v7  }
0x1c4: {  	v2 =	vadd.f32 v2, v6;
	v5 =	vadd.f32 v10, v5  }
0x1c5: {  	v1 =	vadd.f32 v1, v4;
	v0 =	vadd.f32 v0, v3;
	_ =	sdelay $0x1  }
0x1c6: {  	v1 =	vadd.f32 v1, v5;
	v0 =	vadd.f32 v0, v2;
	_ =	sdelay $0x1  }
0x1c7: {  	v0 =	vadd.f32 v1, v0;
	_ =	sdelay $0x1  }
0x1c8: {  	s1 =	simm.s32 $0x0;
	s20 =	simm.s32 $0x1D700;
	[tilespmem:s21+$0x0] =	vst v0  }
0x1c9: {  	[hbm4b:s16+s1] =	stream.linear.scatter [tilespmem:s20], [sflag:$0x4], $0x280, $0x38;
	[tilespmem:$0x1E200] =	vst v63  }
0x1ca: {  	_ =	swait.ge [sflag:s30], $0x280  }
0x1cb: {  	[sflag:s30] =	ssyncset.done $0x0  }
0x1cc: {  	[sflag:s30] =	ssyncadd.s32 $0xFFFFFD80  }
0x1cd: {  	_ =	swait.ge [sflag:s29], $0x2800  }
0x1ce: {  	s0 =	sand.u32 $0x70, s1;
	s18 =	sand.u32 $0x1C00, s1;
	[sflag:s29] =	ssyncset.done $0x0  }
0x1cf: {  	s0 =	sor.u32 s0, s18;
	[sflag:s29] =	ssyncadd.s32 $0xFFFFD800  }
0x1d0: {  	v1 =	vld [tilespmem:s0+$0x19E80]  }
0x1d1: {  	v0 =	vld [tilespmem:s0+$0x19D80]  }
0x1d2: {  	v3 =	vld [tilespmem:s0+$0x19B80]  }
0x1d3: {  	v2 =	vld [tilespmem:s0+$0x19D00]  }
0x1d4: {  	v4 =	vld [tilespmem:s0+$0x19C80]  }
0x1d5: {  	v5 =	vld [tilespmem:s0+$0x19C00]  }
0x1d6: {  	v6 =	vld [tilespmem:s0+$0x19B00]  }
0x1d7: {  	s18 =	sadd.s32 $0x18700, s0;
	v9 =	vld [tilespmem:s0+$0x18700]  }
0x1d8: {  	v7 =	vld [tilespmem:s18+$0x280]  }
0x1d9: {  	v11 =	vld [tilespmem:s18+$0x100]  }
0x1da: {  	v10 =	vld [tilespmem:s0+$0x19E00]  }
0x1db: {  	v8 =	vld [tilespmem:s18+$0x380]  }
0x1dc: {  	v12 =	vld [tilespmem:s18+$0x200]  }
0x1dd: {  	v15 =	vld [tilespmem:s18+$0x300]  }
0x1de: {  	v13 =	vld [tilespmem:s18+$0x180]  }
0x1df: {  	v14 =	vld [tilespmem:s18+$0x80]  }
0x1e0: {  	v4 =	vld.idx.msk [tilespmem:v4+s4+$0x0], $0xffff  }
0x1e1: {  	v5 =	vld.idx.msk [tilespmem:v5+s4+$0x0], $0xffff  }
0x1e2: {  	v6 =	vld.idx.msk [tilespmem:v6+s4+$0x0], $0xffff  }
0x1e3: {  	v9 =	vld.idx.msk [tilespmem:v9+s4+$0x0], $0xffff  }
0x1e4: {  	v11 =	vld.idx.msk [tilespmem:v11+s4+$0x0], $0xffff  }
0x1e5: {  	v12 =	vld.idx.msk [tilespmem:v12+s4+$0x0], $0xffff  }
0x1e6: {  	s22 =	simm.s32 $0x10;
	s21 =	simm.s32 $0x1D700;
	v15 =	vld.idx.msk [tilespmem:v15+s4+$0x0], $0xffff  }
.LBB2_10:
0x1e7: {  	p1 =	sne.s32 s22, $0x270;
	v10 =	vld.idx.msk [tilespmem:v10+s4+$0x0], $0xffff;
	s1 =	sadd.s32 $0x80, s1;
	s20 =	sadd.s32 $0x10, s20  }
0x1e8: {  	s0 =	smov.u32 s22;
	s22 =	sadd.s32 $0x10, s22;
	v7 =	vld.idx.msk [tilespmem:v7+s4+$0x0], $0xffff  }
0x1e9: {  	v8 =	vld.idx.msk [tilespmem:v8+s4+$0x0], $0xffff  }
0x1ea: {  	v13 =	vld.idx.msk [tilespmem:v13+s4+$0x0], $0xffff  }
0x1eb: {  	v9 =	vadd.f32 v12, v9;
	v14 =	vld.idx.msk [tilespmem:v14+s4+$0x0], $0xffff  }
0x1ec: {  	v11 =	vadd.f32 v15, v11;
	v3 =	vld.idx.msk [tilespmem:v3+s4+$0x0], $0xffff  }
0x1ed: {  	v6 =	vadd.f32 v6, v9;
	v1 =	vld.idx.msk [tilespmem:v1+s4+$0x0], $0xffff  }
0x1ee: {  	v5 =	vadd.f32 v5, v11;
	v0 =	vld.idx.msk [tilespmem:v0+s4+$0x0], $0xffff  }
0x1ef: {  	v2 =	vld.idx.msk [tilespmem:v2+s4+$0x0], $0xffff  }
0x1f0: {  	v8 =	vadd.f32 v8, v13;
	v5 =	vadd.f32 v10, v5  }
0x1f1: {  	v7 =	vadd.f32 v7, v14  }
0x1f2: {  	v4 =	vadd.f32 v4, v8  }
0x1f3: {  	v3 =	vadd.f32 v3, v7  }
0x1f4: {  	v1 =	vadd.f32 v1, v4  }
0x1f5: {  	v2 =	vadd.f32 v2, v6;
	v0 =	vadd.f32 v0, v3  }
0x1f6: {  	v1 =	vadd.f32 v1, v5  }
0x1f7: {  	v0 =	vadd.f32 v0, v2  }
0x1f8: {  	s0 =	sand.u32 $0x70, s0;
	s18 =	sand.u32 $0x1C00, s1  }
0x1f9: {  	s0 =	sor.u32 s0, s18;
	v0 =	vadd.f32 v1, v0  }
0x1fa: {  	s18 =	sadd.s32 $0x18700, s0  }
0x1fb: {  	[tilespmem:s21+$0x0] =	vst v0;
	s21 =	smov.u32 s20  }
0x1fc: {  	v1 =	vld [tilespmem:s0+$0x19E80]  }
0x1fd: {  	v0 =	vld [tilespmem:s0+$0x19D80]  }
0x1fe: {  	v3 =	vld [tilespmem:s0+$0x19B80]  }
0x1ff: {  	v2 =	vld [tilespmem:s0+$0x19D00]  }
0x200: {  	v4 =	vld [tilespmem:s0+$0x19C80]  }
0x201: {  	v5 =	vld [tilespmem:s0+$0x19C00]  }
0x202: {  	v6 =	vld [tilespmem:s0+$0x19B00]  }
0x203: {  	v9 =	vld [tilespmem:s0+$0x18700]  }
0x204: {  	v7 =	vld [tilespmem:s18+$0x280]  }
0x205: {  	v11 =	vld [tilespmem:s18+$0x100]  }
0x206: {  	v10 =	vld [tilespmem:s0+$0x19E00]  }
0x207: {  	v8 =	vld [tilespmem:s18+$0x380]  }
0x208: {  	v4 =	vld.idx.msk [tilespmem:v4+s4+$0x0], $0xffff  }
0x209: {  	v12 =	vld [tilespmem:s18+$0x200]  }
0x20a: {  	v15 =	vld [tilespmem:s18+$0x300]  }
0x20b: {  	v5 =	vld.idx.msk [tilespmem:v5+s4+$0x0], $0xffff  }
0x20c: {  	v6 =	vld.idx.msk [tilespmem:v6+s4+$0x0], $0xffff  }
0x20d: {  	v9 =	vld.idx.msk [tilespmem:v9+s4+$0x0], $0xffff  }
.Ltmp6:
0x20e: {  	v13 =	vld [tilespmem:s18+$0x180];
	(pc) =	sbr.rel @p1 .LBB2_10-.Ltmp6, $4  }
0x20f: {  	v14 =	vld [tilespmem:s18+$0x80]  }
0x210: {  	v11 =	vld.idx.msk [tilespmem:v11+s4+$0x0], $0xffff  }
0x211: {  	v12 =	vld.idx.msk [tilespmem:v12+s4+$0x0], $0xffff  }
0x212: {  	v15 =	vld.idx.msk [tilespmem:v15+s4+$0x0], $0xffff  }
0x213: {  	_ =	sdelay $0x3  }
0x214: {  	v10 =	vld.idx.msk [tilespmem:v10+s4+$0x0], $0xffff  }
0x215: {  	v7 =	vld.idx.msk [tilespmem:v7+s4+$0x0], $0xffff  }
0x216: {  	v8 =	vld.idx.msk [tilespmem:v8+s4+$0x0], $0xffff  }
0x217: {  	v13 =	vld.idx.msk [tilespmem:v13+s4+$0x0], $0xffff  }
0x218: {  	v14 =	vld.idx.msk [tilespmem:v14+s4+$0x0], $0xffff  }
0x219: {  	v3 =	vld.idx.msk [tilespmem:v3+s4+$0x0], $0xffff  }
0x21a: {  	v1 =	vld.idx.msk [tilespmem:v1+s4+$0x0], $0xffff  }
0x21b: {  	v2 =	vld.idx.msk [tilespmem:v2+s4+$0x0], $0xffff  }
0x21c: {  	v0 =	vld.idx.msk [tilespmem:v0+s4+$0x0], $0xffff;
	v9 =	vadd.f32 v12, v9;
	v11 =	vadd.f32 v15, v11  }
0x21d: {  	v8 =	vadd.f32 v8, v13;
	v7 =	vadd.f32 v7, v14  }
0x21e: {  	v6 =	vadd.f32 v6, v9;
	v5 =	vadd.f32 v5, v11  }
0x21f: {  	v4 =	vadd.f32 v4, v8;
	v3 =	vadd.f32 v3, v7  }
0x220: {  	v2 =	vadd.f32 v2, v6;
	v5 =	vadd.f32 v10, v5  }
0x221: {  	v1 =	vadd.f32 v1, v4;
	v0 =	vadd.f32 v0, v3;
	_ =	sdelay $0x1  }
0x222: {  	v1 =	vadd.f32 v1, v5;
	v0 =	vadd.f32 v0, v2;
	_ =	sdelay $0x1  }
0x223: {  	v0 =	vadd.f32 v1, v0;
	_ =	sdelay $0x1  }
.Ltmp7:
0x224: {  	s0 =	simm.s32 $0x1D700;
	[tilespmem:s21+$0x0] =	vst v0;
	(pc) =	sbr.rel @p0 .LBB2_15-.Ltmp7, $4  }
0x225: {  	[hbm4b:s17+s4] =	stream.linear.scatter [tilespmem:s0], [sflag:$0x4], $0x280, $0x38;
	[tilespmem:$0x1E200] =	vst v63  }
0x226: {  	_ =	swait.ge [sflag:s30], $0x280  }
0x227: {  	[sflag:s30] =	ssyncset.done $0x0  }
0x228: {  	[sflag:s30] =	ssyncadd.s32 $0xFFFFFD80  }
0x229: {  	s0 =	simm.s32 $0x0;
	s1 =	rddreg [dreg:$0x1];
	s18 =	simm.s32 $0x1D980  }
0x22a: {  	[tilespmem:s18], [sflag:$0x4] =	stream.linear.gather [hbm4b:s1+s0], $0x800, $0x38;
	[tilespmem:$0x1E200] =	vst v63  }
0x22b: {  	_ =	swait.ge [sflag:s30], $0x800  }
0x22c: {  	[sflag:s30] =	ssyncset.done $0x0  }
0x22d: {  	s1 =	simm.s32 $0x0;
	[sflag:s30] =	ssyncadd.s32 $0xFFFFF800  }
0x22e: {  	v0 =	vld [tilespmem:s1+$0x1DA00]  }
0x22f: {  	v1 =	vld [tilespmem:s1+$0x1D980];
	_ =	sdelay $0x1  }
0x230: {  	v2 =	vld [tilespmem:s1+$0x1DA80];
	_ =	sdelay $0x1  }
0x231: {  	v3 =	vld [tilespmem:s1+$0x1DB00]  }
0x232: {  	v4 =	vld [tilespmem:s1+$0x1DC00]  }
0x233: {  	v5 =	vld [tilespmem:s1+$0x1DB80]  }
0x234: {  	v0 =	vld.idx.msk [tilespmem:v0+s4+$0x0], $0xffff  }
0x235: {  	v1 =	vld.idx.msk [tilespmem:v1+s4+$0x0], $0xffff  }
0x236: {  	v6 =	vld [tilespmem:s1+$0x1DC80]  }
0x237: {  	v2 =	vld.idx.msk [tilespmem:v2+s4+$0x0], $0xffff  }
0x238: {  	v7 =	vld [tilespmem:s1+$0x1DD00]  }
0x239: {  	v3 =	vld.idx.msk [tilespmem:v3+s4+$0x0], $0xffff  }
0x23a: {  	v8 =	vld [tilespmem:s1+$0x1DD80];
	v0 =	vadd.f32 v0, v1  }
0x23b: {  	v1 =	vld.idx.msk [tilespmem:v5+s4+$0x0], $0xffff  }
0x23c: {  	v5 =	vld [tilespmem:s1+$0x1DE00];
	v0 =	vadd.f32 v2, v0  }
0x23d: {  	v2 =	vld.idx.msk [tilespmem:v4+s4+$0x0], $0xffff  }
0x23e: {  	v4 =	vld [tilespmem:s1+$0x1DE80];
	v0 =	vadd.f32 v3, v0  }
0x23f: {  	v3 =	vld.idx.msk [tilespmem:v6+s4+$0x0], $0xffff  }
0x240: {  	v6 =	vld [tilespmem:s1+$0x1DF00];
	v0 =	vadd.f32 v1, v0  }
0x241: {  	v1 =	vld.idx.msk [tilespmem:v7+s4+$0x0], $0xffff  }
0x242: {  	v7 =	vld [tilespmem:s1+$0x1DF80];
	v0 =	vadd.f32 v2, v0  }
0x243: {  	v2 =	vld.idx.msk [tilespmem:v8+s4+$0x0], $0xffff  }
0x244: {  	v63 =	vld [tilespmem:s1+$0x1E000];
	v0 =	vadd.f32 v3, v0  }
0x245: {  	v3 =	vld.idx.msk [tilespmem:v5+s4+$0x0], $0xffff  }
0x246: {  	v5 =	vld [tilespmem:s1+$0x1E080];
	v0 =	vadd.f32 v1, v0  }
0x247: {  	v1 =	vld.idx.msk [tilespmem:v4+s4+$0x0], $0xffff  }
0x248: {  	v4 =	vld [tilespmem:s1+$0x1E100];
	v0 =	vadd.f32 v2, v0  }
0x249: {  	v2 =	vld.idx.msk [tilespmem:v6+s4+$0x0], $0xffff  }
0x24a: {  	v0 =	vadd.f32 v3, v0  }
0x24b: {  	v6 =	vld.idx.msk [tilespmem:v7+s4+$0x0], $0xffff  }
0x24c: {  	v0 =	vadd.f32 v1, v0  }
0x24d: {  	v1 =	vld.idx.msk [tilespmem:v63+s4+$0x0], $0xffff  }
0x24e: {  	v0 =	vadd.f32 v2, v0  }
0x24f: {  	v2 =	vld.idx.msk [tilespmem:v5+s4+$0x0], $0xffff  }
0x250: {  	s21 =	simm.s32 $0x10;
	v3 =	vld.idx.msk [tilespmem:v4+s4+$0x0], $0xffff;
	v4 =	vadd.f32 v6, v0  }
0x251: {  	s20 =	simm.s32 $0x80;
	v0 =	vld [tilespmem:s21+$0x1DA00]  }
.LBB2_13:
0x252: {  	p1 =	sne.s32 s20, $0x1C0;
	v5 =	vld [tilespmem:s21+$0x1D980];
	v1 =	vadd.f32 v1, v4;
	_ =	sdelay $0x1  }
0x253: {  	v4 =	vld [tilespmem:s21+$0x1DA80];
	v1 =	vadd.f32 v2, v1;
	_ =	sdelay $0x1  }
0x254: {  	v2 =	vld [tilespmem:s21+$0x1DB00];
	v1 =	vadd.f32 v3, v1  }
0x255: {  	v3 =	vld [tilespmem:s21+$0x1DC00]  }
0x256: {  	v6 =	vld [tilespmem:s21+$0x1DB80];
	[tilespmem:s1+$0x1E180] =	vst v1;
	s1 =	smov.u32 s21  }
0x257: {  	v0 =	vld.idx.msk [tilespmem:v0+s4+$0x0], $0xffff  }
0x258: {  	v1 =	vld.idx.msk [tilespmem:v5+s4+$0x0], $0xffff  }
0x259: {  	v5 =	vld [tilespmem:s1+$0x1DC80]  }
0x25a: {  	v4 =	vld.idx.msk [tilespmem:v4+s4+$0x0], $0xffff  }
0x25b: {  	v7 =	vld [tilespmem:s1+$0x1DD00]  }
0x25c: {  	v2 =	vld.idx.msk [tilespmem:v2+s4+$0x0], $0xffff  }
0x25d: {  	v8 =	vld [tilespmem:s1+$0x1DD80]  }
0x25e: {  	v0 =	vadd.f32 v0, v1;
	v1 =	vld.idx.msk [tilespmem:v6+s4+$0x0], $0xffff  }
0x25f: {  	v6 =	vld [tilespmem:s1+$0x1DE00]  }
0x260: {  	v0 =	vadd.f32 v4, v0;
	v3 =	vld.idx.msk [tilespmem:v3+s4+$0x0], $0xffff  }
0x261: {  	v4 =	vld [tilespmem:s1+$0x1DE80]  }
0x262: {  	v0 =	vadd.f32 v2, v0;
	v2 =	vld.idx.msk [tilespmem:v5+s4+$0x0], $0xffff  }
0x263: {  	v5 =	vld [tilespmem:s1+$0x1DF00]  }
0x264: {  	v0 =	vadd.f32 v1, v0;
	v1 =	vld.idx.msk [tilespmem:v7+s4+$0x0], $0xffff  }
0x265: {  	v7 =	vld [tilespmem:s1+$0x1DF80]  }
0x266: {  	v0 =	vadd.f32 v3, v0;
	v3 =	vld.idx.msk [tilespmem:v8+s4+$0x0], $0xffff  }
0x267: {  	v8 =	vld [tilespmem:s1+$0x1E000]  }
0x268: {  	v0 =	vadd.f32 v2, v0;
	v2 =	vld.idx.msk [tilespmem:v6+s4+$0x0], $0xffff  }
0x269: {  	v6 =	vld [tilespmem:s1+$0x1E080]  }
0x26a: {  	v0 =	vadd.f32 v1, v0;
	v1 =	vld.idx.msk [tilespmem:v4+s4+$0x0], $0xffff  }
0x26b: {  	v9 =	vld [tilespmem:s1+$0x1E100]  }
0x26c: {  	v0 =	vadd.f32 v3, v0;
	v3 =	vld.idx.msk [tilespmem:v5+s4+$0x0], $0xffff;
	_ =	sdelay $0x1  }
0x26d: {  	v0 =	vadd.f32 v2, v0;
	v4 =	vld.idx.msk [tilespmem:v7+s4+$0x0], $0xffff;
	_ =	sdelay $0x1  }
0x26e: {  	v0 =	vadd.f32 v1, v0;
	v1 =	vld.idx.msk [tilespmem:v8+s4+$0x0], $0xffff  }
.Ltmp8:
0x26f: {  	(pc) =	sbr.rel @p1 .LBB2_13-.Ltmp8, $3  }
0x270: {  	v0 =	vadd.f32 v3, v0;
	v2 =	vld.idx.msk [tilespmem:v6+s4+$0x0], $0xffff;
	_ =	sdelay $0x1  }
0x271: {  	s21 =	sshra.s32 s20, $0x2;
	v4 =	vadd.f32 v4, v0;
	v3 =	vld.idx.msk [tilespmem:v9+s4+$0x0], $0xffff  }
0x272: {  	s20 =	sadd.s32 $0x40, s20;
	v0 =	vld [tilespmem:s21+$0x1DA00]  }
.Ltmp9:
0x273: {  	_ = 	snop;
	(pc) =	sbr.rel .LBB2_14-.Ltmp9, $1  }
0x274: {  	_ =	sdelay $0x3  }
.LBB2_16:
0x275: {  	_ =	sfence.sel $0x180000  }
0x276: {  	[bflag:$0x0] =	sbarrier.arrive $0xFFFF  }
0x277: {  	_ =	strace $0x90000047  }
0x278: {  	s0 =	stileid.u32;
	[bflag:$0x2] =	sbarrier.arrive $0xFFFF  }
0x279: {  	p0 =	sne.s32 s0, $0x0;
	s0 =	rddreg [dreg:$0x4]  }
0x27a: {  	s0 =	sadd.s32 @!p0 $0x100000, s0  }
0x27b: {  	[sflag:s0] =	ssyncadd.tile.s32 @!p0 $0x1;
	_ =	shalt  }
.Lfunc_end2:
_tile_overlayer_lowered:
.L_overlay_start_2:
0x27c: {  	(tag) =	ssettag $0x2  }
0x27d: {  	s0 =	rddreg [dreg:$0x0];
	s2 =	stileid.u32  }
0x27e: {  	s1 =	rddreg [dreg:$0x1];
	p0 =	sne.s32 s2, $0x0  }
0x27f: {  	s3 =	rddreg [dreg:$0x2];
	[bflag:$0x3] =	sbarrier.arrive $0xFFFF;
	s2 =	simm.s32 @!p0 $0x1C04  }
0x280: {  	[timem:s3], [sflag:s2] =	dma.local @!p0 [hbm:s0], s1  }
0x281: {  	s0 =	simm.s32 @!p0 $0x4  }
0x282: {  	_ =	swait.ge @!p0 [sflag:s0], s1  }
0x283: {  	s1 =	ssub.s32 @!p0 $0x0, s1;
	[sflag:s0] =	ssyncset.done @!p0 $0x0  }
0x284: {  	[sflag:s0] =	ssyncadd.s32 @!p0 s1  }
0x285: {  	[bflag:$0x3] =	sbarrier.arrive $0xFFFF  }
0x286: {  	_ =	shalt  }

// kernel: kernel.9.cloned.1.call-start
scs
__scs_entry_jumppad:
0x0: {  	(pc) =	sbr.rel $0x88, $3  }
0x1: {  	(tag) =	ssettag $0x0;
	lr =	simm.s32 $0x1  }
0x2: {  	[smem:$0x3F9B] =	sst lr;
	_ =	strace $0xD0000000  }
0x3: {  	_ = 	snop  }
0x4: {  	_ = 	snop  }
0x5: {  	_ = 	snop  }
0x6: {  	_ = 	snop  }
0x7: {  	_ = 	snop  }
__scs_overlays_trampoline_lowered:
0x8: {  	[smem:$0x3FAA] =	sst s0  }
0x9: {  	[smem:$0x3FAB] =	sst s1  }
0xa: {  	[smem:$0x3FAC] =	sst s2  }
0xb: {  	[smem:$0x3FAD] =	sst s3  }
0xc: {  	[smem:$0x3FAE] =	sst s4  }
0xd: {  	[smem:$0x3FAF] =	sst s5  }
0xe: {  	[smem:$0x3FB0] =	sst s6  }
0xf: {  	[smem:$0x3FB1] =	sst s7  }
0x10: {  	[smem:$0x3FB2] =	sst s8  }
0x11: {  	[smem:$0x3FB3] =	sst s9;
	s0 =	simm.s32 @!p0 $0x0  }
0x12: {  	s1 =	sld [smem:$0x3F99];
	s0 =	simm.s32 @p0 $0x1  }
0x13: {  	[smem:$0x3FB4] =	sst s0;
	s0 =	simm.s32 @!p1 $0x0  }
0x14: {  	s2 =	sld [smem:$0x3F98];
	s0 =	simm.s32 @p1 $0x1  }
0x15: {  	[smem:$0x3FB5] =	sst s0;
	s0 =	simm.s32 @!p2 $0x0  }
0x16: {  	s3 =	sld [smem:$0x3FDB];
	s0 =	simm.s32 @p2 $0x1  }
0x17: {  	s4 =	simm.s32 $0x1BF5;
	[smem:$0x3FB7] =	sst s0  }
0x18: {  	s0 =	sld [smem:$0x3F9A];
	_ =	swait.ge [sflag:s4], $0x0  }
0x19: {  	s7 =	sld [smem:$0x3F9B]  }
0x1a: {  	s8 =	sadd.s32 $0xFFFFE003, lr  }
0x1b: {  	s9 =	sadd.s32 $0xFFFFFEF7, lr;
	s5 =	simm.s32 $0xFFFFFFFF;
	p2 =	slt.u32 s8, $0xFFFFF086  }
0x1c: {  	p1 =	slt.u32 s9, $0xF7A;
	s5 =	simm.s32 @!p2 $0x0  }
0x1d: {  	s5 =	simm.s32 @p1 $0x1;
	p0 =	seq.s32 s7, s2  }
0x1e: {  	s7 =	smul.u32 @!p0 $0xF7A, s2;
	p2 =	seq.s32 @!p0 s5, $0x0  }
0x1f: {  	s9 =	smul.u32 $0xF7A, s1;
	s8 =	simm.s32 @!p0 $0x1BF5;
	p2 =	por !p2, p0  }
0x20: {  	[sflag:s8] =	ssyncset.s32 @!p0 $0xFFFFF086;
	s6 =	sadd.s32 @!p0 s3, s7;
	s7 =	simm.s32 @!p0 $0x108  }
0x21: {  	s3 =	sadd.s32 s3, s9;
	s6 =	sadd.s32 @!p0 $0x88, s6;
	s7 =	simm.s32 @p2 $0x1082  }
0x22: {  	[simem:s7], [sflag:s8] =	dma.local @!p0 [hbm:s6], $0xF7A  }
0x23: {  	s9 =	sor.u32 $0xD0000000, s2;
	s6 =	simm.s32 $0x108;
	_ =	swait.ge @!p0 [sflag:s8], $0x0  }
0x24: {  	s3 =	sadd.s32 $0x88, s3;
	s6 =	simm.s32 @!p1 $0x1082;
	[sflag:s4] =	ssyncset.s32 $0xFFFFF086  }
0x25: {  	[simem:s6], [sflag:s4] =	dma.local [hbm:s3], $0xF7A  }
0x26: {  	[smem:$0x3F9B] =	sst s1;
	(tag) =	ssettag s2;
	_ =	strace s9  }
0x27: {  	s1 =	sld [smem:$0x3FAB]  }
0x28: {  	s2 =	sld [smem:$0x3FAC]  }
0x29: {  	s4 =	sld [smem:$0x3FAE]  }
0x2a: {  	p0 =	seq.s32 s5, $0x0;
	s5 =	sld [smem:$0x3FAF]  }
0x2b: {  	s6 =	sld [smem:$0x3FB0]  }
0x2c: {  	s7 =	sld [smem:$0x3FB1]  }
0x2d: {  	s3 =	simm.s32 $0x108;
	s8 =	sld [smem:$0x3FB2]  }
0x2e: {  	s3 =	simm.s32 @!p0 $0x1082;
	s9 =	sld [smem:$0x3FB3]  }
0x2f: {  	lr =	sadd.s32 s0, s3;
	s0 =	sld [smem:$0x3FAA]  }
0x30: {  	s3 =	sld [smem:$0x3FAD]  }
0x31: {  	[smem:$0x3FB6] =	sst s10  }
0x32: {  	s10 =	sld [smem:$0x3FB4];
	_ =	sdelay $0x3  }
0x33: {  	p0 =	seq.s32 s10, $0x1;
	s10 =	sld [smem:$0x3FB6];
	_ =	sdelay $0x3  }
0x34: {  	[smem:$0x3FB6] =	sst s10  }
0x35: {  	s10 =	sld [smem:$0x3FB5];
	_ =	sdelay $0x3  }
0x36: {  	p1 =	seq.s32 s10, $0x1;
	s10 =	sld [smem:$0x3FB6];
	_ =	sdelay $0x3  }
0x37: {  	[smem:$0x3FB6] =	sst s10  }
0x38: {  	s10 =	sld [smem:$0x3FB7]  }
0x39: {  	_ = 	snop;
	(pc) =	sbr.ind lr, $3  }
0x3a: {  	_ = 	snop  }
0x3b: {  	_ = 	snop  }
0x3c: {  	p2 =	seq.s32 s10, $0x1;
	s10 =	sld [smem:$0x3FB6]  }
0x3d: {  	_ =	shalt  }
0x3e: {  	_ =	shalt  }
0x3f: {  	_ =	shalt  }
0x40: {  	_ =	shalt  }
0x41: {  	_ =	shalt  }
0x42: {  	_ =	shalt  }
0x43: {  	_ =	shalt  }
0x44: {  	_ =	shalt  }
0x45: {  	_ =	shalt  }
0x46: {  	_ =	shalt  }
0x47: {  	_ =	shalt  }
0x48: {  	_ =	shalt  }
0x49: {  	_ =	shalt  }
0x4a: {  	_ =	shalt  }
0x4b: {  	_ =	shalt  }
0x4c: {  	_ =	shalt  }
0x4d: {  	_ =	shalt  }
0x4e: {  	_ =	shalt  }
0x4f: {  	_ =	shalt  }
0x50: {  	_ =	shalt  }
0x51: {  	_ =	shalt  }
0x52: {  	_ =	shalt  }
0x53: {  	_ =	shalt  }
0x54: {  	_ =	shalt  }
0x55: {  	_ =	shalt  }
0x56: {  	_ =	shalt  }
0x57: {  	_ =	shalt  }
0x58: {  	_ =	shalt  }
0x59: {  	_ =	shalt  }
0x5a: {  	_ =	shalt  }
0x5b: {  	_ =	shalt  }
0x5c: {  	_ =	shalt  }
0x5d: {  	_ =	shalt  }
0x5e: {  	_ =	shalt  }
0x5f: {  	_ =	shalt  }
0x60: {  	_ =	shalt  }
0x61: {  	_ =	shalt  }
0x62: {  	_ =	shalt  }
0x63: {  	_ =	shalt  }
0x64: {  	_ =	shalt  }
0x65: {  	_ =	shalt  }
0x66: {  	_ =	shalt  }
0x67: {  	_ =	shalt  }
0x68: {  	_ =	shalt  }
0x69: {  	_ =	shalt  }
0x6a: {  	_ =	shalt  }
0x6b: {  	_ =	shalt  }
0x6c: {  	_ =	shalt  }
0x6d: {  	_ =	shalt  }
0x6e: {  	_ =	shalt  }
0x6f: {  	_ =	shalt  }
0x70: {  	_ =	shalt  }
0x71: {  	_ =	shalt  }
0x72: {  	_ =	shalt  }
0x73: {  	_ =	shalt  }
0x74: {  	_ =	shalt  }
0x75: {  	_ =	shalt  }
0x76: {  	_ =	shalt  }
0x77: {  	_ =	shalt  }
0x78: {  	_ =	shalt  }
0x79: {  	_ =	shalt  }
0x7a: {  	_ =	shalt  }
0x7b: {  	_ =	shalt  }
0x7c: {  	_ =	shalt  }
0x7d: {  	_ =	shalt  }
0x7e: {  	_ =	shalt  }
0x7f: {  	_ =	shalt  }
0x80: {  	_ =	shalt  }
0x81: {  	_ =	shalt  }
0x82: {  	_ =	shalt  }
0x83: {  	_ =	shalt  }
0x84: {  	_ =	shalt  }
0x85: {  	_ =	shalt  }
0x86: {  	_ =	shalt  }
0x87: {  	_ =	shalt  }
.Lfunc_end0:
.L_simem_size_0:
called_computation.1_lowered:
.L_overlay_start_0:
0x88: {  	s2 =	sld [smem:$0x3FD9]  }
0x89: {  	s3 =	sld [smem:$0x3FFE];
	_ =	sdelay $0x1  }
0x8a: {  	s1 =	srdreg.scid  }
0x8b: {  	s0 =	sand.u32 $0x1, s1  }
0x8c: {  	s17 =	sshll.u32 s0, $0xA;
	s2 =	sadd.s32 s3, s2  }
0x8d: {  	s2 =	sadd.s32 s2, s17  }
0x8e: {  	[smem:$0x3FC2] =	sst s2  }
0x8f: {  	_ = 	snop  }
0x90: {  	s2 =	sld [smem:$0x3FC8]  }
0x91: {  	s18 =	sld [smem:$0x3FD0];
	(tm) =	ssettm $0x1  }
0x92: {  	s4 =	sld [smem:$0x3FFB];
	_ =	sdelay $0x3  }
0x93: {  	_ =	strace s4  }
0x94: {  	s4 =	sld [smem:$0x3FFC];
	_ =	sdelay $0x3  }
0x95: {  	_ =	strace s4  }
0x96: {  	s4 =	sld [smem:$0x3FFD];
	_ =	sdelay $0x3  }
0x97: {  	_ =	strace s4  }
0x98: {  	_ =	strace $0x8FFFFFFF  }
0x99: {  	s19 =	sld [smem:$0x3FDB];
	_ =	sdelay $0x1  }
0x9a: {  	s5 =	simm.s32 $_scs_section_size  }
0x9b: {  	s6 =	simm.s32 $_size__tile_overlayer_lowered;
	s7 =	simm.s32 $_tile_overlayer_lowered  }
0x9c: {  	s22 =	simm.s32 $0x1BFF;
	s21 =	sshll.u32 s7, $0x1;
	s4 =	sadd.s32 s5, s19  }
0x9d: {  	s8 =	simm.s32 $0x0;
	s20 =	sshll.u32 s6, $0x1;
	s6 =	sadd.s32 s21, s4  }
0x9e: {  	[timem:s8], [sflag:s22] =	dma.local [hbm:s6], s20  }
0x9f: {  	_ =	swait.ge [sflag:s22], s20  }
0xa0: {  	s5 =	ssub.s32 $0x0, s20;
	[sflag:s22] =	ssyncset.done $0x0  }
0xa1: {  	[sflag:s22] =	ssyncadd.s32 s5;
	_ =	sdelay $0x1  }
0xa2: {  	s23 =	simm.s32 $0x1B8B  }
0xa3: {  	_ =	swait.ge [sflag:s23], $0x1  }
0xa4: {  	[sflag:s23] =	ssyncset.done $0x0  }
0xa5: {  	s25 =	simm.s32 $0x1B8E;
	s24 =	sld [smem:$0x3FFE];
	[sflag:s23] =	ssyncadd.s32 $0xFFFFFFFF  }
0xa6: {  	s26 =	simm.s32 $execute0_lowered;
	[smem:$0x3FD2] =	sst s25  }
0xa7: {  	s6 =	sshll.u32 s26, $0x1;
	_ =	strace $0x80000049;
	[dreg:$0x1] =	wrdreg $0xFFFFFFFF  }
0xa8: {  	s28 =	simm.s32 $_size_execute0_lowered;
	s4 =	sadd.s32 s4, s6;
	[dreg:$0x0] =	wrdreg $0x0  }
0xa9: {  	s6 =	sshll.u32 s28, $0x1;
	[dreg:$0x2] =	wrdreg s4  }
0xaa: {  	[dreg:$0x3] =	wrdreg s6  }
0xab: {  	[dreg:$0x4] =	wrdreg $0xC0  }
0xac: {  	_ =	task [dreg:s8], $0x5FFFF  }
0xad: {  	[dreg:$0x1] =	wrdreg $0xFFFFFFFF  }
0xae: {  	[dreg:$0x0] =	wrdreg $0x60  }
0xaf: {  	[dreg:$0x2] =	wrdreg s24  }
0xb0: {  	[dreg:$0x3] =	wrdreg s2  }
0xb1: {  	[dreg:$0x4] =	wrdreg s18  }
0xb2: {  	[dreg:$0x5] =	wrdreg $0x9  }
0xb3: {  	_ =	task.clear_ibuf [dreg:s8], $0x6FFFF;
	_ =	strace $0x90000049  }
0xb4: {  	s29 =	simm.s32 $0x9;
	_ =	strace $0x8000004B  }
0xb5: {  	_ =	swait.ge [sflag:s29], $0x1  }
0xb6: {  	[sflag:s29] =	ssyncadd.s32 $0xFFFFFFFF  }
0xb7: {  	_ =	strace $0x9000004B  }
0xb8: {  	_ =	sfence  }
0xb9: {  	s30 =	sld [smem:$0x0];
	_ =	sdelay $0x2  }
0xba: {  	s31 =	sshll.u32 s1, $0xD;
	s1 =	sshrl.u32 s1, $0x2  }
0xbb: {  	s3 =	sand.u32 $0x4000, s31;
	s1 =	sadd.s32 s1, s30  }
0xbc: {  	s0 =	sor.u32 s3, s0;
	s1 =	sshll.u32 s1, $0x11  }
0xbd: {  	s0 =	sor.u32 s1, s0  }
0xbe: {  	s0 =	sadd.s32 $0x8F2B, s0  }
0xbf: {  	[sflag:s0] =	ssyncadd.remote.s32 $0x1  }
0xc0: {  	_ =	sfence.sel $0xFFFF  }
0xc1: {  	[dreg:$0x0] =	wrdreg $0xFFFFFFFF;
	(pc) =	sbr.abs _section_cstart, $3  }
0xc2: {  	[dreg:$0x1] =	wrdreg $0xFFFFFFFF  }
0xc3: {  	_ =	task.clear_ibuf [dreg:s8], $0x2FFFF;
	_ =	strace $0x9FFFFFFF  }
0xc4: {  	(tm) =	ssettm $0x7FFFFFFF  }
0xc5: {  	_ =	shalt  }
tec
execute0_lowered:
.L_overlay_start_1:
0x0: {  	(tag) =	ssettag $0x1  }
0x1: {  	s6 =	rddreg [dreg:$0x0]  }
0x2: {  	s7 =	rddreg [dreg:$0x1]  }
0x3: {  	s9 =	rddreg [dreg:$0x2]  }
0x4: {  	s0 =	rddreg [dreg:$0x3]  }
0x5: {  	s2 =	simm.s32 $0x0;
	s3 =	srdreg.scid;
	s1 =	stileid.u32  }
0x6: {  	s14 =	simm.s32 $0x400;
	s15 =	simm.s32 $0x8000;
	s16 =	simm.s32 $0x19000  }
0x7: {  	s17 =	simm.s32 $0x2;
	s18 =	simm.s32 $0x1A000;
	s19 =	simm.s32 $0x1  }
0x8: {  	s20 =	simm.s32 $0x1B000;
	s21 =	simm.s32 $0x0;
	[smem:$0x7FF] =	sst s2  }
0x9: {  	s3 =	sand.u32 $0x1, s3;
	s4 =	sshll.u32 s1, $0x1;
	_ =	strace $0x8000004A  }
0xa: {  	s8 =	sor.u32 s3, s4;
	s31 =	ssub.s32 $0x2, s3;
	s3 =	sadd.s32 $0x1000, s6  }
0xb: {  	s4 =	sadd.s32 $0x1C80, s6;
	s10 =	sshll.u32 s8, $0x7;
	s5 =	sshrl.u32 s31, $0x1  }
0xc: {  	s13 =	sshll.u32 s8, $0x4;
	s11 =	sadd.s32 s10, s6;
	s12 =	ssub.s32 s31, s5  }
0xd: {  	s5 =	sadd.s32 $0x2900, s6;
	s6 =	sadd.s32 $0x3580, s6;
	s7 =	sadd.s32 s7, s10  }
0xe: {  	s9 =	sadd.s32 s9, s13;
	s13 =	simm.s32 $0x12C00;
	s8 =	sadd.s32 $0x4200, s11  }
0xf: {  	s10 =	smax.u32 s12, $0x1;
	s11 =	simm.s32 $0x6400;
	s12 =	simm.s32 $0xC800  }
.LBB2_1:
0x10: {  	[tilespmem:s2], [sflag:$0x1] =	stream.linear.gather [hbm4b:s3+s2], $0x6400, $0x38;
	[tilespmem:$0x1B080] =	vst v63  }
0x11: {  	_ = 	snop  }
0x12: {  	[tilespmem:s11], [sflag:$0x1] =	stream.linear.gather [hbm4b:s4+s2], $0x6400, $0x38;
	[tilespmem:$0x1B080] =	vst v63  }
0x13: {  	_ = 	snop  }
0x14: {  	[tilespmem:s12], [sflag:$0x1] =	stream.linear.gather [hbm4b:s5+s2], $0x6400, $0x38;
	[tilespmem:$0x1B080] =	vst v63  }
0x15: {  	_ = 	snop  }
0x16: {  	[tilespmem:s13], [sflag:$0x1] =	stream.linear.gather [hbm4b:s6+s2], $0x6400, $0x38;
	[tilespmem:$0x1B080] =	vst v63  }
0x17: {  	_ = 	snop  }
0x18: {  	[tilespmem:s16], [sflag:$0x2] =	stream.strided.gather [hbm4b:s7+s14], $0x1000, s15, s14, $0x38;
	[tilespmem:$0x1B080] =	vst v63  }
0x19: {  	_ =	swait.ge [sflag:s17], $0x1000  }
0x1a: {  	[sflag:s17] =	ssyncset.done $0x0  }
0x1b: {  	[sflag:s17] =	ssyncadd.s32 $0xFFFFF000  }
0x1c: {  	[tilespmem:s18], [sflag:$0x2] =	stream.strided.gather [hbm4b:s8+s14], $0x1000, s15, s14, $0x38;
	[tilespmem:$0x1B080] =	vst v63  }
0x1d: {  	_ =	swait.ge [sflag:s17], $0x1000  }
0x1e: {  	[sflag:s17] =	ssyncset.done $0x0  }
0x1f: {  	[sflag:s17] =	ssyncadd.s32 $0xFFFFF000  }
0x20: {  	_ =	swait.ge [sflag:s19], $0x6400  }
0x21: {  	[sflag:s19] =	ssyncset.done $0x0  }
0x22: {  	[sflag:s19] =	ssyncadd.s32 $0xFFFF9C00  }
0x23: {  	_ =	swait.ge [sflag:s19], $0x6400  }
0x24: {  	[sflag:s19] =	ssyncset.done $0x0  }
0x25: {  	[sflag:s19] =	ssyncadd.s32 $0xFFFF9C00  }
0x26: {  	_ =	swait.ge [sflag:s19], $0x6400  }
0x27: {  	[sflag:s19] =	ssyncset.done $0x0  }
0x28: {  	[sflag:s19] =	ssyncadd.s32 $0xFFFF9C00  }
0x29: {  	_ =	swait.ge [sflag:s19], $0x6400  }
0x2a: {  	[sflag:s19] =	ssyncset.done $0x0  }
0x2b: {  	s22 =	simm.s32 $0x0;
	[sflag:s19] =	ssyncadd.s32 $0xFFFF9C00  }
0x2c: {  	v0 =	vld [tilespmem:s22+$0x19F80]  }
0x2d: {  	v1 =	vld [tilespmem:s22+$0x19F00]  }
0x2e: {  	v2 =	vld [tilespmem:s22+$0x19E80]  }
0x2f: {  	v3 =	vld [tilespmem:s22+$0x19E00]  }
0x30: {  	v4 =	vld [tilespmem:s22+$0x19D80]  }
0x31: {  	v5 =	vld [tilespmem:s22+$0x19D00]  }
0x32: {  	v6 =	vld [tilespmem:s22+$0x19C80]  }
0x33: {  	v7 =	vld [tilespmem:s22+$0x19C00]  }
0x34: {  	v8 =	vld [tilespmem:s22+$0x19B80]  }
0x35: {  	v9 =	vld [tilespmem:s22+$0x19B00]  }
0x36: {  	v10 =	vld [tilespmem:s22+$0x19A80]  }
0x37: {  	v11 =	vld [tilespmem:s22+$0x19A00]  }
0x38: {  	v12 =	vld [tilespmem:s22+$0x19980]  }
0x39: {  	v13 =	vld [tilespmem:s22+$0x19900]  }
0x3a: {  	v14 =	vld [tilespmem:s22+$0x19880]  }
0x3b: {  	v15 =	vld [tilespmem:s22+$0x19800]  }
0x3c: {  	v16 =	vld [tilespmem:s22+$0x19780]  }
0x3d: {  	v17 =	vld [tilespmem:s22+$0x19700]  }
0x3e: {  	v18 =	vld [tilespmem:s22+$0x19680]  }
0x3f: {  	v19 =	vld [tilespmem:s22+$0x19600]  }
0x40: {  	v20 =	vld [tilespmem:s22+$0x19580]  }
0x41: {  	v21 =	vld [tilespmem:s22+$0x19500]  }
0x42: {  	v22 =	vld [tilespmem:s22+$0x19480]  }
0x43: {  	v23 =	vld [tilespmem:s22+$0x19400]  }
0x44: {  	v24 =	vld [tilespmem:s22+$0x19380]  }
0x45: {  	s23 =	simm.s32 $0x40;
	v25 =	vld [tilespmem:s22+$0x19000]  }
.LBB2_2:
0x46: {  	p0 =	sne.s32 s23, $0x1C0;
	v26 =	vld [tilespmem:s22+$0x19080]  }
0x47: {  	v27 =	vld [tilespmem:s22+$0x19300]  }
0x48: {  	v28 =	vld [tilespmem:s22+$0x19100]  }
0x49: {  	v29 =	vld [tilespmem:s22+$0x1A000]  }
0x4a: {  	v30 =	vld [tilespmem:s22+$0x19180]  }
0x4b: {  	v31 =	vld [tilespmem:s22+$0x19280]  }
0x4c: {  	v32 =	vld [tilespmem:s22+$0x19200]  }
0x4d: {  	v25 =	vld.idx.msk [tilespmem:v25+s2+$0x0], $0xffff  }
0x4e: {  	v26 =	vld.idx.msk [tilespmem:v26+s2+$0x0], $0xffff  }
0x4f: {  	v33 =	vld [tilespmem:s22+$0x1A080]  }
0x50: {  	v28 =	vld.idx.msk [tilespmem:v28+s2+$0x0], $0xffff  }
0x51: {  	v34 =	vld [tilespmem:s22+$0x1A100]  }
0x52: {  	v30 =	vld.idx.msk [tilespmem:v30+s2+$0x0], $0xffff  }
0x53: {  	v35 =	vld [tilespmem:s22+$0x1A180]  }
0x54: {  	v25 =	vmul.f32 v29, v25;
	v26 =	vmul.f32 v33, v26;
	v29 =	vld.idx.msk [tilespmem:v32+s2+$0x0], $0xffff  }
0x55: {  	v32 =	vld [tilespmem:s22+$0x1A200]  }
0x56: {  	v25 =	vadd.f32 v26, v25;
	v26 =	vmul.f32 v34, v28;
	v28 =	vld.idx.msk [tilespmem:v31+s2+$0x0], $0xffff  }
0x57: {  	v31 =	vld [tilespmem:s22+$0x1A280]  }
0x58: {  	v25 =	vadd.f32 v26, v25;
	v26 =	vmul.f32 v35, v30;
	v27 =	vld.idx.msk [tilespmem:v27+s2+$0x0], $0xffff  }
0x59: {  	v30 =	vld [tilespmem:s22+$0x1A300]  }
0x5a: {  	v25 =	vadd.f32 v26, v25;
	v26 =	vmul.f32 v32, v29;
	v24 =	vld.idx.msk [tilespmem:v24+s2+$0x0], $0xffff  }
0x5b: {  	v29 =	vld [tilespmem:s22+$0x1A380]  }
0x5c: {  	v25 =	vadd.f32 v26, v25;
	v26 =	vmul.f32 v31, v28;
	v23 =	vld.idx.msk [tilespmem:v23+s2+$0x0], $0xffff  }
0x5d: {  	v28 =	vld [tilespmem:s22+$0x1A400]  }
0x5e: {  	v25 =	vadd.f32 v26, v25;
	v26 =	vmul.f32 v30, v27;
	v22 =	vld.idx.msk [tilespmem:v22+s2+$0x0], $0xffff  }
0x5f: {  	v27 =	vld [tilespmem:s22+$0x1A480]  }
0x60: {  	v25 =	vadd.f32 v26, v25;
	v24 =	vmul.f32 v29, v24;
	v21 =	vld.idx.msk [tilespmem:v21+s2+$0x0], $0xffff  }
0x61: {  	v26 =	vld [tilespmem:s22+$0x1A500]  }
0x62: {  	v24 =	vadd.f32 v24, v25;
	v23 =	vmul.f32 v28, v23;
	v20 =	vld.idx.msk [tilespmem:v20+s2+$0x0], $0xffff  }
0x63: {  	v25 =	vld [tilespmem:s22+$0x1A580]  }
0x64: {  	v23 =	vadd.f32 v23, v24;
	v22 =	vmul.f32 v27, v22;
	v19 =	vld.idx.msk [tilespmem:v19+s2+$0x0], $0xffff  }
0x65: {  	v24 =	vld [tilespmem:s22+$0x1A600]  }
0x66: {  	v22 =	vadd.f32 v22, v23;
	v21 =	vmul.f32 v26, v21;
	v18 =	vld.idx.msk [tilespmem:v18+s2+$0x0], $0xffff  }
0x67: {  	v23 =	vld [tilespmem:s22+$0x1A680]  }
0x68: {  	v21 =	vadd.f32 v21, v22;
	v20 =	vmul.f32 v25, v20;
	v17 =	vld.idx.msk [tilespmem:v17+s2+$0x0], $0xffff  }
0x69: {  	v22 =	vld [tilespmem:s22+$0x1A700]  }
0x6a: {  	v20 =	vadd.f32 v20, v21;
	v19 =	vmul.f32 v24, v19;
	v16 =	vld.idx.msk [tilespmem:v16+s2+$0x0], $0xffff  }
0x6b: {  	v21 =	vld [tilespmem:s22+$0x1A780]  }
0x6c: {  	v19 =	vadd.f32 v19, v20;
	v18 =	vmul.f32 v23, v18;
	v15 =	vld.idx.msk [tilespmem:v15+s2+$0x0], $0xffff  }
0x6d: {  	v20 =	vld [tilespmem:s22+$0x1A800]  }
0x6e: {  	v18 =	vadd.f32 v18, v19;
	v17 =	vmul.f32 v22, v17;
	v14 =	vld.idx.msk [tilespmem:v14+s2+$0x0], $0xffff  }
0x6f: {  	v19 =	vld [tilespmem:s22+$0x1A880]  }
0x70: {  	v17 =	vadd.f32 v17, v18;
	v16 =	vmul.f32 v21, v16;
	v13 =	vld.idx.msk [tilespmem:v13+s2+$0x0], $0xffff  }
0x71: {  	v18 =	vld [tilespmem:s22+$0x1A900]  }
0x72: {  	v16 =	vadd.f32 v16, v17;
	v15 =	vmul.f32 v20, v15;
	v12 =	vld.idx.msk [tilespmem:v12+s2+$0x0], $0xffff  }
0x73: {  	v17 =	vld [tilespmem:s22+$0x1A980]  }
0x74: {  	v15 =	vadd.f32 v15, v16;
	v14 =	vmul.f32 v19, v14;
	v11 =	vld.idx.msk [tilespmem:v11+s2+$0x0], $0xffff  }
0x75: {  	v16 =	vld [tilespmem:s22+$0x1AA00]  }
0x76: {  	v14 =	vadd.f32 v14, v15;
	v13 =	vmul.f32 v18, v13;
	v10 =	vld.idx.msk [tilespmem:v10+s2+$0x0], $0xffff  }
0x77: {  	v15 =	vld [tilespmem:s22+$0x1AA80]  }
0x78: {  	v13 =	vadd.f32 v13, v14;
	v12 =	vmul.f32 v17, v12;
	v9 =	vld.idx.msk [tilespmem:v9+s2+$0x0], $0xffff  }
0x79: {  	v14 =	vld [tilespmem:s22+$0x1AB00]  }
0x7a: {  	v12 =	vadd.f32 v12, v13;
	v11 =	vmul.f32 v16, v11;
	v8 =	vld.idx.msk [tilespmem:v8+s2+$0x0], $0xffff  }
0x7b: {  	v13 =	vld [tilespmem:s22+$0x1AB80]  }
0x7c: {  	v11 =	vadd.f32 v11, v12;
	v10 =	vmul.f32 v15, v10;
	v7 =	vld.idx.msk [tilespmem:v7+s2+$0x0], $0xffff  }
0x7d: {  	v12 =	vld [tilespmem:s22+$0x1AC00]  }
0x7e: {  	v10 =	vadd.f32 v10, v11;
	v9 =	vmul.f32 v14, v9;
	v6 =	vld.idx.msk [tilespmem:v6+s2+$0x0], $0xffff  }
0x7f: {  	v11 =	vld [tilespmem:s22+$0x1AC80]  }
0x80: {  	v9 =	vadd.f32 v9, v10;
	v8 =	vmul.f32 v13, v8;
	v5 =	vld.idx.msk [tilespmem:v5+s2+$0x0], $0xffff  }
0x81: {  	v10 =	vld [tilespmem:s22+$0x1AD00]  }
0x82: {  	v8 =	vadd.f32 v8, v9;
	v7 =	vmul.f32 v12, v7;
	v4 =	vld.idx.msk [tilespmem:v4+s2+$0x0], $0xffff  }
0x83: {  	v9 =	vld [tilespmem:s22+$0x1AD80]  }
0x84: {  	v7 =	vadd.f32 v7, v8;
	v6 =	vmul.f32 v11, v6;
	v3 =	vld.idx.msk [tilespmem:v3+s2+$0x0], $0xffff  }
0x85: {  	v8 =	vld [tilespmem:s22+$0x1AE00]  }
0x86: {  	v6 =	vadd.f32 v6, v7;
	v5 =	vmul.f32 v10, v5;
	v2 =	vld.idx.msk [tilespmem:v2+s2+$0x0], $0xffff  }
0x87: {  	v7 =	vld [tilespmem:s22+$0x1AE80]  }
0x88: {  	v5 =	vadd.f32 v5, v6;
	v4 =	vmul.f32 v9, v4;
	v6 =	vld.idx.msk [tilespmem:v1+s2+$0x0], $0xffff  }
0x89: {  	v9 =	vld [tilespmem:s22+$0x1AF00]  }
0x8a: {  	v1 =	vadd.f32 v4, v5;
	v3 =	vmul.f32 v8, v3;
	v5 =	vld.idx.msk [tilespmem:v0+s2+$0x0], $0xffff  }
0x8b: {  	s24 =	sshra.s32 s23, $0x2;
	v8 =	vld [tilespmem:s22+$0x1AF80]  }
0x8c: {  	v0 =	vld [tilespmem:s24+$0x19F80];
	v3 =	vadd.f32 v3, v1;
	v4 =	vmul.f32 v7, v2  }
0x8d: {  	v1 =	vld [tilespmem:s24+$0x19F00]  }
0x8e: {  	v2 =	vld [tilespmem:s24+$0x19E80];
	v7 =	vadd.f32 v4, v3;
	v6 =	vmul.f32 v9, v6  }
0x8f: {  	v3 =	vld [tilespmem:s24+$0x19E00]  }
0x90: {  	v4 =	vld [tilespmem:s24+$0x19D80];
	v7 =	vadd.f32 v6, v7;
	v8 =	vmul.f32 v8, v5  }
0x91: {  	v5 =	vld [tilespmem:s24+$0x19D00]  }
0x92: {  	v6 =	vld [tilespmem:s24+$0x19C80];
	v9 =	vadd.f32 v8, v7  }
0x93: {  	v7 =	vld [tilespmem:s24+$0x19C00]  }
0x94: {  	v8 =	vld [tilespmem:s24+$0x19B80];
	[tilespmem:s22+$0x1B000] =	vst v9;
	s22 =	smov.u32 s24  }
0x95: {  	v9 =	vld [tilespmem:s22+$0x19B00]  }
0x96: {  	v10 =	vld [tilespmem:s22+$0x19A80]  }
0x97: {  	v11 =	vld [tilespmem:s22+$0x19A00]  }
0x98: {  	v12 =	vld [tilespmem:s22+$0x19980]  }
0x99: {  	v13 =	vld [tilespmem:s22+$0x19900]  }
0x9a: {  	v14 =	vld [tilespmem:s22+$0x19880]  }
0x9b: {  	v15 =	vld [tilespmem:s22+$0x19800]  }
0x9c: {  	v16 =	vld [tilespmem:s22+$0x19780]  }
0x9d: {  	v17 =	vld [tilespmem:s22+$0x19700]  }
0x9e: {  	v18 =	vld [tilespmem:s22+$0x19680]  }
0x9f: {  	v19 =	vld [tilespmem:s22+$0x19600]  }
0xa0: {  	v20 =	vld [tilespmem:s22+$0x19580]  }
.Ltmp0:
0xa1: {  	v21 =	vld [tilespmem:s22+$0x19500];
	(pc) =	sbr.rel @p0 .LBB2_2-.Ltmp0, $4  }
0xa2: {  	v22 =	vld [tilespmem:s22+$0x19480]  }
0xa3: {  	v23 =	vld [tilespmem:s22+$0x19400]  }
0xa4: {  	v24 =	vld [tilespmem:s22+$0x19380]  }
0xa5: {  	s23 =	sadd.s32 $0x40, s23;
	v25 =	vld [tilespmem:s22+$0x19000]  }
0xa6: {  	v26 =	vld [tilespmem:s22+$0x19080]  }
0xa7: {  	v27 =	vld [tilespmem:s22+$0x19300]  }
0xa8: {  	v28 =	vld [tilespmem:s22+$0x19100]  }
0xa9: {  	v29 =	vld [tilespmem:s22+$0x1A000]  }
0xaa: {  	v30 =	vld [tilespmem:s22+$0x19180]  }
0xab: {  	v31 =	vld [tilespmem:s22+$0x19280]  }
0xac: {  	v32 =	vld [tilespmem:s22+$0x19200]  }
0xad: {  	v33 =	vld [tilespmem:s22+$0x1A080]  }
0xae: {  	v25 =	vld.idx.msk [tilespmem:v25+s2+$0x0], $0xffff  }
0xaf: {  	v26 =	vld.idx.msk [tilespmem:v26+s2+$0x0], $0xffff  }
0xb0: {  	v34 =	vld [tilespmem:s22+$0x1A100]  }
0xb1: {  	v28 =	vld.idx.msk [tilespmem:v28+s2+$0x0], $0xffff  }
0xb2: {  	v35 =	vld [tilespmem:s22+$0x1A180]  }
0xb3: {  	v30 =	vld.idx.msk [tilespmem:v30+s2+$0x0], $0xffff  }
0xb4: {  	v61 =	vld [tilespmem:s22+$0x1A200];
	v25 =	vmul.f32 v29, v25;
	v26 =	vmul.f32 v33, v26  }
0xb5: {  	v60 =	vld.idx.msk [tilespmem:v32+s2+$0x0], $0xffff  }
0xb6: {  	v63 =	vld.idx.msk [tilespmem:v31+s2+$0x0], $0xffff;
	v62 =	vmul.f32 v34, v28;
	v25 =	vadd.f32 v26, v25  }
0xb7: {  	v33 =	vld [tilespmem:s22+$0x1A280]  }
0xb8: {  	v27 =	vld.idx.msk [tilespmem:v27+s2+$0x0], $0xffff;
	v34 =	vmul.f32 v35, v30;
	v25 =	vadd.f32 v62, v25  }
0xb9: {  	v35 =	vld [tilespmem:s22+$0x1A300]  }
0xba: {  	v37 =	vld [tilespmem:s22+$0x1A380];
	v36 =	vmul.f32 v61, v60;
	v25 =	vadd.f32 v34, v25  }
0xbb: {  	v24 =	vld.idx.msk [tilespmem:v24+s2+$0x0], $0xffff  }
0xbc: {  	v39 =	vld [tilespmem:s22+$0x1A400];
	v38 =	vmul.f32 v33, v63;
	v25 =	vadd.f32 v36, v25  }
0xbd: {  	v23 =	vld.idx.msk [tilespmem:v23+s2+$0x0], $0xffff  }
0xbe: {  	v41 =	vld [tilespmem:s22+$0x1A480];
	v40 =	vmul.f32 v35, v27;
	v25 =	vadd.f32 v38, v25  }
0xbf: {  	v22 =	vld.idx.msk [tilespmem:v22+s2+$0x0], $0xffff  }
0xc0: {  	v21 =	vld.idx.msk [tilespmem:v21+s2+$0x0], $0xffff;
	v24 =	vmul.f32 v37, v24;
	v25 =	vadd.f32 v40, v25  }
0xc1: {  	v42 =	vld [tilespmem:s22+$0x1A500]  }
0xc2: {  	v20 =	vld.idx.msk [tilespmem:v20+s2+$0x0], $0xffff;
	v23 =	vmul.f32 v39, v23;
	v24 =	vadd.f32 v24, v25  }
0xc3: {  	v43 =	vld [tilespmem:s22+$0x1A580]  }
0xc4: {  	v19 =	vld.idx.msk [tilespmem:v19+s2+$0x0], $0xffff;
	v22 =	vmul.f32 v41, v22;
	v23 =	vadd.f32 v23, v24  }
0xc5: {  	v44 =	vld [tilespmem:s22+$0x1A600]  }
0xc6: {  	v18 =	vld.idx.msk [tilespmem:v18+s2+$0x0], $0xffff;
	v21 =	vmul.f32 v42, v21;
	v22 =	vadd.f32 v22, v23  }
0xc7: {  	v45 =	vld [tilespmem:s22+$0x1A680]  }
0xc8: {  	v17 =	vld.idx.msk [tilespmem:v17+s2+$0x0], $0xffff;
	v20 =	vmul.f32 v43, v20;
	v21 =	vadd.f32 v21, v22  }
0xc9: {  	v46 =	vld [tilespmem:s22+$0x1A700]  }
0xca: {  	v16 =	vld.idx.msk [tilespmem:v16+s2+$0x0], $0xffff;
	v19 =	vmul.f32 v44, v19;
	v20 =	vadd.f32 v20, v21  }
0xcb: {  	v47 =	vld [tilespmem:s22+$0x1A780]  }
0xcc: {  	v15 =	vld.idx.msk [tilespmem:v15+s2+$0x0], $0xffff;
	v18 =	vmul.f32 v45, v18;
	v19 =	vadd.f32 v19, v20  }
0xcd: {  	v48 =	vld [tilespmem:s22+$0x1A800]  }
0xce: {  	v14 =	vld.idx.msk [tilespmem:v14+s2+$0x0], $0xffff;
	v17 =	vmul.f32 v46, v17;
	v18 =	vadd.f32 v18, v19  }
0xcf: {  	v49 =	vld [tilespmem:s22+$0x1A880]  }
0xd0: {  	v13 =	vld.idx.msk [tilespmem:v13+s2+$0x0], $0xffff;
	v16 =	vmul.f32 v47, v16;
	v17 =	vadd.f32 v17, v18  }
0xd1: {  	v50 =	vld [tilespmem:s22+$0x1A900]  }
0xd2: {  	v12 =	vld.idx.msk [tilespmem:v12+s2+$0x0], $0xffff;
	v15 =	vmul.f32 v48, v15;
	v16 =	vadd.f32 v16, v17  }
0xd3: {  	v51 =	vld [tilespmem:s22+$0x1A980]  }
0xd4: {  	v11 =	vld.idx.msk [tilespmem:v11+s2+$0x0], $0xffff;
	v14 =	vmul.f32 v49, v14;
	v15 =	vadd.f32 v15, v16  }
0xd5: {  	v52 =	vld [tilespmem:s22+$0x1AA00]  }
0xd6: {  	v10 =	vld.idx.msk [tilespmem:v10+s2+$0x0], $0xffff;
	v13 =	vmul.f32 v50, v13;
	v14 =	vadd.f32 v14, v15  }
0xd7: {  	v53 =	vld [tilespmem:s22+$0x1AA80]  }
0xd8: {  	v9 =	vld.idx.msk [tilespmem:v9+s2+$0x0], $0xffff;
	v12 =	vmul.f32 v51, v12;
	v13 =	vadd.f32 v13, v14  }
0xd9: {  	v54 =	vld [tilespmem:s22+$0x1AB00]  }
0xda: {  	v8 =	vld.idx.msk [tilespmem:v8+s2+$0x0], $0xffff;
	v11 =	vmul.f32 v52, v11;
	v12 =	vadd.f32 v12, v13  }
0xdb: {  	v55 =	vld [tilespmem:s22+$0x1AB80]  }
0xdc: {  	v7 =	vld.idx.msk [tilespmem:v7+s2+$0x0], $0xffff;
	v10 =	vmul.f32 v53, v10;
	v11 =	vadd.f32 v11, v12  }
0xdd: {  	v56 =	vld [tilespmem:s22+$0x1AC00]  }
0xde: {  	v6 =	vld.idx.msk [tilespmem:v6+s2+$0x0], $0xffff;
	v9 =	vmul.f32 v54, v9;
	v10 =	vadd.f32 v10, v11  }
0xdf: {  	v57 =	vld [tilespmem:s22+$0x1AC80]  }
0xe0: {  	v5 =	vld.idx.msk [tilespmem:v5+s2+$0x0], $0xffff;
	v8 =	vmul.f32 v55, v8;
	v9 =	vadd.f32 v9, v10  }
0xe1: {  	v58 =	vld [tilespmem:s22+$0x1AD00]  }
0xe2: {  	v4 =	vld.idx.msk [tilespmem:v4+s2+$0x0], $0xffff;
	v7 =	vmul.f32 v56, v7;
	v8 =	vadd.f32 v8, v9  }
0xe3: {  	v59 =	vld [tilespmem:s22+$0x1AD80]  }
0xe4: {  	v3 =	vld.idx.msk [tilespmem:v3+s2+$0x0], $0xffff;
	v6 =	vmul.f32 v57, v6;
	v7 =	vadd.f32 v7, v8  }
0xe5: {  	v60 =	vld [tilespmem:s22+$0x1AE00]  }
0xe6: {  	v2 =	vld.idx.msk [tilespmem:v2+s2+$0x0], $0xffff;
	v5 =	vmul.f32 v58, v5;
	v6 =	vadd.f32 v6, v7  }
0xe7: {  	v61 =	vld [tilespmem:s22+$0x1AE80]  }
0xe8: {  	v1 =	vld.idx.msk [tilespmem:v1+s2+$0x0], $0xffff;
	v4 =	vmul.f32 v59, v4;
	v5 =	vadd.f32 v5, v6  }
0xe9: {  	v62 =	vld [tilespmem:s22+$0x1AF00]  }
0xea: {  	v0 =	vld.idx.msk [tilespmem:v0+s2+$0x0], $0xffff;
	v3 =	vmul.f32 v60, v3;
	v4 =	vadd.f32 v4, v5  }
0xeb: {  	v63 =	vld [tilespmem:s22+$0x1AF80]  }
0xec: {  	v2 =	vmul.f32 v61, v2;
	v3 =	vadd.f32 v3, v4;
	_ =	sdelay $0x1  }
0xed: {  	v1 =	vmul.f32 v62, v1;
	v2 =	vadd.f32 v2, v3;
	_ =	sdelay $0x1  }
0xee: {  	v0 =	vmul.f32 v63, v0;
	v1 =	vadd.f32 v1, v2;
	_ =	sdelay $0x1  }
0xef: {  	s21 =	sadd.s32 $0x1, s21;
	v0 =	vadd.f32 v0, v1  }
0xf0: {  	p0 =	sne.s32 s21, s10  }
.Ltmp1:
0xf1: {  	[tilespmem:s22+$0x1B000] =	vst v0;
	(pc) =	sbr.rel @p0 .LBB2_1-.Ltmp1, $4  }
0xf2: {  	[hbm4b:s9+s2] =	stream.linear.scatter [tilespmem:s20], [sflag:$0x2], $0x80, $0x38;
	[tilespmem:$0x1B080] =	vst v63  }
0xf3: {  	_ =	swait.ge [sflag:s17], $0x80  }
0xf4: {  	[sflag:s17] =	ssyncset.done $0x0  }
0xf5: {  	[sflag:s17] =	ssyncadd.s32 $0xFFFFFF80  }
0xf6: {  	_ =	sfence.sel $0x180000  }
0xf7: {  	[bflag:$0x0] =	sbarrier.arrive $0xFFFF  }
0xf8: {  	p0 =	sne.s32 s1, $0x0;
	_ =	strace $0x9000004A  }
0xf9: {  	s0 =	sadd.s32 @!p0 $0x100000, s0;
	[bflag:$0x2] =	sbarrier.arrive $0xFFFF  }
0xfa: {  	[sflag:s0] =	ssyncadd.tile.s32 @!p0 $0x1;
	_ =	shalt  }
.Lfunc_end2:
_tile_overlayer_lowered:
.L_overlay_start_2:
0xfb: {  	(tag) =	ssettag $0x2  }
0xfc: {  	s0 =	rddreg [dreg:$0x0];
	s2 =	stileid.u32  }
0xfd: {  	s1 =	rddreg [dreg:$0x1];
	p0 =	sne.s32 s2, $0x0  }
0xfe: {  	s3 =	rddreg [dreg:$0x2];
	[bflag:$0x3] =	sbarrier.arrive $0xFFFF;
	s2 =	simm.s32 @!p0 $0x1C02  }
0xff: {  	[timem:s3], [sflag:s2] =	dma.local @!p0 [hbm:s0], s1  }
0x100: {  	s0 =	simm.s32 @!p0 $0x2  }
0x101: {  	_ =	swait.ge @!p0 [sflag:s0], s1  }
0x102: {  	s1 =	ssub.s32 @!p0 $0x0, s1;
	[sflag:s0] =	ssyncset.done @!p0 $0x0  }
0x103: {  	[sflag:s0] =	ssyncadd.s32 @!p0 s1  }
0x104: {  	[bflag:$0x3] =	sbarrier.arrive $0xFFFF  }
0x105: {  	_ =	shalt  }

</sc_bundles>
